<compile_context>
chip_gen: v7x
topology: tpu7x:2x2x1
jax: 0.10.2.dev20260603
libtpu: 0.0.44.dev20260713+nightly
codegen_flags: <defaults>
</compile_context>

<pallas_src>
import functools

import jax
import jax.numpy as jnp
import numpy as np
from jax import lax
from jax.experimental import pallas as pl
from jax.experimental.pallas import tpu as pltpu
from jax.experimental.pallas import tpu_sc as plsc

NC = 2
NS = 16
NW = NC * NS
LANES = 16

SEG_BATCH = 32


def _unpack_perm(D):
    parts = []
    for h in range(D // 32):
        base = h * 32
        parts.append(np.arange(base, base + 32, 2))
        parts.append(np.arange(base + 1, base + 32, 2))
    return np.concatenate(parts)


def _sc_weighted_segsum(key_flat, table_bf16, pe_perm, B, M, L, D):
    S = B * M
    segs_per_w = S // NW
    n_batches = segs_per_w // SEG_BATCH
    rows_per_batch = SEG_BATCH * L
    idx_chunks = rows_per_batch // 128
    idx_per_w = n_batches * idx_chunks * 128

    mesh = plsc.VectorSubcoreMesh(core_axis_name="c", subcore_axis_name="s")

    @functools.partial(
        pl.kernel,
        out_type=jax.ShapeDtypeStruct((S, D), jnp.float32),
        mesh=mesh,
        scratch_types=[
            pltpu.VMEM((idx_per_w,), jnp.int32),
            pltpu.VMEM((L, D), jnp.float32),
            pltpu.VMEM((2, rows_per_batch, D), jnp.bfloat16),
            pltpu.VMEM((2, SEG_BATCH, D), jnp.float32),
            pltpu.VMEM((2, SEG_BATCH), jnp.int32),
            pltpu.SemaphoreType.DMA,
            pltpu.SemaphoreType.DMA,
            pltpu.SemaphoreType.DMA,
            pltpu.SemaphoreType.DMA,
        ],
        compiler_params=pltpu.CompilerParams(
            use_tc_tiling_on_sc=False, needs_layout_passes=False
        ),
    )
    def k(key_hbm, table_hbm, pe_hbm, out_hbm, idx_v, pe_v, rows_v, out_v,
          oidx_v, sem0, sem1, osem0, osem1):
        wid = lax.axis_index("s") * NC + lax.axis_index("c")
        pltpu.sync_copy(key_hbm.at[pl.ds(wid * idx_per_w, idx_per_w)], idx_v)
        pltpu.sync_copy(pe_hbm, pe_v)
        sems = (sem0, sem1)
        osems = (osem0, osem1)
        iota16 = lax.iota(jnp.int32, LANES)

        def fire(b, slot):
            for j in range(idx_chunks):
                pltpu.async_copy(
                    table_hbm.at[idx_v.at[pl.ds((b * idx_chunks + j) * 128, 128)]],
                    rows_v.at[slot].at[pl.ds(j * 128, 128)],
                    sems[slot],
                )

        def drain(slot):
            pltpu.make_async_copy(
                table_hbm.at[pl.ds(0, rows_per_batch)],
                rows_v.at[slot],
                sems[slot],
            ).wait()

        def drain_out(slot):
            pltpu.make_async_copy(
                out_v.at[slot],
                out_hbm.at[pl.ds(0, SEG_BATCH)],
                osems[slot],
            ).wait()

        def compute(b, slot):
            @pl.when(b >= 2)
            def _(slot=slot):
                drain_out(slot)

            s0 = wid * segs_per_w + b * SEG_BATCH
            for h in range(SEG_BATCH // LANES):
                sv = iota16 + (s0 + h * LANES)
                rv = (sv % M) * B + sv // M
                oidx_v[slot, pl.ds(h * LANES, LANES)] = rv

            for c in range(D // 32):
                sl32 = pl.ds(c * 32, 32)
                pe_e = [pe_v[l, pl.ds(c * 32, LANES)] for l in range(L)]
                pe_o = [pe_v[l, pl.ds(c * 32 + LANES, LANES)] for l in range(L)]

                def seg_body(s, _, sl32=sl32, pe_e=pe_e, pe_o=pe_o, slot=slot,
                             c=c):
                    base = s * L
                    packed = rows_v[slot, base, sl32]
                    ev, od = plsc.unpack(
                        packed,
                        format=plsc.PackFormat.INTERLEAVED,
                        preferred_element_type=jnp.float32,
                    )
                    acc_e = pe_e[0] * ev
                    acc_o = pe_o[0] * od
                    for l in range(1, L):
                        packed = rows_v[slot, base + l, sl32]
                        ev, od = plsc.unpack(
                            packed,
                            format=plsc.PackFormat.INTERLEAVED,
                            preferred_element_type=jnp.float32,
                        )
                        acc_e = acc_e + pe_e[l] * ev
                        acc_o = acc_o + pe_o[l] * od
                    out_v[slot, s, pl.ds(c * 32, LANES)] = acc_e
                    out_v[slot, s, pl.ds(c * 32 + LANES, LANES)] = acc_o
                    return 0

                lax.fori_loop(0, SEG_BATCH, seg_body, 0)

            pltpu.async_copy(
                out_v.at[slot], out_hbm.at[oidx_v.at[slot]], osems[slot]
            )

        fire(0, 0)
        fire(1, 1)

        def pair_body(i, carry):
            b = i * 2
            for slot in range(2):
                drain(slot)
                compute(b + slot, slot)

                @pl.when(b + slot + 2 < n_batches)
                def _(b=b, slot=slot):
                    fire(b + slot + 2, slot)

            return carry

        lax.fori_loop(0, n_batches // 2, pair_body, 0)
        drain_out(0)
        drain_out(1)

    return k(key_flat, table_bf16, pe_perm)


def _tc_linear_t(x, w2, b_col, M, D, B):

    MB = 10

    def body(x_ref, w_ref, b_ref, o_ref):
        for j in range(MB):
            slab = lax.dot_general(
                w_ref[...], x_ref[pl.ds(j * B, B), :],
                dimension_numbers=(((1,), (1,)), ((), ())),
                preferred_element_type=jnp.float32,
            )
            o_ref[j] = slab + b_ref[...]

    return pl.pallas_call(
        body,
        grid=(M // MB,),
        in_specs=[
            pl.BlockSpec((MB * B, D), lambda i: (i, 0)),
            pl.BlockSpec((D, D), lambda i: (0, 0)),
            pl.BlockSpec((D, 1), lambda i: (0, 0)),
        ],
        out_specs=pl.BlockSpec((MB, D, B), lambda i: (i, 0, 0)),
        out_shape=jax.ShapeDtypeStruct((M, D, B), jnp.float32),
    )(x, w2, b_col)


def kernel(key, embedding_table, pe, A_w, A_b):
    B, M, L = key.shape
    V, D = embedding_table.shape
    S = B * M
    perm = _unpack_perm(D)
    P = np.zeros((D, D), dtype=np.float32)
    P[perm, np.arange(D)] = 1.0
    summed = _sc_weighted_segsum(
        key.reshape(S * L).astype(jnp.int32),
        embedding_table.astype(jnp.bfloat16),
        jnp.dot(pe, P),
        B, M, L, D,
    )
    y_t = _tc_linear_t(summed, jnp.dot(A_w, P), A_b.reshape(D, 1), M, D, B)
    return jnp.transpose(y_t, (2, 0, 1))

# --- scband reference (transcript-rebuilt; emitter-appended) ---
"""Pipeline reference for scband-key-encoder-88545045775130 (READ-ONLY COPY).

The authoritative reference and input builder live on the scoring server;
editing this copy changes nothing except your own understanding.
"""

import jax, jax.numpy as jnp
import numpy as np

VOCAB = 100000
N_EMBD = 64
B = 1024
M = 50
L = 20

def setup_inputs(seed: int = 0) -> dict:
    key = jax.random.key(seed)
    k1, k2, k3, k4, k5 = jax.random.split(key, 5)
    inputs = {}
    # forward arg: key indices [B, M, L]
    inputs["key"] = jax.random.randint(k1, (B, M, L), 0, VOCAB, dtype=jnp.int64 if jax.config.jax_enable_x64 else jnp.int32)
    # learned parameters
    inputs["embedding_table"] = jax.random.normal(k2, (VOCAB, N_EMBD), dtype=jnp.float32) * 0.02
    # position encoding broadcast over [B, M, L, n_embd]
    inputs["pe"] = jax.random.uniform(k3, (L, N_EMBD), dtype=jnp.float32)
    # linear layer A: n_embd -> n_embd
    inputs["A_w"] = jax.random.normal(k4, (N_EMBD, N_EMBD), dtype=jnp.float32) * (1.0 / np.sqrt(N_EMBD))
    inputs["A_b"] = jax.random.normal(k5, (N_EMBD,), dtype=jnp.float32) * 0.01
    return inputs

def reference(key, embedding_table, pe, A_w, A_b):
    # embedded = self.embedding(key)  -> [B, M, L, n_embd]
    embedded = jnp.take(embedding_table, key, axis=0)
    # embedded_with_position = embedded * pe (broadcast over [B, M])
    embedded_with_position = embedded * pe
    # sum over sentence-length dim (dim=2) -> [B, M, n_embd]
    summed = jnp.sum(embedded_with_position, axis=2)
    # A(summed): linear layer, torch convention y = x @ W^T + b
    out = summed @ A_w.T + A_b
    return out

if __name__ == "__main__":
    import jax
    _d = setup_inputs()
    print(jax.jit(kernel)(*tuple(_d.values())))

</pallas_src>

<mosaic_0001>
#map = affine_map<(d0, d1) -> (0)>
#map1 = affine_map<(d0, d1) -> (0, 0)>
module attributes {stable_mosaic.version = 14 : i64} {
  func.func @k(%arg0: i32, %arg1: i32, %arg2: memref<1024000xi32, #tpu.memory_space<hbm>>, %arg3: memref<100000x64xbf16, #tpu.memory_space<hbm>>, %arg4: memref<20x64xf32, #tpu.memory_space<hbm>>, %arg5: memref<51200x64xf32, #tpu.memory_space<hbm>>, %arg6: memref<32000xi32, #tpu.memory_space<vmem>>, %arg7: memref<20x64xf32, #tpu.memory_space<vmem>>, %arg8: memref<2x640x64xbf16, #tpu.memory_space<vmem>>, %arg9: memref<2x32x64xf32, #tpu.memory_space<vmem>>, %arg10: memref<2x32xi32, #tpu.memory_space<vmem>>, %arg11: memref<!tpu.dma_semaphore, #tpu.memory_space<semaphore_mem>>, %arg12: memref<!tpu.dma_semaphore, #tpu.memory_space<semaphore_mem>>, %arg13: memref<!tpu.dma_semaphore, #tpu.memory_space<semaphore_mem>>, %arg14: memref<!tpu.dma_semaphore, #tpu.memory_space<semaphore_mem>>) attributes {dimension_semantics = [#tpu.dimension_semantics<core_parallel>, #tpu.dimension_semantics<subcore_parallel>], iteration_bounds = array<i64: 2, 16>, scalar_prefetch = 0 : i64, scratch_operands = 9 : i64, tpu.core_type = #tpu.core_type<sc_vector_subcore>, window_params = [{transform_indices = #map}, {transform_indices = #map1}, {transform_indices = #map1}, {transform_indices = #map1}]} {
    %mul3A = arith.constant 2 : i32
    %mul3A_0 = arith.muli %arg1, %mul3A : i32
    %add3A = arith.addi %mul3A_0, %arg0 : i32
    %mul3A_1 = arith.constant 32000 : i32
    %mul3A_2 = arith.muli %add3A, %mul3A_1 : i32
    "tpu.region"() ({
      %run_scoped3A = tpu.sem_alloc : memref<!tpu.dma_semaphore, #tpu.memory_space<semaphore_mem>>
      %dma_start3A_166 = tpu.memref_slice %arg2[%mul3A_2] : memref<1024000xi32, #tpu.memory_space<hbm>> -> memref<32000xi32, #tpu.memory_space<hbm>>
      %dma_start3A_167 = tpu.memref_slice %arg2[%mul3A_2] : memref<1024000xi32, #tpu.memory_space<hbm>> -> memref<32000xi32, #tpu.memory_space<hbm>>
      tpu.enqueue_dma source(%dma_start3A_167 : memref<32000xi32, #tpu.memory_space<hbm>>) target(%arg6 : memref<32000xi32, #tpu.memory_space<vmem>>) target_semaphore(%run_scoped3A : memref<!tpu.dma_semaphore, #tpu.memory_space<semaphore_mem>>)
      %dma_wait3A_168 = tpu.memref_slice %arg2[%mul3A_2] : memref<1024000xi32, #tpu.memory_space<hbm>> -> memref<32000xi32, #tpu.memory_space<hbm>>
      %dma_wait3A_169 = tpu.memref_slice %arg2[%mul3A_2] : memref<1024000xi32, #tpu.memory_space<hbm>> -> memref<32000xi32, #tpu.memory_space<hbm>>
      tpu.wait_dma2 semaphore(%run_scoped3A : memref<!tpu.dma_semaphore, #tpu.memory_space<semaphore_mem>>) src(%dma_wait3A_169 : memref<32000xi32, #tpu.memory_space<hbm>>) dst(%arg6 : memref<32000xi32, #tpu.memory_space<vmem>>)
      tpu.yield
    }) : () -> ()
    "tpu.region"() ({
      %run_scoped3A = tpu.sem_alloc : memref<!tpu.dma_semaphore, #tpu.memory_space<semaphore_mem>>
      tpu.enqueue_dma source(%arg4 : memref<20x64xf32, #tpu.memory_space<hbm>>) target(%arg7 : memref<20x64xf32, #tpu.memory_space<vmem>>) target_semaphore(%run_scoped3A : memref<!tpu.dma_semaphore, #tpu.memory_space<semaphore_mem>>)
      tpu.wait_dma2 semaphore(%run_scoped3A : memref<!tpu.dma_semaphore, #tpu.memory_space<semaphore_mem>>) src(%arg4 : memref<20x64xf32, #tpu.memory_space<hbm>>) dst(%arg7 : memref<20x64xf32, #tpu.memory_space<vmem>>)
      tpu.yield
    }) : () -> ()
    %iota3A = tpu.iota {dimensions = array<i32: 0>} : vector<16xi32>
    %dma_start3A = arith.constant 0 : i32
    %dma_start3A_3 = arith.constant 0 : i32
    %dma_start3A_4 = arith.constant 0 : i32
    %dma_start3A_5 = tpu.memref_slice %arg8[%dma_start3A, %dma_start3A_3, %dma_start3A_4] : memref<2x640x64xbf16, #tpu.memory_space<vmem>> -> memref<1x640x64xbf16, #tpu.memory_space<vmem>>
    %dma_start3A_6 = tpu.memref_squeeze %dma_start3A_5 : memref<1x640x64xbf16, #tpu.memory_space<vmem>> -> memref<640x64xbf16, #tpu.memory_space<vmem>>
    %dma_start3A_7 = arith.constant 0 : i32
    %dma_start3A_8 = arith.constant 0 : i32
    %dma_start3A_9 = tpu.memref_slice %dma_start3A_6[%dma_start3A_7, %dma_start3A_8] : memref<640x64xbf16, #tpu.memory_space<vmem>> -> memref<128x64xbf16, #tpu.memory_space<vmem>>
    %dma_start3A_10 = arith.constant 0 : i32
    %dma_start3A_11 = tpu.memref_slice %arg6[%dma_start3A_10] : memref<32000xi32, #tpu.memory_space<vmem>> -> memref<128xi32, #tpu.memory_space<vmem>>
    %dma_start3A_12 = arith.constant 0 : i32
    %dma_start3A_13 = arith.constant 0 : i32
    %dma_start3A_14 = tpu.memref_slice %arg3[%dma_start3A_12, %dma_start3A_13] : memref<100000x64xbf16, #tpu.memory_space<hbm>> -> memref<100000x64xbf16, #tpu.memory_space<hbm>>
    tpu.enqueue_indirect_dma source(%dma_start3A_14 : memref<100000x64xbf16, #tpu.memory_space<hbm>>) target(%dma_start3A_9 : memref<128x64xbf16, #tpu.memory_space<vmem>>) offsets(%dma_start3A_11 : memref<128xi32, #tpu.memory_space<vmem>>) semaphore(%arg11 : memref<!tpu.dma_semaphore, #tpu.memory_space<semaphore_mem>>)
    %dma_start3A_15 = arith.constant 0 : i32
    %dma_start3A_16 = arith.constant 0 : i32
    %dma_start3A_17 = arith.constant 0 : i32
    %dma_start3A_18 = tpu.memref_slice %arg8[%dma_start3A_15, %dma_start3A_16, %dma_start3A_17] : memref<2x640x64xbf16, #tpu.memory_space<vmem>> -> memref<1x640x64xbf16, #tpu.memory_space<vmem>>
    %dma_start3A_19 = tpu.memref_squeeze %dma_start3A_18 : memref<1x640x64xbf16, #tpu.memory_space<vmem>> -> memref<640x64xbf16, #tpu.memory_space<vmem>>
    %dma_start3A_20 = arith.constant 128 : i32
    %dma_start3A_21 = arith.constant 0 : i32
    %dma_start3A_22 = tpu.memref_slice %dma_start3A_19[%dma_start3A_20, %dma_start3A_21] : memref<640x64xbf16, #tpu.memory_space<vmem>> -> memref<128x64xbf16, #tpu.memory_space<vmem>>
    %dma_start3A_23 = arith.constant 128 : i32
    %dma_start3A_24 = tpu.memref_slice %arg6[%dma_start3A_23] : memref<32000xi32, #tpu.memory_space<vmem>> -> memref<128xi32, #tpu.memory_space<vmem>>
    %dma_start3A_25 = arith.constant 0 : i32
    %dma_start3A_26 = arith.constant 0 : i32
    %dma_start3A_27 = tpu.memref_slice %arg3[%dma_start3A_25, %dma_start3A_26] : memref<100000x64xbf16, #tpu.memory_space<hbm>> -> memref<100000x64xbf16, #tpu.memory_space<hbm>>
    tpu.enqueue_indirect_dma source(%dma_start3A_27 : memref<100000x64xbf16, #tpu.memory_space<hbm>>) target(%dma_start3A_22 : memref<128x64xbf16, #tpu.memory_space<vmem>>) offsets(%dma_start3A_24 : memref<128xi32, #tpu.memory_space<vmem>>) semaphore(%arg11 : memref<!tpu.dma_semaphore, #tpu.memory_space<semaphore_mem>>)
    %dma_start3A_28 = arith.constant 0 : i32
    %dma_start3A_29 = arith.constant 0 : i32
    %dma_start3A_30 = arith.constant 0 : i32
    %dma_start3A_31 = tpu.memref_slice %arg8[%dma_start3A_28, %dma_start3A_29, %dma_start3A_30] : memref<2x640x64xbf16, #tpu.memory_space<vmem>> -> memref<1x640x64xbf16, #tpu.memory_space<vmem>>
    %dma_start3A_32 = tpu.memref_squeeze %dma_start3A_31 : memref<1x640x64xbf16, #tpu.memory_space<vmem>> -> memref<640x64xbf16, #tpu.memory_space<vmem>>
    %dma_start3A_33 = arith.constant 256 : i32
    %dma_start3A_34 = arith.constant 0 : i32
    %dma_start3A_35 = tpu.memref_slice %dma_start3A_32[%dma_start3A_33, %dma_start3A_34] : memref<640x64xbf16, #tpu.memory_space<vmem>> -> memref<128x64xbf16, #tpu.memory_space<vmem>>
    %dma_start3A_36 = arith.constant 256 : i32
    %dma_start3A_37 = tpu.memref_slice %arg6[%dma_start3A_36] : memref<32000xi32, #tpu.memory_space<vmem>> -> memref<128xi32, #tpu.memory_space<vmem>>
    %dma_start3A_38 = arith.constant 0 : i32
    %dma_start3A_39 = arith.constant 0 : i32
    %dma_start3A_40 = tpu.memref_slice %arg3[%dma_start3A_38, %dma_start3A_39] : memref<100000x64xbf16, #tpu.memory_space<hbm>> -> memref<100000x64xbf16, #tpu.memory_space<hbm>>
    tpu.enqueue_indirect_dma source(%dma_start3A_40 : memref<100000x64xbf16, #tpu.memory_space<hbm>>) target(%dma_start3A_35 : memref<128x64xbf16, #tpu.memory_space<vmem>>) offsets(%dma_start3A_37 : memref<128xi32, #tpu.memory_space<vmem>>) semaphore(%arg11 : memref<!tpu.dma_semaphore, #tpu.memory_space<semaphore_mem>>)
    %dma_start3A_41 = arith.constant 0 : i32
    %dma_start3A_42 = arith.constant 0 : i32
    %dma_start3A_43 = arith.constant 0 : i32
    %dma_start3A_44 = tpu.memref_slice %arg8[%dma_start3A_41, %dma_start3A_42, %dma_start3A_43] : memref<2x640x64xbf16, #tpu.memory_space<vmem>> -> memref<1x640x64xbf16, #tpu.memory_space<vmem>>
    %dma_start3A_45 = tpu.memref_squeeze %dma_start3A_44 : memref<1x640x64xbf16, #tpu.memory_space<vmem>> -> memref<640x64xbf16, #tpu.memory_space<vmem>>
    %dma_start3A_46 = arith.constant 384 : i32
    %dma_start3A_47 = arith.constant 0 : i32
    %dma_start3A_48 = tpu.memref_slice %dma_start3A_45[%dma_start3A_46, %dma_start3A_47] : memref<640x64xbf16, #tpu.memory_space<vmem>> -> memref<128x64xbf16, #tpu.memory_space<vmem>>
    %dma_start3A_49 = arith.constant 384 : i32
    %dma_start3A_50 = tpu.memref_slice %arg6[%dma_start3A_49] : memref<32000xi32, #tpu.memory_space<vmem>> -> memref<128xi32, #tpu.memory_space<vmem>>
    %dma_start3A_51 = arith.constant 0 : i32
    %dma_start3A_52 = arith.constant 0 : i32
    %dma_start3A_53 = tpu.memref_slice %arg3[%dma_start3A_51, %dma_start3A_52] : memref<100000x64xbf16, #tpu.memory_space<hbm>> -> memref<100000x64xbf16, #tpu.memory_space<hbm>>
    tpu.enqueue_indirect_dma source(%dma_start3A_53 : memref<100000x64xbf16, #tpu.memory_space<hbm>>) target(%dma_start3A_48 : memref<128x64xbf16, #tpu.memory_space<vmem>>) offsets(%dma_start3A_50 : memref<128xi32, #tpu.memory_space<vmem>>) semaphore(%arg11 : memref<!tpu.dma_semaphore, #tpu.memory_space<semaphore_mem>>)
    %dma_start3A_54 = arith.constant 0 : i32
    %dma_start3A_55 = arith.constant 0 : i32
    %dma_start3A_56 = arith.constant 0 : i32
    %dma_start3A_57 = tpu.memref_slice %arg8[%dma_start3A_54, %dma_start3A_55, %dma_start3A_56] : memref<2x640x64xbf16, #tpu.memory_space<vmem>> -> memref<1x640x64xbf16, #tpu.memory_space<vmem>>
    %dma_start3A_58 = tpu.memref_squeeze %dma_start3A_57 : memref<1x640x64xbf16, #tpu.memory_space<vmem>> -> memref<640x64xbf16, #tpu.memory_space<vmem>>
    %dma_start3A_59 = arith.constant 512 : i32
    %dma_start3A_60 = arith.constant 0 : i32
    %dma_start3A_61 = tpu.memref_slice %dma_start3A_58[%dma_start3A_59, %dma_start3A_60] : memref<640x64xbf16, #tpu.memory_space<vmem>> -> memref<128x64xbf16, #tpu.memory_space<vmem>>
    %dma_start3A_62 = arith.constant 512 : i32
    %dma_start3A_63 = tpu.memref_slice %arg6[%dma_start3A_62] : memref<32000xi32, #tpu.memory_space<vmem>> -> memref<128xi32, #tpu.memory_space<vmem>>
    %dma_start3A_64 = arith.constant 0 : i32
    %dma_start3A_65 = arith.constant 0 : i32
    %dma_start3A_66 = tpu.memref_slice %arg3[%dma_start3A_64, %dma_start3A_65] : memref<100000x64xbf16, #tpu.memory_space<hbm>> -> memref<100000x64xbf16, #tpu.memory_space<hbm>>
    tpu.enqueue_indirect_dma source(%dma_start3A_66 : memref<100000x64xbf16, #tpu.memory_space<hbm>>) target(%dma_start3A_61 : memref<128x64xbf16, #tpu.memory_space<vmem>>) offsets(%dma_start3A_63 : memref<128xi32, #tpu.memory_space<vmem>>) semaphore(%arg11 : memref<!tpu.dma_semaphore, #tpu.memory_space<semaphore_mem>>)
    %dma_start3A_67 = arith.constant 1 : i32
    %dma_start3A_68 = arith.constant 0 : i32
    %dma_start3A_69 = arith.constant 0 : i32
    %dma_start3A_70 = tpu.memref_slice %arg8[%dma_start3A_67, %dma_start3A_68, %dma_start3A_69] : memref<2x640x64xbf16, #tpu.memory_space<vmem>> -> memref<1x640x64xbf16, #tpu.memory_space<vmem>>
    %dma_start3A_71 = tpu.memref_squeeze %dma_start3A_70 : memref<1x640x64xbf16, #tpu.memory_space<vmem>> -> memref<640x64xbf16, #tpu.memory_space<vmem>>
    %dma_start3A_72 = arith.constant 0 : i32
    %dma_start3A_73 = arith.constant 0 : i32
    %dma_start3A_74 = tpu.memref_slice %dma_start3A_71[%dma_start3A_72, %dma_start3A_73] : memref<640x64xbf16, #tpu.memory_space<vmem>> -> memref<128x64xbf16, #tpu.memory_space<vmem>>
    %dma_start3A_75 = arith.constant 640 : i32
    %dma_start3A_76 = tpu.memref_slice %arg6[%dma_start3A_75] : memref<32000xi32, #tpu.memory_space<vmem>> -> memref<128xi32, #tpu.memory_space<vmem>>
    %dma_start3A_77 = arith.constant 0 : i32
    %dma_start3A_78 = arith.constant 0 : i32
    %dma_start3A_79 = tpu.memref_slice %arg3[%dma_start3A_77, %dma_start3A_78] : memref<100000x64xbf16, #tpu.memory_space<hbm>> -> memref<100000x64xbf16, #tpu.memory_space<hbm>>
    tpu.enqueue_indirect_dma source(%dma_start3A_79 : memref<100000x64xbf16, #tpu.memory_space<hbm>>) target(%dma_start3A_74 : memref<128x64xbf16, #tpu.memory_space<vmem>>) offsets(%dma_start3A_76 : memref<128xi32, #tpu.memory_space<vmem>>) semaphore(%arg12 : memref<!tpu.dma_semaphore, #tpu.memory_space<semaphore_mem>>)
    %dma_start3A_80 = arith.constant 1 : i32
    %dma_start3A_81 = arith.constant 0 : i32
    %dma_start3A_82 = arith.constant 0 : i32
    %dma_start3A_83 = tpu.memref_slice %arg8[%dma_start3A_80, %dma_start3A_81, %dma_start3A_82] : memref<2x640x64xbf16, #tpu.memory_space<vmem>> -> memref<1x640x64xbf16, #tpu.memory_space<vmem>>
    %dma_start3A_84 = tpu.memref_squeeze %dma_start3A_83 : memref<1x640x64xbf16, #tpu.memory_space<vmem>> -> memref<640x64xbf16, #tpu.memory_space<vmem>>
    %dma_start3A_85 = arith.constant 128 : i32
    %dma_start3A_86 = arith.constant 0 : i32
    %dma_start3A_87 = tpu.memref_slice %dma_start3A_84[%dma_start3A_85, %dma_start3A_86] : memref<640x64xbf16, #tpu.memory_space<vmem>> -> memref<128x64xbf16, #tpu.memory_space<vmem>>
    %dma_start3A_88 = arith.constant 768 : i32
    %dma_start3A_89 = tpu.memref_slice %arg6[%dma_start3A_88] : memref<32000xi32, #tpu.memory_space<vmem>> -> memref<128xi32, #tpu.memory_space<vmem>>
    %dma_start3A_90 = arith.constant 0 : i32
    %dma_start3A_91 = arith.constant 0 : i32
    %dma_start3A_92 = tpu.memref_slice %arg3[%dma_start3A_90, %dma_start3A_91] : memref<100000x64xbf16, #tpu.memory_space<hbm>> -> memref<100000x64xbf16, #tpu.memory_space<hbm>>
    tpu.enqueue_indirect_dma source(%dma_start3A_92 : memref<100000x64xbf16, #tpu.memory_space<hbm>>) target(%dma_start3A_87 : memref<128x64xbf16, #tpu.memory_space<vmem>>) offsets(%dma_start3A_89 : memref<128xi32, #tpu.memory_space<vmem>>) semaphore(%arg12 : memref<!tpu.dma_semaphore, #tpu.memory_space<semaphore_mem>>)
    %dma_start3A_93 = arith.constant 1 : i32
    %dma_start3A_94 = arith.constant 0 : i32
    %dma_start3A_95 = arith.constant 0 : i32
    %dma_start3A_96 = tpu.memref_slice %arg8[%dma_start3A_93, %dma_start3A_94, %dma_start3A_95] : memref<2x640x64xbf16, #tpu.memory_space<vmem>> -> memref<1x640x64xbf16, #tpu.memory_space<vmem>>
    %dma_start3A_97 = tpu.memref_squeeze %dma_start3A_96 : memref<1x640x64xbf16, #tpu.memory_space<vmem>> -> memref<640x64xbf16, #tpu.memory_space<vmem>>
    %dma_start3A_98 = arith.constant 256 : i32
    %dma_start3A_99 = arith.constant 0 : i32
    %dma_start3A_100 = tpu.memref_slice %dma_start3A_97[%dma_start3A_98, %dma_start3A_99] : memref<640x64xbf16, #tpu.memory_space<vmem>> -> memref<128x64xbf16, #tpu.memory_space<vmem>>
    %dma_start3A_101 = arith.constant 896 : i32
    %dma_start3A_102 = tpu.memref_slice %arg6[%dma_start3A_101] : memref<32000xi32, #tpu.memory_space<vmem>> -> memref<128xi32, #tpu.memory_space<vmem>>
    %dma_start3A_103 = arith.constant 0 : i32
    %dma_start3A_104 = arith.constant 0 : i32
    %dma_start3A_105 = tpu.memref_slice %arg3[%dma_start3A_103, %dma_start3A_104] : memref<100000x64xbf16, #tpu.memory_space<hbm>> -> memref<100000x64xbf16, #tpu.memory_space<hbm>>
    tpu.enqueue_indirect_dma source(%dma_start3A_105 : memref<100000x64xbf16, #tpu.memory_space<hbm>>) target(%dma_start3A_100 : memref<128x64xbf16, #tpu.memory_space<vmem>>) offsets(%dma_start3A_102 : memref<128xi32, #tpu.memory_space<vmem>>) semaphore(%arg12 : memref<!tpu.dma_semaphore, #tpu.memory_space<semaphore_mem>>)
    %dma_start3A_106 = arith.constant 1 : i32
    %dma_start3A_107 = arith.constant 0 : i32
    %dma_start3A_108 = arith.constant 0 : i32
    %dma_start3A_109 = tpu.memref_slice %arg8[%dma_start3A_106, %dma_start3A_107, %dma_start3A_108] : memref<2x640x64xbf16, #tpu.memory_space<vmem>> -> memref<1x640x64xbf16, #tpu.memory_space<vmem>>
    %dma_start3A_110 = tpu.memref_squeeze %dma_start3A_109 : memref<1x640x64xbf16, #tpu.memory_space<vmem>> -> memref<640x64xbf16, #tpu.memory_space<vmem>>
    %dma_start3A_111 = arith.constant 384 : i32
    %dma_start3A_112 = arith.constant 0 : i32
    %dma_start3A_113 = tpu.memref_slice %dma_start3A_110[%dma_start3A_111, %dma_start3A_112] : memref<640x64xbf16, #tpu.memory_space<vmem>> -> memref<128x64xbf16, #tpu.memory_space<vmem>>
    %dma_start3A_114 = arith.constant 1024 : i32
    %dma_start3A_115 = tpu.memref_slice %arg6[%dma_start3A_114] : memref<32000xi32, #tpu.memory_space<vmem>> -> memref<128xi32, #tpu.memory_space<vmem>>
    %dma_start3A_116 = arith.constant 0 : i32
    %dma_start3A_117 = arith.constant 0 : i32
    %dma_start3A_118 = tpu.memref_slice %arg3[%dma_start3A_116, %dma_start3A_117] : memref<100000x64xbf16, #tpu.memory_space<hbm>> -> memref<100000x64xbf16, #tpu.memory_space<hbm>>
    tpu.enqueue_indirect_dma source(%dma_start3A_118 : memref<100000x64xbf16, #tpu.memory_space<hbm>>) target(%dma_start3A_113 : memref<128x64xbf16, #tpu.memory_space<vmem>>) offsets(%dma_start3A_115 : memref<128xi32, #tpu.memory_space<vmem>>) semaphore(%arg12 : memref<!tpu.dma_semaphore, #tpu.memory_space<semaphore_mem>>)
    %dma_start3A_119 = arith.constant 1 : i32
    %dma_start3A_120 = arith.constant 0 : i32
    %dma_start3A_121 = arith.constant 0 : i32
    %dma_start3A_122 = tpu.memref_slice %arg8[%dma_start3A_119, %dma_start3A_120, %dma_start3A_121] : memref<2x640x64xbf16, #tpu.memory_space<vmem>> -> memref<1x640x64xbf16, #tpu.memory_space<vmem>>
    %dma_start3A_123 = tpu.memref_squeeze %dma_start3A_122 : memref<1x640x64xbf16, #tpu.memory_space<vmem>> -> memref<640x64xbf16, #tpu.memory_space<vmem>>
    %dma_start3A_124 = arith.constant 512 : i32
    %dma_start3A_125 = arith.constant 0 : i32
    %dma_start3A_126 = tpu.memref_slice %dma_start3A_123[%dma_start3A_124, %dma_start3A_125] : memref<640x64xbf16, #tpu.memory_space<vmem>> -> memref<128x64xbf16, #tpu.memory_space<vmem>>
    %dma_start3A_127 = arith.constant 1152 : i32
    %dma_start3A_128 = tpu.memref_slice %arg6[%dma_start3A_127] : memref<32000xi32, #tpu.memory_space<vmem>> -> memref<128xi32, #tpu.memory_space<vmem>>
    %dma_start3A_129 = arith.constant 0 : i32
    %dma_start3A_130 = arith.constant 0 : i32
    %dma_start3A_131 = tpu.memref_slice %arg3[%dma_start3A_129, %dma_start3A_130] : memref<100000x64xbf16, #tpu.memory_space<hbm>> -> memref<100000x64xbf16, #tpu.memory_space<hbm>>
    tpu.enqueue_indirect_dma source(%dma_start3A_131 : memref<100000x64xbf16, #tpu.memory_space<hbm>>) target(%dma_start3A_126 : memref<128x64xbf16, #tpu.memory_space<vmem>>) offsets(%dma_start3A_128 : memref<128xi32, #tpu.memory_space<vmem>>) semaphore(%arg12 : memref<!tpu.dma_semaphore, #tpu.memory_space<semaphore_mem>>)
    %scan3A = arith.constant 0 : i32
    %scan3A_132 = arith.constant 0 : i32
    %scan3A_133 = arith.constant 25 : i32
    %scan3A_134 = arith.addi %scan3A_132, %scan3A_133 : i32
    %scan3A_135 = arith.constant 1 : i32
    scf.for %scan3A_166 = %scan3A_132 to %scan3A_134 step %scan3A_135  : i32 {
      %mul3A_167 = arith.constant 2 : i32
      %mul3A_168 = arith.muli %scan3A_166, %mul3A_167 : i32
      %dma_wait3A_169 = arith.constant 0 : i32
      %dma_wait3A_170 = arith.constant 0 : i32
      %dma_wait3A_171 = arith.constant 0 : i32
      %dma_wait3A_172 = tpu.memref_slice %arg8[%dma_wait3A_169, %dma_wait3A_170, %dma_wait3A_171] : memref<2x640x64xbf16, #tpu.memory_space<vmem>> -> memref<1x640x64xbf16, #tpu.memory_space<vmem>>
      %dma_wait3A_173 = tpu.memref_squeeze %dma_wait3A_172 : memref<1x640x64xbf16, #tpu.memory_space<vmem>> -> memref<640x64xbf16, #tpu.memory_space<vmem>>
      %dma_wait3A_174 = arith.constant 0 : i32
      %dma_wait3A_175 = arith.constant 0 : i32
      %dma_wait3A_176 = tpu.memref_slice %arg3[%dma_wait3A_174, %dma_wait3A_175] : memref<100000x64xbf16, #tpu.memory_space<hbm>> -> memref<640x64xbf16, #tpu.memory_space<hbm>>
      %dma_wait3A_177 = arith.constant 0 : i32
      %dma_wait3A_178 = arith.constant 0 : i32
      %dma_wait3A_179 = tpu.memref_slice %arg8[%dma_wait3A_169, %dma_wait3A_177, %dma_wait3A_178] : memref<2x640x64xbf16, #tpu.memory_space<vmem>> -> memref<1x640x64xbf16, #tpu.memory_space<vmem>>
      %dma_wait3A_180 = tpu.memref_squeeze %dma_wait3A_179 : memref<1x640x64xbf16, #tpu.memory_space<vmem>> -> memref<640x64xbf16, #tpu.memory_space<vmem>>
      %dma_wait3A_181 = arith.constant 0 : i32
      %dma_wait3A_182 = arith.constant 0 : i32
      %dma_wait3A_183 = tpu.memref_slice %arg3[%dma_wait3A_181, %dma_wait3A_182] : memref<100000x64xbf16, #tpu.memory_space<hbm>> -> memref<640x64xbf16, #tpu.memory_space<hbm>>
      tpu.wait_dma2 semaphore(%arg11 : memref<!tpu.dma_semaphore, #tpu.memory_space<semaphore_mem>>) src(%dma_wait3A_183 : memref<640x64xbf16, #tpu.memory_space<hbm>>) dst(%dma_wait3A_180 : memref<640x64xbf16, #tpu.memory_space<vmem>>)
      %add3A_184 = arith.constant 0 : i32
      %add3A_185 = arith.addi %mul3A_168, %add3A_184 : i32
      %ge3A = arith.constant 2 : i32
      %ge3A_186 = arith.cmpi sge, %add3A_185, %ge3A : i32
      %convert_element_type3A = arith.extui %ge3A_186 : i1 to i32
      %cond3A = arith.constant 0 : i32
      %cond3A_187 = arith.cmpi ne, %convert_element_type3A, %cond3A : i32
      scf.if %cond3A_187 {
        %dma_wait3A_1178 = arith.constant 0 : i32
        %dma_wait3A_1179 = arith.constant 0 : i32
        %dma_wait3A_1180 = arith.constant 0 : i32
        %dma_wait3A_1181 = tpu.memref_slice %arg9[%dma_wait3A_1178, %dma_wait3A_1179, %dma_wait3A_1180] : memref<2x32x64xf32, #tpu.memory_space<vmem>> -> memref<1x32x64xf32, #tpu.memory_space<vmem>>
        %dma_wait3A_1182 = tpu.memref_squeeze %dma_wait3A_1181 : memref<1x32x64xf32, #tpu.memory_space<vmem>> -> memref<32x64xf32, #tpu.memory_space<vmem>>
        %dma_wait3A_1183 = arith.constant 0 : i32
        %dma_wait3A_1184 = arith.constant 0 : i32
        %dma_wait3A_1185 = tpu.memref_slice %arg5[%dma_wait3A_1183, %dma_wait3A_1184] : memref<51200x64xf32, #tpu.memory_space<hbm>> -> memref<32x64xf32, #tpu.memory_space<hbm>>
        %dma_wait3A_1186 = arith.constant 0 : i32
        %dma_wait3A_1187 = arith.constant 0 : i32
        %dma_wait3A_1188 = tpu.memref_slice %arg5[%dma_wait3A_1186, %dma_wait3A_1187] : memref<51200x64xf32, #tpu.memory_space<hbm>> -> memref<32x64xf32, #tpu.memory_space<hbm>>
        %dma_wait3A_1189 = arith.constant 0 : i32
        %dma_wait3A_1190 = arith.constant 0 : i32
        %dma_wait3A_1191 = tpu.memref_slice %arg9[%dma_wait3A_1178, %dma_wait3A_1189, %dma_wait3A_1190] : memref<2x32x64xf32, #tpu.memory_space<vmem>> -> memref<1x32x64xf32, #tpu.memory_space<vmem>>
        %dma_wait3A_1192 = tpu.memref_squeeze %dma_wait3A_1191 : memref<1x32x64xf32, #tpu.memory_space<vmem>> -> memref<32x64xf32, #tpu.memory_space<vmem>>
        tpu.wait_dma2 semaphore(%arg13 : memref<!tpu.dma_semaphore, #tpu.memory_space<semaphore_mem>>) src(%dma_wait3A_1192 : memref<32x64xf32, #tpu.memory_space<vmem>>) dst(%dma_wait3A_1188 : memref<32x64xf32, #tpu.memory_space<hbm>>)
      } else {
      }
      %mul3A_188 = arith.constant 1600 : i32
      %mul3A_189 = arith.muli %add3A, %mul3A_188 : i32
      %mul3A_190 = arith.constant 32 : i32
      %mul3A_191 = arith.muli %add3A_185, %mul3A_190 : i32
      %add3A_192 = arith.addi %mul3A_189, %mul3A_191 : i32
      %add3A_193 = arith.constant 0 : i32
      %add3A_194 = arith.addi %add3A_192, %add3A_193 : i32
      %add3A_195 = vector.broadcast %add3A_194 : i32 to vector<16xi32>
      %add3A_196 = arith.addi %iota3A, %add3A_195 : vector<16xi32>
      %jit3A = arith.constant 50 : i32
      %eq3A = arith.constant 0 : i32
      %eq3A_197 = arith.cmpi eq, %jit3A, %eq3A : i32
      %jit3A_198 = arith.constant 1 : i32
      %select_n3A = arith.select %eq3A_197, %jit3A_198, %jit3A : i32
      %rem3A = vector.broadcast %select_n3A : i32 to vector<16xi32>
      %rem3A_199 = arith.remsi %add3A_196, %rem3A : vector<16xi32>
      %ne3A = arith.constant 0 : i32
      %ne3A_200 = vector.broadcast %ne3A : i32 to vector<16xi32>
      %ne3A_201 = arith.cmpi ne, %rem3A_199, %ne3A_200 : vector<16xi32>
      %lt3A = arith.constant 0 : i32
      %lt3A_202 = vector.broadcast %lt3A : i32 to vector<16xi32>
      %lt3A_203 = arith.cmpi slt, %rem3A_199, %lt3A_202 : vector<16xi32>
      %lt3A_204 = arith.constant 0 : i32
      %lt3A_205 = arith.cmpi slt, %select_n3A, %lt3A_204 : i32
      %ne3A_206 = vector.broadcast %lt3A_205 : i1 to vector<16xi1>
      %ne3A_207 = vector.broadcast %ne3A_206 : vector<16xi1> to vector<16xi1>
      %ne3A_208 = arith.xori %lt3A_203, %ne3A_207 : vector<16xi1>
      %and3A = arith.andi %ne3A_208, %ne3A_201 : vector<16xi1>
      %add3A_209 = vector.broadcast %select_n3A : i32 to vector<16xi32>
      %add3A_210 = arith.addi %rem3A_199, %add3A_209 : vector<16xi32>
      %select_n3A_211 = arith.select %and3A, %add3A_210, %rem3A_199 : vector<16xi1>, vector<16xi32>
      %mul3A_212 = arith.constant 1024 : i32
      %mul3A_213 = vector.broadcast %mul3A_212 : i32 to vector<16xi32>
      %mul3A_214 = arith.muli %select_n3A_211, %mul3A_213 : vector<16xi32>
      %jit3A_215 = arith.constant 50 : i32
      %div3A = vector.broadcast %jit3A_215 : i32 to vector<16xi32>
      %div3A_216 = arith.divsi %add3A_196, %div3A : vector<16xi32>
      %sign3A = arith.constant 0 : i32
      %sign3A_217 = vector.broadcast %sign3A : i32 to vector<16xi32>
      %sign3A_218 = arith.cmpi sgt, %add3A_196, %sign3A_217 : vector<16xi32>
      %sign3A_219 = arith.extui %sign3A_218 : vector<16xi1> to vector<16xi32>
      %sign3A_220 = arith.constant 0 : i32
      %sign3A_221 = vector.broadcast %sign3A_220 : i32 to vector<16xi32>
      %sign3A_222 = arith.cmpi slt, %add3A_196, %sign3A_221 : vector<16xi32>
      %sign3A_223 = arith.extui %sign3A_222 : vector<16xi1> to vector<16xi32>
      %sign3A_224 = arith.subi %sign3A_219, %sign3A_223 : vector<16xi32>
      %sign3A_225 = arith.constant 0 : i32
      %sign3A_226 = arith.cmpi sgt, %jit3A_215, %sign3A_225 : i32
      %sign3A_227 = arith.extui %sign3A_226 : i1 to i32
      %sign3A_228 = arith.constant 0 : i32
      %sign3A_229 = arith.cmpi slt, %jit3A_215, %sign3A_228 : i32
      %sign3A_230 = arith.extui %sign3A_229 : i1 to i32
      %sign3A_231 = arith.subi %sign3A_227, %sign3A_230 : i32
      %ne3A_232 = vector.broadcast %sign3A_231 : i32 to vector<16xi32>
      %ne3A_233 = arith.cmpi ne, %sign3A_224, %ne3A_232 : vector<16xi32>
      %rem3A_234 = vector.broadcast %jit3A_215 : i32 to vector<16xi32>
      %rem3A_235 = arith.remsi %add3A_196, %rem3A_234 : vector<16xi32>
      %ne3A_236 = arith.constant 0 : i32
      %ne3A_237 = vector.broadcast %ne3A_236 : i32 to vector<16xi32>
      %ne3A_238 = arith.cmpi ne, %rem3A_235, %ne3A_237 : vector<16xi32>
      %and3A_239 = arith.andi %ne3A_233, %ne3A_238 : vector<16xi1>
      %sub3A = arith.constant 1 : i32
      %sub3A_240 = vector.broadcast %sub3A : i32 to vector<16xi32>
      %sub3A_241 = arith.subi %div3A_216, %sub3A_240 : vector<16xi32>
      %select_n3A_242 = arith.select %and3A_239, %sub3A_241, %div3A_216 : vector<16xi1>, vector<16xi32>
      %add3A_243 = arith.addi %mul3A_214, %select_n3A_242 : vector<16xi32>
      %swap3A = arith.constant 0 : i32
      %swap3A_244 = arith.index_cast %swap3A : i32 to index
      %swap3A_245 = arith.constant 0 : index
      %swap3A_246 = tpu.vector_load %arg10[%swap3A_244, %swap3A_245] {strides = array<i32>} : memref<2x32xi32, #tpu.memory_space<vmem>>, vector<16xi32>,
      tpu.vector_store %arg10[%swap3A_244, %swap3A_245], %add3A_243 {strides = array<i32>} : memref<2x32xi32, #tpu.memory_space<vmem>>, vector<16xi32>,
      %add3A_247 = arith.constant 16 : i32
      %add3A_248 = arith.addi %add3A_192, %add3A_247 : i32
      %add3A_249 = vector.broadcast %add3A_248 : i32 to vector<16xi32>
      %add3A_250 = arith.addi %iota3A, %add3A_249 : vector<16xi32>
      %jit3A_251 = arith.constant 50 : i32
      %eq3A_252 = arith.constant 0 : i32
      %eq3A_253 = arith.cmpi eq, %jit3A_251, %eq3A_252 : i32
      %jit3A_254 = arith.constant 1 : i32
      %select_n3A_255 = arith.select %eq3A_253, %jit3A_254, %jit3A_251 : i32
      %rem3A_256 = vector.broadcast %select_n3A_255 : i32 to vector<16xi32>
      %rem3A_257 = arith.remsi %add3A_250, %rem3A_256 : vector<16xi32>
      %ne3A_258 = arith.constant 0 : i32
      %ne3A_259 = vector.broadcast %ne3A_258 : i32 to vector<16xi32>
      %ne3A_260 = arith.cmpi ne, %rem3A_257, %ne3A_259 : vector<16xi32>
      %lt3A_261 = arith.constant 0 : i32
      %lt3A_262 = vector.broadcast %lt3A_261 : i32 to vector<16xi32>
      %lt3A_263 = arith.cmpi slt, %rem3A_257, %lt3A_262 : vector<16xi32>
      %lt3A_264 = arith.constant 0 : i32
      %lt3A_265 = arith.cmpi slt, %select_n3A_255, %lt3A_264 : i32
      %ne3A_266 = vector.broadcast %lt3A_265 : i1 to vector<16xi1>
      %ne3A_267 = vector.broadcast %ne3A_266 : vector<16xi1> to vector<16xi1>
      %ne3A_268 = arith.xori %lt3A_263, %ne3A_267 : vector<16xi1>
      %and3A_269 = arith.andi %ne3A_268, %ne3A_260 : vector<16xi1>
      %add3A_270 = vector.broadcast %select_n3A_255 : i32 to vector<16xi32>
      %add3A_271 = arith.addi %rem3A_257, %add3A_270 : vector<16xi32>
      %select_n3A_272 = arith.select %and3A_269, %add3A_271, %rem3A_257 : vector<16xi1>, vector<16xi32>
      %mul3A_273 = arith.constant 1024 : i32
      %mul3A_274 = vector.broadcast %mul3A_273 : i32 to vector<16xi32>
      %mul3A_275 = arith.muli %select_n3A_272, %mul3A_274 : vector<16xi32>
      %jit3A_276 = arith.constant 50 : i32
      %div3A_277 = vector.broadcast %jit3A_276 : i32 to vector<16xi32>
      %div3A_278 = arith.divsi %add3A_250, %div3A_277 : vector<16xi32>
      %sign3A_279 = arith.constant 0 : i32
      %sign3A_280 = vector.broadcast %sign3A_279 : i32 to vector<16xi32>
      %sign3A_281 = arith.cmpi sgt, %add3A_250, %sign3A_280 : vector<16xi32>
      %sign3A_282 = arith.extui %sign3A_281 : vector<16xi1> to vector<16xi32>
      %sign3A_283 = arith.constant 0 : i32
      %sign3A_284 = vector.broadcast %sign3A_283 : i32 to vector<16xi32>
      %sign3A_285 = arith.cmpi slt, %add3A_250, %sign3A_284 : vector<16xi32>
      %sign3A_286 = arith.extui %sign3A_285 : vector<16xi1> to vector<16xi32>
      %sign3A_287 = arith.subi %sign3A_282, %sign3A_286 : vector<16xi32>
      %sign3A_288 = arith.constant 0 : i32
      %sign3A_289 = arith.cmpi sgt, %jit3A_276, %sign3A_288 : i32
      %sign3A_290 = arith.extui %sign3A_289 : i1 to i32
      %sign3A_291 = arith.constant 0 : i32
      %sign3A_292 = arith.cmpi slt, %jit3A_276, %sign3A_291 : i32
      %sign3A_293 = arith.extui %sign3A_292 : i1 to i32
      %sign3A_294 = arith.subi %sign3A_290, %sign3A_293 : i32
      %ne3A_295 = vector.broadcast %sign3A_294 : i32 to vector<16xi32>
      %ne3A_296 = arith.cmpi ne, %sign3A_287, %ne3A_295 : vector<16xi32>
      %rem3A_297 = vector.broadcast %jit3A_276 : i32 to vector<16xi32>
      %rem3A_298 = arith.remsi %add3A_250, %rem3A_297 : vector<16xi32>
      %ne3A_299 = arith.constant 0 : i32
      %ne3A_300 = vector.broadcast %ne3A_299 : i32 to vector<16xi32>
      %ne3A_301 = arith.cmpi ne, %rem3A_298, %ne3A_300 : vector<16xi32>
      %and3A_302 = arith.andi %ne3A_296, %ne3A_301 : vector<16xi1>
      %sub3A_303 = arith.constant 1 : i32
      %sub3A_304 = vector.broadcast %sub3A_303 : i32 to vector<16xi32>
      %sub3A_305 = arith.subi %div3A_278, %sub3A_304 : vector<16xi32>
      %select_n3A_306 = arith.select %and3A_302, %sub3A_305, %div3A_278 : vector<16xi1>, vector<16xi32>
      %add3A_307 = arith.addi %mul3A_275, %select_n3A_306 : vector<16xi32>
      %swap3A_308 = arith.constant 0 : i32
      %swap3A_309 = arith.index_cast %swap3A_308 : i32 to index
      %swap3A_310 = arith.constant 16 : index
      %swap3A_311 = tpu.vector_load %arg10[%swap3A_309, %swap3A_310] {strides = array<i32>} : memref<2x32xi32, #tpu.memory_space<vmem>>, vector<16xi32>,
      tpu.vector_store %arg10[%swap3A_309, %swap3A_310], %add3A_307 {strides = array<i32>} : memref<2x32xi32, #tpu.memory_space<vmem>>, vector<16xi32>,
      %get3A = arith.constant 0 : i32
      %get3A_312 = arith.index_cast %get3A : i32 to index
      %get3A_313 = arith.constant 0 : index
      %get3A_314 = tpu.vector_load %arg7[%get3A_312, %get3A_313] {strides = array<i32>} : memref<20x64xf32, #tpu.memory_space<vmem>>, vector<16xf32>,
      %get3A_315 = arith.constant 1 : i32
      %get3A_316 = arith.index_cast %get3A_315 : i32 to index
      %get3A_317 = arith.constant 0 : index
      %get3A_318 = tpu.vector_load %arg7[%get3A_316, %get3A_317] {strides = array<i32>} : memref<20x64xf32, #tpu.memory_space<vmem>>, vector<16xf32>,
      %get3A_319 = arith.constant 2 : i32
      %get3A_320 = arith.index_cast %get3A_319 : i32 to index
      %get3A_321 = arith.constant 0 : index
      %get3A_322 = tpu.vector_load %arg7[%get3A_320, %get3A_321] {strides = array<i32>} : memref<20x64xf32, #tpu.memory_space<vmem>>, vector<16xf32>,
      %get3A_323 = arith.constant 3 : i32
      %get3A_324 = arith.index_cast %get3A_323 : i32 to index
      %get3A_325 = arith.constant 0 : index
      %get3A_326 = tpu.vector_load %arg7[%get3A_324, %get3A_325] {strides = array<i32>} : memref<20x64xf32, #tpu.memory_space<vmem>>, vector<16xf32>,
      %get3A_327 = arith.constant 4 : i32
      %get3A_328 = arith.index_cast %get3A_327 : i32 to index
      %get3A_329 = arith.constant 0 : index
      %get3A_330 = tpu.vector_load %arg7[%get3A_328, %get3A_329] {strides = array<i32>} : memref<20x64xf32, #tpu.memory_space<vmem>>, vector<16xf32>,
      %get3A_331 = arith.constant 5 : i32
      %get3A_332 = arith.index_cast %get3A_331 : i32 to index
      %get3A_333 = arith.constant 0 : index
      %get3A_334 = tpu.vector_load %arg7[%get3A_332, %get3A_333] {strides = array<i32>} : memref<20x64xf32, #tpu.memory_space<vmem>>, vector<16xf32>,
      %get3A_335 = arith.constant 6 : i32
      %get3A_336 = arith.index_cast %get3A_335 : i32 to index
      %get3A_337 = arith.constant 0 : index
      %get3A_338 = tpu.vector_load %arg7[%get3A_336, %get3A_337] {strides = array<i32>} : memref<20x64xf32, #tpu.memory_space<vmem>>, vector<16xf32>,
      %get3A_339 = arith.constant 7 : i32
      %get3A_340 = arith.index_cast %get3A_339 : i32 to index
      %get3A_341 = arith.constant 0 : index
      %get3A_342 = tpu.vector_load %arg7[%get3A_340, %get3A_341] {strides = array<i32>} : memref<20x64xf32, #tpu.memory_space<vmem>>, vector<16xf32>,
      %get3A_343 = arith.constant 8 : i32
      %get3A_344 = arith.index_cast %get3A_343 : i32 to index
      %get3A_345 = arith.constant 0 : index
      %get3A_346 = tpu.vector_load %arg7[%get3A_344, %get3A_345] {strides = array<i32>} : memref<20x64xf32, #tpu.memory_space<vmem>>, vector<16xf32>,
      %get3A_347 = arith.constant 9 : i32
      %get3A_348 = arith.index_cast %get3A_347 : i32 to index
      %get3A_349 = arith.constant 0 : index
      %get3A_350 = tpu.vector_load %arg7[%get3A_348, %get3A_349] {strides = array<i32>} : memref<20x64xf32, #tpu.memory_space<vmem>>, vector<16xf32>,
      %get3A_351 = arith.constant 10 : i32
      %get3A_352 = arith.index_cast %get3A_351 : i32 to index
      %get3A_353 = arith.constant 0 : index
      %get3A_354 = tpu.vector_load %arg7[%get3A_352, %get3A_353] {strides = array<i32>} : memref<20x64xf32, #tpu.memory_space<vmem>>, vector<16xf32>,
      %get3A_355 = arith.constant 11 : i32
      %get3A_356 = arith.index_cast %get3A_355 : i32 to index
      %get3A_357 = arith.constant 0 : index
      %get3A_358 = tpu.vector_load %arg7[%get3A_356, %get3A_357] {strides = array<i32>} : memref<20x64xf32, #tpu.memory_space<vmem>>, vector<16xf32>,
      %get3A_359 = arith.constant 12 : i32
      %get3A_360 = arith.index_cast %get3A_359 : i32 to index
      %get3A_361 = arith.constant 0 : index
      %get3A_362 = tpu.vector_load %arg7[%get3A_360, %get3A_361] {strides = array<i32>} : memref<20x64xf32, #tpu.memory_space<vmem>>, vector<16xf32>,
      %get3A_363 = arith.constant 13 : i32
      %get3A_364 = arith.index_cast %get3A_363 : i32 to index
      %get3A_365 = arith.constant 0 : index
      %get3A_366 = tpu.vector_load %arg7[%get3A_364, %get3A_365] {strides = array<i32>} : memref<20x64xf32, #tpu.memory_space<vmem>>, vector<16xf32>,
      %get3A_367 = arith.constant 14 : i32
      %get3A_368 = arith.index_cast %get3A_367 : i32 to index
      %get3A_369 = arith.constant 0 : index
      %get3A_370 = tpu.vector_load %arg7[%get3A_368, %get3A_369] {strides = array<i32>} : memref<20x64xf32, #tpu.memory_space<vmem>>, vector<16xf32>,
      %get3A_371 = arith.constant 15 : i32
      %get3A_372 = arith.index_cast %get3A_371 : i32 to index
      %get3A_373 = arith.constant 0 : index
      %get3A_374 = tpu.vector_load %arg7[%get3A_372, %get3A_373] {strides = array<i32>} : memref<20x64xf32, #tpu.memory_space<vmem>>, vector<16xf32>,
      %get3A_375 = arith.constant 16 : i32
      %get3A_376 = arith.index_cast %get3A_375 : i32 to index
      %get3A_377 = arith.constant 0 : index
      %get3A_378 = tpu.vector_load %arg7[%get3A_376, %get3A_377] {strides = array<i32>} : memref<20x64xf32, #tpu.memory_space<vmem>>, vector<16xf32>,
      %get3A_379 = arith.constant 17 : i32
      %get3A_380 = arith.index_cast %get3A_379 : i32 to index
      %get3A_381 = arith.constant 0 : index
      %get3A_382 = tpu.vector_load %arg7[%get3A_380, %get3A_381] {strides = array<i32>} : memref<20x64xf32, #tpu.memory_space<vmem>>, vector<16xf32>,
      %get3A_383 = arith.constant 18 : i32
      %get3A_384 = arith.index_cast %get3A_383 : i32 to index
      %get3A_385 = arith.constant 0 : index
      %get3A_386 = tpu.vector_load %arg7[%get3A_384, %get3A_385] {strides = array<i32>} : memref<20x64xf32, #tpu.memory_space<vmem>>, vector<16xf32>,
      %get3A_387 = arith.constant 19 : i32
      %get3A_388 = arith.index_cast %get3A_387 : i32 to index
      %get3A_389 = arith.constant 0 : index
      %get3A_390 = tpu.vector_load %arg7[%get3A_388, %get3A_389] {strides = array<i32>} : memref<20x64xf32, #tpu.memory_space<vmem>>, vector<16xf32>,
      %get3A_391 = arith.constant 0 : i32
      %get3A_392 = arith.index_cast %get3A_391 : i32 to index
      %get3A_393 = arith.constant 16 : index
      %get3A_394 = tpu.vector_load %arg7[%get3A_392, %get3A_393] {strides = array<i32>} : memref<20x64xf32, #tpu.memory_space<vmem>>, vector<16xf32>,
      %get3A_395 = arith.constant 1 : i32
      %get3A_396 = arith.index_cast %get3A_395 : i32 to index
      %get3A_397 = arith.constant 16 : index
      %get3A_398 = tpu.vector_load %arg7[%get3A_396, %get3A_397] {strides = array<i32>} : memref<20x64xf32, #tpu.memory_space<vmem>>, vector<16xf32>,
      %get3A_399 = arith.constant 2 : i32
      %get3A_400 = arith.index_cast %get3A_399 : i32 to index
      %get3A_401 = arith.constant 16 : index
      %get3A_402 = tpu.vector_load %arg7[%get3A_400, %get3A_401] {strides = array<i32>} : memref<20x64xf32, #tpu.memory_space<vmem>>, vector<16xf32>,
      %get3A_403 = arith.constant 3 : i32
      %get3A_404 = arith.index_cast %get3A_403 : i32 to index
      %get3A_405 = arith.constant 16 : index
      %get3A_406 = tpu.vector_load %arg7[%get3A_404, %get3A_405] {strides = array<i32>} : memref<20x64xf32, #tpu.memory_space<vmem>>, vector<16xf32>,
      %get3A_407 = arith.constant 4 : i32
      %get3A_408 = arith.index_cast %get3A_407 : i32 to index
      %get3A_409 = arith.constant 16 : index
      %get3A_410 = tpu.vector_load %arg7[%get3A_408, %get3A_409] {strides = array<i32>} : memref<20x64xf32, #tpu.memory_space<vmem>>, vector<16xf32>,
      %get3A_411 = arith.constant 5 : i32
      %get3A_412 = arith.index_cast %get3A_411 : i32 to index
      %get3A_413 = arith.constant 16 : index
      %get3A_414 = tpu.vector_load %arg7[%get3A_412, %get3A_413] {strides = array<i32>} : memref<20x64xf32, #tpu.memory_space<vmem>>, vector<16xf32>,
      %get3A_415 = arith.constant 6 : i32
      %get3A_416 = arith.index_cast %get3A_415 : i32 to index
      %get3A_417 = arith.constant 16 : index
      %get3A_418 = tpu.vector_load %arg7[%get3A_416, %get3A_417] {strides = array<i32>} : memref<20x64xf32, #tpu.memory_space<vmem>>, vector<16xf32>,
      %get3A_419 = arith.constant 7 : i32
      %get3A_420 = arith.index_cast %get3A_419 : i32 to index
      %get3A_421 = arith.constant 16 : index
      %get3A_422 = tpu.vector_load %arg7[%get3A_420, %get3A_421] {strides = array<i32>} : memref<20x64xf32, #tpu.memory_space<vmem>>, vector<16xf32>,
      %get3A_423 = arith.constant 8 : i32
      %get3A_424 = arith.index_cast %get3A_423 : i32 to index
      %get3A_425 = arith.constant 16 : index
      %get3A_426 = tpu.vector_load %arg7[%get3A_424, %get3A_425] {strides = array<i32>} : memref<20x64xf32, #tpu.memory_space<vmem>>, vector<16xf32>,
      %get3A_427 = arith.constant 9 : i32
      %get3A_428 = arith.index_cast %get3A_427 : i32 to index
      %get3A_429 = arith.constant 16 : index
      %get3A_430 = tpu.vector_load %arg7[%get3A_428, %get3A_429] {strides = array<i32>} : memref<20x64xf32, #tpu.memory_space<vmem>>, vector<16xf32>,
      %get3A_431 = arith.constant 10 : i32
      %get3A_432 = arith.index_cast %get3A_431 : i32 to index
      %get3A_433 = arith.constant 16 : index
      %get3A_434 = tpu.vector_load %arg7[%get3A_432, %get3A_433] {strides = array<i32>} : memref<20x64xf32, #tpu.memory_space<vmem>>, vector<16xf32>,
      %get3A_435 = arith.constant 11 : i32
      %get3A_436 = arith.index_cast %get3A_435 : i32 to index
      %get3A_437 = arith.constant 16 : index
      %get3A_438 = tpu.vector_load %arg7[%get3A_436, %get3A_437] {strides = array<i32>} : memref<20x64xf32, #tpu.memory_space<vmem>>, vector<16xf32>,
      %get3A_439 = arith.constant 12 : i32
      %get3A_440 = arith.index_cast %get3A_439 : i32 to index
      %get3A_441 = arith.constant 16 : index
      %get3A_442 = tpu.vector_load %arg7[%get3A_440, %get3A_441] {strides = array<i32>} : memref<20x64xf32, #tpu.memory_space<vmem>>, vector<16xf32>,
      %get3A_443 = arith.constant 13 : i32
      %get3A_444 = arith.index_cast %get3A_443 : i32 to index
      %get3A_445 = arith.constant 16 : index
      %get3A_446 = tpu.vector_load %arg7[%get3A_444, %get3A_445] {strides = array<i32>} : memref<20x64xf32, #tpu.memory_space<vmem>>, vector<16xf32>,
      %get3A_447 = arith.constant 14 : i32
      %get3A_448 = arith.index_cast %get3A_447 : i32 to index
      %get3A_449 = arith.constant 16 : index
      %get3A_450 = tpu.vector_load %arg7[%get3A_448, %get3A_449] {strides = array<i32>} : memref<20x64xf32, #tpu.memory_space<vmem>>, vector<16xf32>,
      %get3A_451 = arith.constant 15 : i32
      %get3A_452 = arith.index_cast %get3A_451 : i32 to index
      %get3A_453 = arith.constant 16 : index
      %get3A_454 = tpu.vector_load %arg7[%get3A_452, %get3A_453] {strides = array<i32>} : memref<20x64xf32, #tpu.memory_space<vmem>>, vector<16xf32>,
      %get3A_455 = arith.constant 16 : i32
      %get3A_456 = arith.index_cast %get3A_455 : i32 to index
      %get3A_457 = arith.constant 16 : index
      %get3A_458 = tpu.vector_load %arg7[%get3A_456, %get3A_457] {strides = array<i32>} : memref<20x64xf32, #tpu.memory_space<vmem>>, vector<16xf32>,
      %get3A_459 = arith.constant 17 : i32
      %get3A_460 = arith.index_cast %get3A_459 : i32 to index
      %get3A_461 = arith.constant 16 : index
      %get3A_462 = tpu.vector_load %arg7[%get3A_460, %get3A_461] {strides = array<i32>} : memref<20x64xf32, #tpu.memory_space<vmem>>, vector<16xf32>,
      %get3A_463 = arith.constant 18 : i32
      %get3A_464 = arith.index_cast %get3A_463 : i32 to index
      %get3A_465 = arith.constant 16 : index
      %get3A_466 = tpu.vector_load %arg7[%get3A_464, %get3A_465] {strides = array<i32>} : memref<20x64xf32, #tpu.memory_space<vmem>>, vector<16xf32>,
      %get3A_467 = arith.constant 19 : i32
      %get3A_468 = arith.index_cast %get3A_467 : i32 to index
      %get3A_469 = arith.constant 16 : index
      %get3A_470 = tpu.vector_load %arg7[%get3A_468, %get3A_469] {strides = array<i32>} : memref<20x64xf32, #tpu.memory_space<vmem>>, vector<16xf32>,
      %scan3A_471 = arith.constant 0 : i32
      %scan3A_472 = arith.constant 0 : i32
      %scan3A_473 = arith.constant 32 : i32
      %scan3A_474 = arith.addi %scan3A_472, %scan3A_473 : i32
      %scan3A_475 = arith.constant 1 : i32
      %scan3A_476 = scf.for %scan3A_1178 = %scan3A_472 to %scan3A_474 step %scan3A_475 iter_args(%scan3A_1179 = %scan3A_471) -> (i32)  : i32 {
        %mul3A_1180 = arith.constant 20 : i32
        %mul3A_1181 = arith.muli %scan3A_1178, %mul3A_1180 : i32
        %get3A_1182 = arith.constant 0 : i32
        %get3A_1183 = arith.index_cast %get3A_1182 : i32 to index
        %get3A_1184 = arith.index_cast %mul3A_1181 : i32 to index
        %get3A_1185 = arith.constant 0 : index
        %get3A_1186 = tpu.vector_load %arg8[%get3A_1183, %get3A_1184, %get3A_1185] {strides = array<i32>} : memref<2x640x64xbf16, #tpu.memory_space<vmem>>, vector<32xbf16>,
        %unpack3A = tpu.unpack_subelements %get3A_1186, 0 {pack_format = #tpu.pack_format<interleaved>} : vector<32xbf16> -> vector<16xf32>
        %unpack3A_1187 = tpu.unpack_subelements %get3A_1186, 1 {pack_format = #tpu.pack_format<interleaved>} : vector<32xbf16> -> vector<16xf32>
        %mul3A_1188 = arith.mulf %get3A_314, %unpack3A : vector<16xf32>
        %mul3A_1189 = arith.mulf %get3A_394, %unpack3A_1187 : vector<16xf32>
        %add3A_1190 = arith.constant 1 : i32
        %add3A_1191 = arith.addi %mul3A_1181, %add3A_1190 : i32
        %get3A_1192 = arith.constant 0 : i32
        %get3A_1193 = arith.index_cast %get3A_1192 : i32 to index
        %get3A_1194 = arith.index_cast %add3A_1191 : i32 to index
        %get3A_1195 = arith.constant 0 : index
        %get3A_1196 = tpu.vector_load %arg8[%get3A_1193, %get3A_1194, %get3A_1195] {strides = array<i32>} : memref<2x640x64xbf16, #tpu.memory_space<vmem>>, vector<32xbf16>,
        %unpack3A_1197 = tpu.unpack_subelements %get3A_1196, 0 {pack_format = #tpu.pack_format<interleaved>} : vector<32xbf16> -> vector<16xf32>
        %unpack3A_1198 = tpu.unpack_subelements %get3A_1196, 1 {pack_format = #tpu.pack_format<interleaved>} : vector<32xbf16> -> vector<16xf32>
        %mul3A_1199 = arith.mulf %get3A_318, %unpack3A_1197 : vector<16xf32>
        %add3A_1200 = arith.addf %mul3A_1188, %mul3A_1199 : vector<16xf32>
        %mul3A_1201 = arith.mulf %get3A_398, %unpack3A_1198 : vector<16xf32>
        %add3A_1202 = arith.addf %mul3A_1189, %mul3A_1201 : vector<16xf32>
        %add3A_1203 = arith.constant 2 : i32
        %add3A_1204 = arith.addi %mul3A_1181, %add3A_1203 : i32
        %get3A_1205 = arith.constant 0 : i32
        %get3A_1206 = arith.index_cast %get3A_1205 : i32 to index
        %get3A_1207 = arith.index_cast %add3A_1204 : i32 to index
        %get3A_1208 = arith.constant 0 : index
        %get3A_1209 = tpu.vector_load %arg8[%get3A_1206, %get3A_1207, %get3A_1208] {strides = array<i32>} : memref<2x640x64xbf16, #tpu.memory_space<vmem>>, vector<32xbf16>,
        %unpack3A_1210 = tpu.unpack_subelements %get3A_1209, 0 {pack_format = #tpu.pack_format<interleaved>} : vector<32xbf16> -> vector<16xf32>
        %unpack3A_1211 = tpu.unpack_subelements %get3A_1209, 1 {pack_format = #tpu.pack_format<interleaved>} : vector<32xbf16> -> vector<16xf32>
        %mul3A_1212 = arith.mulf %get3A_322, %unpack3A_1210 : vector<16xf32>
        %add3A_1213 = arith.addf %add3A_1200, %mul3A_1212 : vector<16xf32>
        %mul3A_1214 = arith.mulf %get3A_402, %unpack3A_1211 : vector<16xf32>
        %add3A_1215 = arith.addf %add3A_1202, %mul3A_1214 : vector<16xf32>
        %add3A_1216 = arith.constant 3 : i32
        %add3A_1217 = arith.addi %mul3A_1181, %add3A_1216 : i32
        %get3A_1218 = arith.constant 0 : i32
        %get3A_1219 = arith.index_cast %get3A_1218 : i32 to index
        %get3A_1220 = arith.index_cast %add3A_1217 : i32 to index
        %get3A_1221 = arith.constant 0 : index
        %get3A_1222 = tpu.vector_load %arg8[%get3A_1219, %get3A_1220, %get3A_1221] {strides = array<i32>} : memref<2x640x64xbf16, #tpu.memory_space<vmem>>, vector<32xbf16>,
        %unpack3A_1223 = tpu.unpack_subelements %get3A_1222, 0 {pack_format = #tpu.pack_format<interleaved>} : vector<32xbf16> -> vector<16xf32>
        %unpack3A_1224 = tpu.unpack_subelements %get3A_1222, 1 {pack_format = #tpu.pack_format<interleaved>} : vector<32xbf16> -> vector<16xf32>
        %mul3A_1225 = arith.mulf %get3A_326, %unpack3A_1223 : vector<16xf32>
        %add3A_1226 = arith.addf %add3A_1213, %mul3A_1225 : vector<16xf32>
        %mul3A_1227 = arith.mulf %get3A_406, %unpack3A_1224 : vector<16xf32>
        %add3A_1228 = arith.addf %add3A_1215, %mul3A_1227 : vector<16xf32>
        %add3A_1229 = arith.constant 4 : i32
        %add3A_1230 = arith.addi %mul3A_1181, %add3A_1229 : i32
        %get3A_1231 = arith.constant 0 : i32
        %get3A_1232 = arith.index_cast %get3A_1231 : i32 to index
        %get3A_1233 = arith.index_cast %add3A_1230 : i32 to index
        %get3A_1234 = arith.constant 0 : index
        %get3A_1235 = tpu.vector_load %arg8[%get3A_1232, %get3A_1233, %get3A_1234] {strides = array<i32>} : memref<2x640x64xbf16, #tpu.memory_space<vmem>>, vector<32xbf16>,
        %unpack3A_1236 = tpu.unpack_subelements %get3A_1235, 0 {pack_format = #tpu.pack_format<interleaved>} : vector<32xbf16> -> vector<16xf32>
        %unpack3A_1237 = tpu.unpack_subelements %get3A_1235, 1 {pack_format = #tpu.pack_format<interleaved>} : vector<32xbf16> -> vector<16xf32>
        %mul3A_1238 = arith.mulf %get3A_330, %unpack3A_1236 : vector<16xf32>
        %add3A_1239 = arith.addf %add3A_1226, %mul3A_1238 : vector<16xf32>
        %mul3A_1240 = arith.mulf %get3A_410, %unpack3A_1237 : vector<16xf32>
        %add3A_1241 = arith.addf %add3A_1228, %mul3A_1240 : vector<16xf32>
        %add3A_1242 = arith.constant 5 : i32
        %add3A_1243 = arith.addi %mul3A_1181, %add3A_1242 : i32
        %get3A_1244 = arith.constant 0 : i32
        %get3A_1245 = arith.index_cast %get3A_1244 : i32 to index
        %get3A_1246 = arith.index_cast %add3A_1243 : i32 to index
        %get3A_1247 = arith.constant 0 : index
        %get3A_1248 = tpu.vector_load %arg8[%get3A_1245, %get3A_1246, %get3A_1247] {strides = array<i32>} : memref<2x640x64xbf16, #tpu.memory_space<vmem>>, vector<32xbf16>,
        %unpack3A_1249 = tpu.unpack_subelements %get3A_1248, 0 {pack_format = #tpu.pack_format<interleaved>} : vector<32xbf16> -> vector<16xf32>
        %unpack3A_1250 = tpu.unpack_subelements %get3A_1248, 1 {pack_format = #tpu.pack_format<interleaved>} : vector<32xbf16> -> vector<16xf32>
        %mul3A_1251 = arith.mulf %get3A_334, %unpack3A_1249 : vector<16xf32>
        %add3A_1252 = arith.addf %add3A_1239, %mul3A_1251 : vector<16xf32>
        %mul3A_1253 = arith.mulf %get3A_414, %unpack3A_1250 : vector<16xf32>
        %add3A_1254 = arith.addf %add3A_1241, %mul3A_1253 : vector<16xf32>
        %add3A_1255 = arith.constant 6 : i32
        %add3A_1256 = arith.addi %mul3A_1181, %add3A_1255 : i32
        %get3A_1257 = arith.constant 0 : i32
        %get3A_1258 = arith.index_cast %get3A_1257 : i32 to index
        %get3A_1259 = arith.index_cast %add3A_1256 : i32 to index
        %get3A_1260 = arith.constant 0 : index
        %get3A_1261 = tpu.vector_load %arg8[%get3A_1258, %get3A_1259, %get3A_1260] {strides = array<i32>} : memref<2x640x64xbf16, #tpu.memory_space<vmem>>, vector<32xbf16>,
        %unpack3A_1262 = tpu.unpack_subelements %get3A_1261, 0 {pack_format = #tpu.pack_format<interleaved>} : vector<32xbf16> -> vector<16xf32>
        %unpack3A_1263 = tpu.unpack_subelements %get3A_1261, 1 {pack_format = #tpu.pack_format<interleaved>} : vector<32xbf16> -> vector<16xf32>
        %mul3A_1264 = arith.mulf %get3A_338, %unpack3A_1262 : vector<16xf32>
        %add3A_1265 = arith.addf %add3A_1252, %mul3A_1264 : vector<16xf32>
        %mul3A_1266 = arith.mulf %get3A_418, %unpack3A_1263 : vector<16xf32>
        %add3A_1267 = arith.addf %add3A_1254, %mul3A_1266 : vector<16xf32>
        %add3A_1268 = arith.constant 7 : i32
        %add3A_1269 = arith.addi %mul3A_1181, %add3A_1268 : i32
        %get3A_1270 = arith.constant 0 : i32
        %get3A_1271 = arith.index_cast %get3A_1270 : i32 to index
        %get3A_1272 = arith.index_cast %add3A_1269 : i32 to index
        %get3A_1273 = arith.constant 0 : index
        %get3A_1274 = tpu.vector_load %arg8[%get3A_1271, %get3A_1272, %get3A_1273] {strides = array<i32>} : memref<2x640x64xbf16, #tpu.memory_space<vmem>>, vector<32xbf16>,
        %unpack3A_1275 = tpu.unpack_subelements %get3A_1274, 0 {pack_format = #tpu.pack_format<interleaved>} : vector<32xbf16> -> vector<16xf32>
        %unpack3A_1276 = tpu.unpack_subelements %get3A_1274, 1 {pack_format = #tpu.pack_format<interleaved>} : vector<32xbf16> -> vector<16xf32>
        %mul3A_1277 = arith.mulf %get3A_342, %unpack3A_1275 : vector<16xf32>
        %add3A_1278 = arith.addf %add3A_1265, %mul3A_1277 : vector<16xf32>
        %mul3A_1279 = arith.mulf %get3A_422, %unpack3A_1276 : vector<16xf32>
        %add3A_1280 = arith.addf %add3A_1267, %mul3A_1279 : vector<16xf32>
        %add3A_1281 = arith.constant 8 : i32
        %add3A_1282 = arith.addi %mul3A_1181, %add3A_1281 : i32
        %get3A_1283 = arith.constant 0 : i32
        %get3A_1284 = arith.index_cast %get3A_1283 : i32 to index
        %get3A_1285 = arith.index_cast %add3A_1282 : i32 to index
        %get3A_1286 = arith.constant 0 : index
        %get3A_1287 = tpu.vector_load %arg8[%get3A_1284, %get3A_1285, %get3A_1286] {strides = array<i32>} : memref<2x640x64xbf16, #tpu.memory_space<vmem>>, vector<32xbf16>,
        %unpack3A_1288 = tpu.unpack_subelements %get3A_1287, 0 {pack_format = #tpu.pack_format<interleaved>} : vector<32xbf16> -> vector<16xf32>
        %unpack3A_1289 = tpu.unpack_subelements %get3A_1287, 1 {pack_format = #tpu.pack_format<interleaved>} : vector<32xbf16> -> vector<16xf32>
        %mul3A_1290 = arith.mulf %get3A_346, %unpack3A_1288 : vector<16xf32>
        %add3A_1291 = arith.addf %add3A_1278, %mul3A_1290 : vector<16xf32>
        %mul3A_1292 = arith.mulf %get3A_426, %unpack3A_1289 : vector<16xf32>
        %add3A_1293 = arith.addf %add3A_1280, %mul3A_1292 : vector<16xf32>
        %add3A_1294 = arith.constant 9 : i32
        %add3A_1295 = arith.addi %mul3A_1181, %add3A_1294 : i32
        %get3A_1296 = arith.constant 0 : i32
        %get3A_1297 = arith.index_cast %get3A_1296 : i32 to index
        %get3A_1298 = arith.index_cast %add3A_1295 : i32 to index
        %get3A_1299 = arith.constant 0 : index
        %get3A_1300 = tpu.vector_load %arg8[%get3A_1297, %get3A_1298, %get3A_1299] {strides = array<i32>} : memref<2x640x64xbf16, #tpu.memory_space<vmem>>, vector<32xbf16>,
        %unpack3A_1301 = tpu.unpack_subelements %get3A_1300, 0 {pack_format = #tpu.pack_format<interleaved>} : vector<32xbf16> -> vector<16xf32>
        %unpack3A_1302 = tpu.unpack_subelements %get3A_1300, 1 {pack_format = #tpu.pack_format<interleaved>} : vector<32xbf16> -> vector<16xf32>
        %mul3A_1303 = arith.mulf %get3A_350, %unpack3A_1301 : vector<16xf32>
        %add3A_1304 = arith.addf %add3A_1291, %mul3A_1303 : vector<16xf32>
        %mul3A_1305 = arith.mulf %get3A_430, %unpack3A_1302 : vector<16xf32>
        %add3A_1306 = arith.addf %add3A_1293, %mul3A_1305 : vector<16xf32>
        %add3A_1307 = arith.constant 10 : i32
        %add3A_1308 = arith.addi %mul3A_1181, %add3A_1307 : i32
        %get3A_1309 = arith.constant 0 : i32
        %get3A_1310 = arith.index_cast %get3A_1309 : i32 to index
        %get3A_1311 = arith.index_cast %add3A_1308 : i32 to index
        %get3A_1312 = arith.constant 0 : index
        %get3A_1313 = tpu.vector_load %arg8[%get3A_1310, %get3A_1311, %get3A_1312] {strides = array<i32>} : memref<2x640x64xbf16, #tpu.memory_space<vmem>>, vector<32xbf16>,
        %unpack3A_1314 = tpu.unpack_subelements %get3A_1313, 0 {pack_format = #tpu.pack_format<interleaved>} : vector<32xbf16> -> vector<16xf32>
        %unpack3A_1315 = tpu.unpack_subelements %get3A_1313, 1 {pack_format = #tpu.pack_format<interleaved>} : vector<32xbf16> -> vector<16xf32>
        %mul3A_1316 = arith.mulf %get3A_354, %unpack3A_1314 : vector<16xf32>
        %add3A_1317 = arith.addf %add3A_1304, %mul3A_1316 : vector<16xf32>
        %mul3A_1318 = arith.mulf %get3A_434, %unpack3A_1315 : vector<16xf32>
        %add3A_1319 = arith.addf %add3A_1306, %mul3A_1318 : vector<16xf32>
        %add3A_1320 = arith.constant 11 : i32
        %add3A_1321 = arith.addi %mul3A_1181, %add3A_1320 : i32
        %get3A_1322 = arith.constant 0 : i32
        %get3A_1323 = arith.index_cast %get3A_1322 : i32 to index
        %get3A_1324 = arith.index_cast %add3A_1321 : i32 to index
        %get3A_1325 = arith.constant 0 : index
        %get3A_1326 = tpu.vector_load %arg8[%get3A_1323, %get3A_1324, %get3A_1325] {strides = array<i32>} : memref<2x640x64xbf16, #tpu.memory_space<vmem>>, vector<32xbf16>,
        %unpack3A_1327 = tpu.unpack_subelements %get3A_1326, 0 {pack_format = #tpu.pack_format<interleaved>} : vector<32xbf16> -> vector<16xf32>
        %unpack3A_1328 = tpu.unpack_subelements %get3A_1326, 1 {pack_format = #tpu.pack_format<interleaved>} : vector<32xbf16> -> vector<16xf32>
        %mul3A_1329 = arith.mulf %get3A_358, %unpack3A_1327 : vector<16xf32>
        %add3A_1330 = arith.addf %add3A_1317, %mul3A_1329 : vector<16xf32>
        %mul3A_1331 = arith.mulf %get3A_438, %unpack3A_1328 : vector<16xf32>
        %add3A_1332 = arith.addf %add3A_1319, %mul3A_1331 : vector<16xf32>
        %add3A_1333 = arith.constant 12 : i32
        %add3A_1334 = arith.addi %mul3A_1181, %add3A_1333 : i32
        %get3A_1335 = arith.constant 0 : i32
        %get3A_1336 = arith.index_cast %get3A_1335 : i32 to index
        %get3A_1337 = arith.index_cast %add3A_1334 : i32 to index
        %get3A_1338 = arith.constant 0 : index
        %get3A_1339 = tpu.vector_load %arg8[%get3A_1336, %get3A_1337, %get3A_1338] {strides = array<i32>} : memref<2x640x64xbf16, #tpu.memory_space<vmem>>, vector<32xbf16>,
        %unpack3A_1340 = tpu.unpack_subelements %get3A_1339, 0 {pack_format = #tpu.pack_format<interleaved>} : vector<32xbf16> -> vector<16xf32>
        %unpack3A_1341 = tpu.unpack_subelements %get3A_1339, 1 {pack_format = #tpu.pack_format<interleaved>} : vector<32xbf16> -> vector<16xf32>
        %mul3A_1342 = arith.mulf %get3A_362, %unpack3A_1340 : vector<16xf32>
        %add3A_1343 = arith.addf %add3A_1330, %mul3A_1342 : vector<16xf32>
        %mul3A_1344 = arith.mulf %get3A_442, %unpack3A_1341 : vector<16xf32>
        %add3A_1345 = arith.addf %add3A_1332, %mul3A_1344 : vector<16xf32>
        %add3A_1346 = arith.constant 13 : i32
        %add3A_1347 = arith.addi %mul3A_1181, %add3A_1346 : i32
        %get3A_1348 = arith.constant 0 : i32
        %get3A_1349 = arith.index_cast %get3A_1348 : i32 to index
        %get3A_1350 = arith.index_cast %add3A_1347 : i32 to index
        %get3A_1351 = arith.constant 0 : index
        %get3A_1352 = tpu.vector_load %arg8[%get3A_1349, %get3A_1350, %get3A_1351] {strides = array<i32>} : memref<2x640x64xbf16, #tpu.memory_space<vmem>>, vector<32xbf16>,
        %unpack3A_1353 = tpu.unpack_subelements %get3A_1352, 0 {pack_format = #tpu.pack_format<interleaved>} : vector<32xbf16> -> vector<16xf32>
        %unpack3A_1354 = tpu.unpack_subelements %get3A_1352, 1 {pack_format = #tpu.pack_format<interleaved>} : vector<32xbf16> -> vector<16xf32>
        %mul3A_1355 = arith.mulf %get3A_366, %unpack3A_1353 : vector<16xf32>
        %add3A_1356 = arith.addf %add3A_1343, %mul3A_1355 : vector<16xf32>
        %mul3A_1357 = arith.mulf %get3A_446, %unpack3A_1354 : vector<16xf32>
        %add3A_1358 = arith.addf %add3A_1345, %mul3A_1357 : vector<16xf32>
        %add3A_1359 = arith.constant 14 : i32
        %add3A_1360 = arith.addi %mul3A_1181, %add3A_1359 : i32
        %get3A_1361 = arith.constant 0 : i32
        %get3A_1362 = arith.index_cast %get3A_1361 : i32 to index
        %get3A_1363 = arith.index_cast %add3A_1360 : i32 to index
        %get3A_1364 = arith.constant 0 : index
        %get3A_1365 = tpu.vector_load %arg8[%get3A_1362, %get3A_1363, %get3A_1364] {strides = array<i32>} : memref<2x640x64xbf16, #tpu.memory_space<vmem>>, vector<32xbf16>,
        %unpack3A_1366 = tpu.unpack_subelements %get3A_1365, 0 {pack_format = #tpu.pack_format<interleaved>} : vector<32xbf16> -> vector<16xf32>
        %unpack3A_1367 = tpu.unpack_subelements %get3A_1365, 1 {pack_format = #tpu.pack_format<interleaved>} : vector<32xbf16> -> vector<16xf32>
        %mul3A_1368 = arith.mulf %get3A_370, %unpack3A_1366 : vector<16xf32>
        %add3A_1369 = arith.addf %add3A_1356, %mul3A_1368 : vector<16xf32>
        %mul3A_1370 = arith.mulf %get3A_450, %unpack3A_1367 : vector<16xf32>
        %add3A_1371 = arith.addf %add3A_1358, %mul3A_1370 : vector<16xf32>
        %add3A_1372 = arith.constant 15 : i32
        %add3A_1373 = arith.addi %mul3A_1181, %add3A_1372 : i32
        %get3A_1374 = arith.constant 0 : i32
        %get3A_1375 = arith.index_cast %get3A_1374 : i32 to index
        %get3A_1376 = arith.index_cast %add3A_1373 : i32 to index
        %get3A_1377 = arith.constant 0 : index
        %get3A_1378 = tpu.vector_load %arg8[%get3A_1375, %get3A_1376, %get3A_1377] {strides = array<i32>} : memref<2x640x64xbf16, #tpu.memory_space<vmem>>, vector<32xbf16>,
        %unpack3A_1379 = tpu.unpack_subelements %get3A_1378, 0 {pack_format = #tpu.pack_format<interleaved>} : vector<32xbf16> -> vector<16xf32>
        %unpack3A_1380 = tpu.unpack_subelements %get3A_1378, 1 {pack_format = #tpu.pack_format<interleaved>} : vector<32xbf16> -> vector<16xf32>
        %mul3A_1381 = arith.mulf %get3A_374, %unpack3A_1379 : vector<16xf32>
        %add3A_1382 = arith.addf %add3A_1369, %mul3A_1381 : vector<16xf32>
        %mul3A_1383 = arith.mulf %get3A_454, %unpack3A_1380 : vector<16xf32>
        %add3A_1384 = arith.addf %add3A_1371, %mul3A_1383 : vector<16xf32>
        %add3A_1385 = arith.constant 16 : i32
        %add3A_1386 = arith.addi %mul3A_1181, %add3A_1385 : i32
        %get3A_1387 = arith.constant 0 : i32
        %get3A_1388 = arith.index_cast %get3A_1387 : i32 to index
        %get3A_1389 = arith.index_cast %add3A_1386 : i32 to index
        %get3A_1390 = arith.constant 0 : index
        %get3A_1391 = tpu.vector_load %arg8[%get3A_1388, %get3A_1389, %get3A_1390] {strides = array<i32>} : memref<2x640x64xbf16, #tpu.memory_space<vmem>>, vector<32xbf16>,
        %unpack3A_1392 = tpu.unpack_subelements %get3A_1391, 0 {pack_format = #tpu.pack_format<interleaved>} : vector<32xbf16> -> vector<16xf32>
        %unpack3A_1393 = tpu.unpack_subelements %get3A_1391, 1 {pack_format = #tpu.pack_format<interleaved>} : vector<32xbf16> -> vector<16xf32>
        %mul3A_1394 = arith.mulf %get3A_378, %unpack3A_1392 : vector<16xf32>
        %add3A_1395 = arith.addf %add3A_1382, %mul3A_1394 : vector<16xf32>
        %mul3A_1396 = arith.mulf %get3A_458, %unpack3A_1393 : vector<16xf32>
        %add3A_1397 = arith.addf %add3A_1384, %mul3A_1396 : vector<16xf32>
        %add3A_1398 = arith.constant 17 : i32
        %add3A_1399 = arith.addi %mul3A_1181, %add3A_1398 : i32
        %get3A_1400 = arith.constant 0 : i32
        %get3A_1401 = arith.index_cast %get3A_1400 : i32 to index
        %get3A_1402 = arith.index_cast %add3A_1399 : i32 to index
        %get3A_1403 = arith.constant 0 : index
        %get3A_1404 = tpu.vector_load %arg8[%get3A_1401, %get3A_1402, %get3A_1403] {strides = array<i32>} : memref<2x640x64xbf16, #tpu.memory_space<vmem>>, vector<32xbf16>,
        %unpack3A_1405 = tpu.unpack_subelements %get3A_1404, 0 {pack_format = #tpu.pack_format<interleaved>} : vector<32xbf16> -> vector<16xf32>
        %unpack3A_1406 = tpu.unpack_subelements %get3A_1404, 1 {pack_format = #tpu.pack_format<interleaved>} : vector<32xbf16> -> vector<16xf32>
        %mul3A_1407 = arith.mulf %get3A_382, %unpack3A_1405 : vector<16xf32>
        %add3A_1408 = arith.addf %add3A_1395, %mul3A_1407 : vector<16xf32>
        %mul3A_1409 = arith.mulf %get3A_462, %unpack3A_1406 : vector<16xf32>
        %add3A_1410 = arith.addf %add3A_1397, %mul3A_1409 : vector<16xf32>
        %add3A_1411 = arith.constant 18 : i32
        %add3A_1412 = arith.addi %mul3A_1181, %add3A_1411 : i32
        %get3A_1413 = arith.constant 0 : i32
        %get3A_1414 = arith.index_cast %get3A_1413 : i32 to index
        %get3A_1415 = arith.index_cast %add3A_1412 : i32 to index
        %get3A_1416 = arith.constant 0 : index
        %get3A_1417 = tpu.vector_load %arg8[%get3A_1414, %get3A_1415, %get3A_1416] {strides = array<i32>} : memref<2x640x64xbf16, #tpu.memory_space<vmem>>, vector<32xbf16>,
        %unpack3A_1418 = tpu.unpack_subelements %get3A_1417, 0 {pack_format = #tpu.pack_format<interleaved>} : vector<32xbf16> -> vector<16xf32>
        %unpack3A_1419 = tpu.unpack_subelements %get3A_1417, 1 {pack_format = #tpu.pack_format<interleaved>} : vector<32xbf16> -> vector<16xf32>
        %mul3A_1420 = arith.mulf %get3A_386, %unpack3A_1418 : vector<16xf32>
        %add3A_1421 = arith.addf %add3A_1408, %mul3A_1420 : vector<16xf32>
        %mul3A_1422 = arith.mulf %get3A_466, %unpack3A_1419 : vector<16xf32>
        %add3A_1423 = arith.addf %add3A_1410, %mul3A_1422 : vector<16xf32>
        %add3A_1424 = arith.constant 19 : i32
        %add3A_1425 = arith.addi %mul3A_1181, %add3A_1424 : i32
        %get3A_1426 = arith.constant 0 : i32
        %get3A_1427 = arith.index_cast %get3A_1426 : i32 to index
        %get3A_1428 = arith.index_cast %add3A_1425 : i32 to index
        %get3A_1429 = arith.constant 0 : index
        %get3A_1430 = tpu.vector_load %arg8[%get3A_1427, %get3A_1428, %get3A_1429] {strides = array<i32>} : memref<2x640x64xbf16, #tpu.memory_space<vmem>>, vector<32xbf16>,
        %unpack3A_1431 = tpu.unpack_subelements %get3A_1430, 0 {pack_format = #tpu.pack_format<interleaved>} : vector<32xbf16> -> vector<16xf32>
        %unpack3A_1432 = tpu.unpack_subelements %get3A_1430, 1 {pack_format = #tpu.pack_format<interleaved>} : vector<32xbf16> -> vector<16xf32>
        %mul3A_1433 = arith.mulf %get3A_390, %unpack3A_1431 : vector<16xf32>
        %add3A_1434 = arith.addf %add3A_1421, %mul3A_1433 : vector<16xf32>
        %mul3A_1435 = arith.mulf %get3A_470, %unpack3A_1432 : vector<16xf32>
        %add3A_1436 = arith.addf %add3A_1423, %mul3A_1435 : vector<16xf32>
        %swap3A_1437 = arith.constant 0 : i32
        %swap3A_1438 = arith.index_cast %swap3A_1437 : i32 to index
        %swap3A_1439 = arith.index_cast %scan3A_1178 : i32 to index
        %swap3A_1440 = arith.constant 0 : index
        %swap3A_1441 = tpu.vector_load %arg9[%swap3A_1438, %swap3A_1439, %swap3A_1440] {strides = array<i32>} : memref<2x32x64xf32, #tpu.memory_space<vmem>>, vector<16xf32>,
        tpu.vector_store %arg9[%swap3A_1438, %swap3A_1439, %swap3A_1440], %add3A_1434 {strides = array<i32>} : memref<2x32x64xf32, #tpu.memory_space<vmem>>, vector<16xf32>,
        %swap3A_1442 = arith.constant 0 : i32
        %swap3A_1443 = arith.index_cast %swap3A_1442 : i32 to index
        %swap3A_1444 = arith.index_cast %scan3A_1178 : i32 to index
        %swap3A_1445 = arith.constant 16 : index
        %swap3A_1446 = tpu.vector_load %arg9[%swap3A_1443, %swap3A_1444, %swap3A_1445] {strides = array<i32>} : memref<2x32x64xf32, #tpu.memory_space<vmem>>, vector<16xf32>,
        tpu.vector_store %arg9[%swap3A_1443, %swap3A_1444, %swap3A_1445], %add3A_1436 {strides = array<i32>} : memref<2x32x64xf32, #tpu.memory_space<vmem>>, vector<16xf32>,
        %scan3A_1447 = arith.constant 0 : i32
        scf.yield %scan3A_1447 : i32
      }
      %scan3A_477 = arith.constant 32 : i32
      %get3A_478 = arith.constant 0 : i32
      %get3A_479 = arith.index_cast %get3A_478 : i32 to index
      %get3A_480 = arith.constant 32 : index
      %get3A_481 = tpu.vector_load %arg7[%get3A_479, %get3A_480] {strides = array<i32>} : memref<20x64xf32, #tpu.memory_space<vmem>>, vector<16xf32>,
      %get3A_482 = arith.constant 1 : i32
      %get3A_483 = arith.index_cast %get3A_482 : i32 to index
      %get3A_484 = arith.constant 32 : index
      %get3A_485 = tpu.vector_load %arg7[%get3A_483, %get3A_484] {strides = array<i32>} : memref<20x64xf32, #tpu.memory_space<vmem>>, vector<16xf32>,
      %get3A_486 = arith.constant 2 : i32
      %get3A_487 = arith.index_cast %get3A_486 : i32 to index
      %get3A_488 = arith.constant 32 : index
      %get3A_489 = tpu.vector_load %arg7[%get3A_487, %get3A_488] {strides = array<i32>} : memref<20x64xf32, #tpu.memory_space<vmem>>, vector<16xf32>,
      %get3A_490 = arith.constant 3 : i32
      %get3A_491 = arith.index_cast %get3A_490 : i32 to index
      %get3A_492 = arith.constant 32 : index
      %get3A_493 = tpu.vector_load %arg7[%get3A_491, %get3A_492] {strides = array<i32>} : memref<20x64xf32, #tpu.memory_space<vmem>>, vector<16xf32>,
      %get3A_494 = arith.constant 4 : i32
      %get3A_495 = arith.index_cast %get3A_494 : i32 to index
      %get3A_496 = arith.constant 32 : index
      %get3A_497 = tpu.vector_load %arg7[%get3A_495, %get3A_496] {strides = array<i32>} : memref<20x64xf32, #tpu.memory_space<vmem>>, vector<16xf32>,
      %get3A_498 = arith.constant 5 : i32
      %get3A_499 = arith.index_cast %get3A_498 : i32 to index
      %get3A_500 = arith.constant 32 : index
      %get3A_501 = tpu.vector_load %arg7[%get3A_499, %get3A_500] {strides = array<i32>} : memref<20x64xf32, #tpu.memory_space<vmem>>, vector<16xf32>,
      %get3A_502 = arith.constant 6 : i32
      %get3A_503 = arith.index_cast %get3A_502 : i32 to index
      %get3A_504 = arith.constant 32 : index
      %get3A_505 = tpu.vector_load %arg7[%get3A_503, %get3A_504] {strides = array<i32>} : memref<20x64xf32, #tpu.memory_space<vmem>>, vector<16xf32>,
      %get3A_506 = arith.constant 7 : i32
      %get3A_507 = arith.index_cast %get3A_506 : i32 to index
      %get3A_508 = arith.constant 32 : index
      %get3A_509 = tpu.vector_load %arg7[%get3A_507, %get3A_508] {strides = array<i32>} : memref<20x64xf32, #tpu.memory_space<vmem>>, vector<16xf32>,
      %get3A_510 = arith.constant 8 : i32
      %get3A_511 = arith.index_cast %get3A_510 : i32 to index
      %get3A_512 = arith.constant 32 : index
      %get3A_513 = tpu.vector_load %arg7[%get3A_511, %get3A_512] {strides = array<i32>} : memref<20x64xf32, #tpu.memory_space<vmem>>, vector<16xf32>,
      %get3A_514 = arith.constant 9 : i32
      %get3A_515 = arith.index_cast %get3A_514 : i32 to index
      %get3A_516 = arith.constant 32 : index
      %get3A_517 = tpu.vector_load %arg7[%get3A_515, %get3A_516] {strides = array<i32>} : memref<20x64xf32, #tpu.memory_space<vmem>>, vector<16xf32>,
      %get3A_518 = arith.constant 10 : i32
      %get3A_519 = arith.index_cast %get3A_518 : i32 to index
      %get3A_520 = arith.constant 32 : index
      %get3A_521 = tpu.vector_load %arg7[%get3A_519, %get3A_520] {strides = array<i32>} : memref<20x64xf32, #tpu.memory_space<vmem>>, vector<16xf32>,
      %get3A_522 = arith.constant 11 : i32
      %get3A_523 = arith.index_cast %get3A_522 : i32 to index
      %get3A_524 = arith.constant 32 : index
      %get3A_525 = tpu.vector_load %arg7[%get3A_523, %get3A_524] {strides = array<i32>} : memref<20x64xf32, #tpu.memory_space<vmem>>, vector<16xf32>,
      %get3A_526 = arith.constant 12 : i32
      %get3A_527 = arith.index_cast %get3A_526 : i32 to index
      %get3A_528 = arith.constant 32 : index
      %get3A_529 = tpu.vector_load %arg7[%get3A_527, %get3A_528] {strides = array<i32>} : memref<20x64xf32, #tpu.memory_space<vmem>>, vector<16xf32>,
      %get3A_530 = arith.constant 13 : i32
      %get3A_531 = arith.index_cast %get3A_530 : i32 to index
      %get3A_532 = arith.constant 32 : index
      %get3A_533 = tpu.vector_load %arg7[%get3A_531, %get3A_532] {strides = array<i32>} : memref<20x64xf32, #tpu.memory_space<vmem>>, vector<16xf32>,
      %get3A_534 = arith.constant 14 : i32
      %get3A_535 = arith.index_cast %get3A_534 : i32 to index
      %get3A_536 = arith.constant 32 : index
      %get3A_537 = tpu.vector_load %arg7[%get3A_535, %get3A_536] {strides = array<i32>} : memref<20x64xf32, #tpu.memory_space<vmem>>, vector<16xf32>,
      %get3A_538 = arith.constant 15 : i32
      %get3A_539 = arith.index_cast %get3A_538 : i32 to index
      %get3A_540 = arith.constant 32 : index
      %get3A_541 = tpu.vector_load %arg7[%get3A_539, %get3A_540] {strides = array<i32>} : memref<20x64xf32, #tpu.memory_space<vmem>>, vector<16xf32>,
      %get3A_542 = arith.constant 16 : i32
      %get3A_543 = arith.index_cast %get3A_542 : i32 to index
      %get3A_544 = arith.constant 32 : index
      %get3A_545 = tpu.vector_load %arg7[%get3A_543, %get3A_544] {strides = array<i32>} : memref<20x64xf32, #tpu.memory_space<vmem>>, vector<16xf32>,
      %get3A_546 = arith.constant 17 : i32
      %get3A_547 = arith.index_cast %get3A_546 : i32 to index
      %get3A_548 = arith.constant 32 : index
      %get3A_549 = tpu.vector_load %arg7[%get3A_547, %get3A_548] {strides = array<i32>} : memref<20x64xf32, #tpu.memory_space<vmem>>, vector<16xf32>,
      %get3A_550 = arith.constant 18 : i32
      %get3A_551 = arith.index_cast %get3A_550 : i32 to index
      %get3A_552 = arith.constant 32 : index
      %get3A_553 = tpu.vector_load %arg7[%get3A_551, %get3A_552] {strides = array<i32>} : memref<20x64xf32, #tpu.memory_space<vmem>>, vector<16xf32>,
      %get3A_554 = arith.constant 19 : i32
      %get3A_555 = arith.index_cast %get3A_554 : i32 to index
      %get3A_556 = arith.constant 32 : index
      %get3A_557 = tpu.vector_load %arg7[%get3A_555, %get3A_556] {strides = array<i32>} : memref<20x64xf32, #tpu.memory_space<vmem>>, vector<16xf32>,
      %get3A_558 = arith.constant 0 : i32
      %get3A_559 = arith.index_cast %get3A_558 : i32 to index
      %get3A_560 = arith.constant 48 : index
      %get3A_561 = tpu.vector_load %arg7[%get3A_559, %get3A_560] {strides = array<i32>} : memref<20x64xf32, #tpu.memory_space<vmem>>, vector<16xf32>,
      %get3A_562 = arith.constant 1 : i32
      %get3A_563 = arith.index_cast %get3A_562 : i32 to index
      %get3A_564 = arith.constant 48 : index
      %get3A_565 = tpu.vector_load %arg7[%get3A_563, %get3A_564] {strides = array<i32>} : memref<20x64xf32, #tpu.memory_space<vmem>>, vector<16xf32>,
      %get3A_566 = arith.constant 2 : i32
      %get3A_567 = arith.index_cast %get3A_566 : i32 to index
      %get3A_568 = arith.constant 48 : index
      %get3A_569 = tpu.vector_load %arg7[%get3A_567, %get3A_568] {strides = array<i32>} : memref<20x64xf32, #tpu.memory_space<vmem>>, vector<16xf32>,
      %get3A_570 = arith.constant 3 : i32
      %get3A_571 = arith.index_cast %get3A_570 : i32 to index
      %get3A_572 = arith.constant 48 : index
      %get3A_573 = tpu.vector_load %arg7[%get3A_571, %get3A_572] {strides = array<i32>} : memref<20x64xf32, #tpu.memory_space<vmem>>, vector<16xf32>,
      %get3A_574 = arith.constant 4 : i32
      %get3A_575 = arith.index_cast %get3A_574 : i32 to index
      %get3A_576 = arith.constant 48 : index
      %get3A_577 = tpu.vector_load %arg7[%get3A_575, %get3A_576] {strides = array<i32>} : memref<20x64xf32, #tpu.memory_space<vmem>>, vector<16xf32>,
      %get3A_578 = arith.constant 5 : i32
      %get3A_579 = arith.index_cast %get3A_578 : i32 to index
      %get3A_580 = arith.constant 48 : index
      %get3A_581 = tpu.vector_load %arg7[%get3A_579, %get3A_580] {strides = array<i32>} : memref<20x64xf32, #tpu.memory_space<vmem>>, vector<16xf32>,
      %get3A_582 = arith.constant 6 : i32
      %get3A_583 = arith.index_cast %get3A_582 : i32 to index
      %get3A_584 = arith.constant 48 : index
      %get3A_585 = tpu.vector_load %arg7[%get3A_583, %get3A_584] {strides = array<i32>} : memref<20x64xf32, #tpu.memory_space<vmem>>, vector<16xf32>,
      %get3A_586 = arith.constant 7 : i32
      %get3A_587 = arith.index_cast %get3A_586 : i32 to index
      %get3A_588 = arith.constant 48 : index
      %get3A_589 = tpu.vector_load %arg7[%get3A_587, %get3A_588] {strides = array<i32>} : memref<20x64xf32, #tpu.memory_space<vmem>>, vector<16xf32>,
      %get3A_590 = arith.constant 8 : i32
      %get3A_591 = arith.index_cast %get3A_590 : i32 to index
      %get3A_592 = arith.constant 48 : index
      %get3A_593 = tpu.vector_load %arg7[%get3A_591, %get3A_592] {strides = array<i32>} : memref<20x64xf32, #tpu.memory_space<vmem>>, vector<16xf32>,
      %get3A_594 = arith.constant 9 : i32
      %get3A_595 = arith.index_cast %get3A_594 : i32 to index
      %get3A_596 = arith.constant 48 : index
      %get3A_597 = tpu.vector_load %arg7[%get3A_595, %get3A_596] {strides = array<i32>} : memref<20x64xf32, #tpu.memory_space<vmem>>, vector<16xf32>,
      %get3A_598 = arith.constant 10 : i32
      %get3A_599 = arith.index_cast %get3A_598 : i32 to index
      %get3A_600 = arith.constant 48 : index
      %get3A_601 = tpu.vector_load %arg7[%get3A_599, %get3A_600] {strides = array<i32>} : memref<20x64xf32, #tpu.memory_space<vmem>>, vector<16xf32>,
      %get3A_602 = arith.constant 11 : i32
      %get3A_603 = arith.index_cast %get3A_602 : i32 to index
      %get3A_604 = arith.constant 48 : index
      %get3A_605 = tpu.vector_load %arg7[%get3A_603, %get3A_604] {strides = array<i32>} : memref<20x64xf32, #tpu.memory_space<vmem>>, vector<16xf32>,
      %get3A_606 = arith.constant 12 : i32
      %get3A_607 = arith.index_cast %get3A_606 : i32 to index
      %get3A_608 = arith.constant 48 : index
      %get3A_609 = tpu.vector_load %arg7[%get3A_607, %get3A_608] {strides = array<i32>} : memref<20x64xf32, #tpu.memory_space<vmem>>, vector<16xf32>,
      %get3A_610 = arith.constant 13 : i32
      %get3A_611 = arith.index_cast %get3A_610 : i32 to index
      %get3A_612 = arith.constant 48 : index
      %get3A_613 = tpu.vector_load %arg7[%get3A_611, %get3A_612] {strides = array<i32>} : memref<20x64xf32, #tpu.memory_space<vmem>>, vector<16xf32>,
      %get3A_614 = arith.constant 14 : i32
      %get3A_615 = arith.index_cast %get3A_614 : i32 to index
      %get3A_616 = arith.constant 48 : index
      %get3A_617 = tpu.vector_load %arg7[%get3A_615, %get3A_616] {strides = array<i32>} : memref<20x64xf32, #tpu.memory_space<vmem>>, vector<16xf32>,
      %get3A_618 = arith.constant 15 : i32
      %get3A_619 = arith.index_cast %get3A_618 : i32 to index
      %get3A_620 = arith.constant 48 : index
      %get3A_621 = tpu.vector_load %arg7[%get3A_619, %get3A_620] {strides = array<i32>} : memref<20x64xf32, #tpu.memory_space<vmem>>, vector<16xf32>,
      %get3A_622 = arith.constant 16 : i32
      %get3A_623 = arith.index_cast %get3A_622 : i32 to index
      %get3A_624 = arith.constant 48 : index
      %get3A_625 = tpu.vector_load %arg7[%get3A_623, %get3A_624] {strides = array<i32>} : memref<20x64xf32, #tpu.memory_space<vmem>>, vector<16xf32>,
      %get3A_626 = arith.constant 17 : i32
      %get3A_627 = arith.index_cast %get3A_626 : i32 to index
      %get3A_628 = arith.constant 48 : index
      %get3A_629 = tpu.vector_load %arg7[%get3A_627, %get3A_628] {strides = array<i32>} : memref<20x64xf32, #tpu.memory_space<vmem>>, vector<16xf32>,
      %get3A_630 = arith.constant 18 : i32
      %get3A_631 = arith.index_cast %get3A_630 : i32 to index
      %get3A_632 = arith.constant 48 : index
      %get3A_633 = tpu.vector_load %arg7[%get3A_631, %get3A_632] {strides = array<i32>} : memref<20x64xf32, #tpu.memory_space<vmem>>, vector<16xf32>,
      %get3A_634 = arith.constant 19 : i32
      %get3A_635 = arith.index_cast %get3A_634 : i32 to index
      %get3A_636 = arith.constant 48 : index
      %get3A_637 = tpu.vector_load %arg7[%get3A_635, %get3A_636] {strides = array<i32>} : memref<20x64xf32, #tpu.memory_space<vmem>>, vector<16xf32>,
      %scan3A_638 = arith.constant 0 : i32
      %scan3A_639 = arith.constant 0 : i32
      %scan3A_640 = arith.constant 32 : i32
      %scan3A_641 = arith.addi %scan3A_639, %scan3A_640 : i32
      %scan3A_642 = arith.constant 1 : i32
      %scan3A_643 = scf.for %scan3A_1178 = %scan3A_639 to %scan3A_641 step %scan3A_642 iter_args(%scan3A_1179 = %scan3A_638) -> (i32)  : i32 {
        %mul3A_1180 = arith.constant 20 : i32
        %mul3A_1181 = arith.muli %scan3A_1178, %mul3A_1180 : i32
        %get3A_1182 = arith.constant 0 : i32
        %get3A_1183 = arith.index_cast %get3A_1182 : i32 to index
        %get3A_1184 = arith.index_cast %mul3A_1181 : i32 to index
        %get3A_1185 = arith.constant 32 : index
        %get3A_1186 = tpu.vector_load %arg8[%get3A_1183, %get3A_1184, %get3A_1185] {strides = array<i32>} : memref<2x640x64xbf16, #tpu.memory_space<vmem>>, vector<32xbf16>,
        %unpack3A = tpu.unpack_subelements %get3A_1186, 0 {pack_format = #tpu.pack_format<interleaved>} : vector<32xbf16> -> vector<16xf32>
        %unpack3A_1187 = tpu.unpack_subelements %get3A_1186, 1 {pack_format = #tpu.pack_format<interleaved>} : vector<32xbf16> -> vector<16xf32>
        %mul3A_1188 = arith.mulf %get3A_481, %unpack3A : vector<16xf32>
        %mul3A_1189 = arith.mulf %get3A_561, %unpack3A_1187 : vector<16xf32>
        %add3A_1190 = arith.constant 1 : i32
        %add3A_1191 = arith.addi %mul3A_1181, %add3A_1190 : i32
        %get3A_1192 = arith.constant 0 : i32
        %get3A_1193 = arith.index_cast %get3A_1192 : i32 to index
        %get3A_1194 = arith.index_cast %add3A_1191 : i32 to index
        %get3A_1195 = arith.constant 32 : index
        %get3A_1196 = tpu.vector_load %arg8[%get3A_1193, %get3A_1194, %get3A_1195] {strides = array<i32>} : memref<2x640x64xbf16, #tpu.memory_space<vmem>>, vector<32xbf16>,
        %unpack3A_1197 = tpu.unpack_subelements %get3A_1196, 0 {pack_format = #tpu.pack_format<interleaved>} : vector<32xbf16> -> vector<16xf32>
        %unpack3A_1198 = tpu.unpack_subelements %get3A_1196, 1 {pack_format = #tpu.pack_format<interleaved>} : vector<32xbf16> -> vector<16xf32>
        %mul3A_1199 = arith.mulf %get3A_485, %unpack3A_1197 : vector<16xf32>
        %add3A_1200 = arith.addf %mul3A_1188, %mul3A_1199 : vector<16xf32>
        %mul3A_1201 = arith.mulf %get3A_565, %unpack3A_1198 : vector<16xf32>
        %add3A_1202 = arith.addf %mul3A_1189, %mul3A_1201 : vector<16xf32>
        %add3A_1203 = arith.constant 2 : i32
        %add3A_1204 = arith.addi %mul3A_1181, %add3A_1203 : i32
        %get3A_1205 = arith.constant 0 : i32
        %get3A_1206 = arith.index_cast %get3A_1205 : i32 to index
        %get3A_1207 = arith.index_cast %add3A_1204 : i32 to index
        %get3A_1208 = arith.constant 32 : index
        %get3A_1209 = tpu.vector_load %arg8[%get3A_1206, %get3A_1207, %get3A_1208] {strides = array<i32>} : memref<2x640x64xbf16, #tpu.memory_space<vmem>>, vector<32xbf16>,
        %unpack3A_1210 = tpu.unpack_subelements %get3A_1209, 0 {pack_format = #tpu.pack_format<interleaved>} : vector<32xbf16> -> vector<16xf32>
        %unpack3A_1211 = tpu.unpack_subelements %get3A_1209, 1 {pack_format = #tpu.pack_format<interleaved>} : vector<32xbf16> -> vector<16xf32>
        %mul3A_1212 = arith.mulf %get3A_489, %unpack3A_1210 : vector<16xf32>
        %add3A_1213 = arith.addf %add3A_1200, %mul3A_1212 : vector<16xf32>
        %mul3A_1214 = arith.mulf %get3A_569, %unpack3A_1211 : vector<16xf32>
        %add3A_1215 = arith.addf %add3A_1202, %mul3A_1214 : vector<16xf32>
        %add3A_1216 = arith.constant 3 : i32
        %add3A_1217 = arith.addi %mul3A_1181, %add3A_1216 : i32
        %get3A_1218 = arith.constant 0 : i32
        %get3A_1219 = arith.index_cast %get3A_1218 : i32 to index
        %get3A_1220 = arith.index_cast %add3A_1217 : i32 to index
        %get3A_1221 = arith.constant 32 : index
        %get3A_1222 = tpu.vector_load %arg8[%get3A_1219, %get3A_1220, %get3A_1221] {strides = array<i32>} : memref<2x640x64xbf16, #tpu.memory_space<vmem>>, vector<32xbf16>,
        %unpack3A_1223 = tpu.unpack_subelements %get3A_1222, 0 {pack_format = #tpu.pack_format<interleaved>} : vector<32xbf16> -> vector<16xf32>
        %unpack3A_1224 = tpu.unpack_subelements %get3A_1222, 1 {pack_format = #tpu.pack_format<interleaved>} : vector<32xbf16> -> vector<16xf32>
        %mul3A_1225 = arith.mulf %get3A_493, %unpack3A_1223 : vector<16xf32>
        %add3A_1226 = arith.addf %add3A_1213, %mul3A_1225 : vector<16xf32>
        %mul3A_1227 = arith.mulf %get3A_573, %unpack3A_1224 : vector<16xf32>
        %add3A_1228 = arith.addf %add3A_1215, %mul3A_1227 : vector<16xf32>
        %add3A_1229 = arith.constant 4 : i32
        %add3A_1230 = arith.addi %mul3A_1181, %add3A_1229 : i32
        %get3A_1231 = arith.constant 0 : i32
        %get3A_1232 = arith.index_cast %get3A_1231 : i32 to index
        %get3A_1233 = arith.index_cast %add3A_1230 : i32 to index
        %get3A_1234 = arith.constant 32 : index
        %get3A_1235 = tpu.vector_load %arg8[%get3A_1232, %get3A_1233, %get3A_1234] {strides = array<i32>} : memref<2x640x64xbf16, #tpu.memory_space<vmem>>, vector<32xbf16>,
        %unpack3A_1236 = tpu.unpack_subelements %get3A_1235, 0 {pack_format = #tpu.pack_format<interleaved>} : vector<32xbf16> -> vector<16xf32>
        %unpack3A_1237 = tpu.unpack_subelements %get3A_1235, 1 {pack_format = #tpu.pack_format<interleaved>} : vector<32xbf16> -> vector<16xf32>
        %mul3A_1238 = arith.mulf %get3A_497, %unpack3A_1236 : vector<16xf32>
        %add3A_1239 = arith.addf %add3A_1226, %mul3A_1238 : vector<16xf32>
        %mul3A_1240 = arith.mulf %get3A_577, %unpack3A_1237 : vector<16xf32>
        %add3A_1241 = arith.addf %add3A_1228, %mul3A_1240 : vector<16xf32>
        %add3A_1242 = arith.constant 5 : i32
        %add3A_1243 = arith.addi %mul3A_1181, %add3A_1242 : i32
        %get3A_1244 = arith.constant 0 : i32
        %get3A_1245 = arith.index_cast %get3A_1244 : i32 to index
        %get3A_1246 = arith.index_cast %add3A_1243 : i32 to index
        %get3A_1247 = arith.constant 32 : index
        %get3A_1248 = tpu.vector_load %arg8[%get3A_1245, %get3A_1246, %get3A_1247] {strides = array<i32>} : memref<2x640x64xbf16, #tpu.memory_space<vmem>>, vector<32xbf16>,
        %unpack3A_1249 = tpu.unpack_subelements %get3A_1248, 0 {pack_format = #tpu.pack_format<interleaved>} : vector<32xbf16> -> vector<16xf32>
        %unpack3A_1250 = tpu.unpack_subelements %get3A_1248, 1 {pack_format = #tpu.pack_format<interleaved>} : vector<32xbf16> -> vector<16xf32>
        %mul3A_1251 = arith.mulf %get3A_501, %unpack3A_1249 : vector<16xf32>
        %add3A_1252 = arith.addf %add3A_1239, %mul3A_1251 : vector<16xf32>
        %mul3A_1253 = arith.mulf %get3A_581, %unpack3A_1250 : vector<16xf32>
        %add3A_1254 = arith.addf %add3A_1241, %mul3A_1253 : vector<16xf32>
        %add3A_1255 = arith.constant 6 : i32
        %add3A_1256 = arith.addi %mul3A_1181, %add3A_1255 : i32
        %get3A_1257 = arith.constant 0 : i32
        %get3A_1258 = arith.index_cast %get3A_1257 : i32 to index
        %get3A_1259 = arith.index_cast %add3A_1256 : i32 to index
        %get3A_1260 = arith.constant 32 : index
        %get3A_1261 = tpu.vector_load %arg8[%get3A_1258, %get3A_1259, %get3A_1260] {strides = array<i32>} : memref<2x640x64xbf16, #tpu.memory_space<vmem>>, vector<32xbf16>,
        %unpack3A_1262 = tpu.unpack_subelements %get3A_1261, 0 {pack_format = #tpu.pack_format<interleaved>} : vector<32xbf16> -> vector<16xf32>
        %unpack3A_1263 = tpu.unpack_subelements %get3A_1261, 1 {pack_format = #tpu.pack_format<interleaved>} : vector<32xbf16> -> vector<16xf32>
        %mul3A_1264 = arith.mulf %get3A_505, %unpack3A_1262 : vector<16xf32>
        %add3A_1265 = arith.addf %add3A_1252, %mul3A_1264 : vector<16xf32>
        %mul3A_1266 = arith.mulf %get3A_585, %unpack3A_1263 : vector<16xf32>
        %add3A_1267 = arith.addf %add3A_1254, %mul3A_1266 : vector<16xf32>
        %add3A_1268 = arith.constant 7 : i32
        %add3A_1269 = arith.addi %mul3A_1181, %add3A_1268 : i32
        %get3A_1270 = arith.constant 0 : i32
        %get3A_1271 = arith.index_cast %get3A_1270 : i32 to index
        %get3A_1272 = arith.index_cast %add3A_1269 : i32 to index
        %get3A_1273 = arith.constant 32 : index
        %get3A_1274 = tpu.vector_load %arg8[%get3A_1271, %get3A_1272, %get3A_1273] {strides = array<i32>} : memref<2x640x64xbf16, #tpu.memory_space<vmem>>, vector<32xbf16>,
        %unpack3A_1275 = tpu.unpack_subelements %get3A_1274, 0 {pack_format = #tpu.pack_format<interleaved>} : vector<32xbf16> -> vector<16xf32>
        %unpack3A_1276 = tpu.unpack_subelements %get3A_1274, 1 {pack_format = #tpu.pack_format<interleaved>} : vector<32xbf16> -> vector<16xf32>
        %mul3A_1277 = arith.mulf %get3A_509, %unpack3A_1275 : vector<16xf32>
        %add3A_1278 = arith.addf %add3A_1265, %mul3A_1277 : vector<16xf32>
        %mul3A_1279 = arith.mulf %get3A_589, %unpack3A_1276 : vector<16xf32>
        %add3A_1280 = arith.addf %add3A_1267, %mul3A_1279 : vector<16xf32>
        %add3A_1281 = arith.constant 8 : i32
        %add3A_1282 = arith.addi %mul3A_1181, %add3A_1281 : i32
        %get3A_1283 = arith.constant 0 : i32
        %get3A_1284 = arith.index_cast %get3A_1283 : i32 to index
        %get3A_1285 = arith.index_cast %add3A_1282 : i32 to index
        %get3A_1286 = arith.constant 32 : index
        %get3A_1287 = tpu.vector_load %arg8[%get3A_1284, %get3A_1285, %get3A_1286] {strides = array<i32>} : memref<2x640x64xbf16, #tpu.memory_space<vmem>>, vector<32xbf16>,
        %unpack3A_1288 = tpu.unpack_subelements %get3A_1287, 0 {pack_format = #tpu.pack_format<interleaved>} : vector<32xbf16> -> vector<16xf32>
        %unpack3A_1289 = tpu.unpack_subelements %get3A_1287, 1 {pack_format = #tpu.pack_format<interleaved>} : vector<32xbf16> -> vector<16xf32>
        %mul3A_1290 = arith.mulf %get3A_513, %unpack3A_1288 : vector<16xf32>
        %add3A_1291 = arith.addf %add3A_1278, %mul3A_1290 : vector<16xf32>
        %mul3A_1292 = arith.mulf %get3A_593, %unpack3A_1289 : vector<16xf32>
        %add3A_1293 = arith.addf %add3A_1280, %mul3A_1292 : vector<16xf32>
        %add3A_1294 = arith.constant 9 : i32
        %add3A_1295 = arith.addi %mul3A_1181, %add3A_1294 : i32
        %get3A_1296 = arith.constant 0 : i32
        %get3A_1297 = arith.index_cast %get3A_1296 : i32 to index
        %get3A_1298 = arith.index_cast %add3A_1295 : i32 to index
        %get3A_1299 = arith.constant 32 : index
        %get3A_1300 = tpu.vector_load %arg8[%get3A_1297, %get3A_1298, %get3A_1299] {strides = array<i32>} : memref<2x640x64xbf16, #tpu.memory_space<vmem>>, vector<32xbf16>,
        %unpack3A_1301 = tpu.unpack_subelements %get3A_1300, 0 {pack_format = #tpu.pack_format<interleaved>} : vector<32xbf16> -> vector<16xf32>
        %unpack3A_1302 = tpu.unpack_subelements %get3A_1300, 1 {pack_format = #tpu.pack_format<interleaved>} : vector<32xbf16> -> vector<16xf32>
        %mul3A_1303 = arith.mulf %get3A_517, %unpack3A_1301 : vector<16xf32>
        %add3A_1304 = arith.addf %add3A_1291, %mul3A_1303 : vector<16xf32>
        %mul3A_1305 = arith.mulf %get3A_597, %unpack3A_1302 : vector<16xf32>
        %add3A_1306 = arith.addf %add3A_1293, %mul3A_1305 : vector<16xf32>
        %add3A_1307 = arith.constant 10 : i32
        %add3A_1308 = arith.addi %mul3A_1181, %add3A_1307 : i32
        %get3A_1309 = arith.constant 0 : i32
        %get3A_1310 = arith.index_cast %get3A_1309 : i32 to index
        %get3A_1311 = arith.index_cast %add3A_1308 : i32 to index
        %get3A_1312 = arith.constant 32 : index
        %get3A_1313 = tpu.vector_load %arg8[%get3A_1310, %get3A_1311, %get3A_1312] {strides = array<i32>} : memref<2x640x64xbf16, #tpu.memory_space<vmem>>, vector<32xbf16>,
        %unpack3A_1314 = tpu.unpack_subelements %get3A_1313, 0 {pack_format = #tpu.pack_format<interleaved>} : vector<32xbf16> -> vector<16xf32>
        %unpack3A_1315 = tpu.unpack_subelements %get3A_1313, 1 {pack_format = #tpu.pack_format<interleaved>} : vector<32xbf16> -> vector<16xf32>
        %mul3A_1316 = arith.mulf %get3A_521, %unpack3A_1314 : vector<16xf32>
        %add3A_1317 = arith.addf %add3A_1304, %mul3A_1316 : vector<16xf32>
        %mul3A_1318 = arith.mulf %get3A_601, %unpack3A_1315 : vector<16xf32>
        %add3A_1319 = arith.addf %add3A_1306, %mul3A_1318 : vector<16xf32>
        %add3A_1320 = arith.constant 11 : i32
        %add3A_1321 = arith.addi %mul3A_1181, %add3A_1320 : i32
        %get3A_1322 = arith.constant 0 : i32
        %get3A_1323 = arith.index_cast %get3A_1322 : i32 to index
        %get3A_1324 = arith.index_cast %add3A_1321 : i32 to index
        %get3A_1325 = arith.constant 32 : index
        %get3A_1326 = tpu.vector_load %arg8[%get3A_1323, %get3A_1324, %get3A_1325] {strides = array<i32>} : memref<2x640x64xbf16, #tpu.memory_space<vmem>>, vector<32xbf16>,
        %unpack3A_1327 = tpu.unpack_subelements %get3A_1326, 0 {pack_format = #tpu.pack_format<interleaved>} : vector<32xbf16> -> vector<16xf32>
        %unpack3A_1328 = tpu.unpack_subelements %get3A_1326, 1 {pack_format = #tpu.pack_format<interleaved>} : vector<32xbf16> -> vector<16xf32>
        %mul3A_1329 = arith.mulf %get3A_525, %unpack3A_1327 : vector<16xf32>
        %add3A_1330 = arith.addf %add3A_1317, %mul3A_1329 : vector<16xf32>
        %mul3A_1331 = arith.mulf %get3A_605, %unpack3A_1328 : vector<16xf32>
        %add3A_1332 = arith.addf %add3A_1319, %mul3A_1331 : vector<16xf32>
        %add3A_1333 = arith.constant 12 : i32
        %add3A_1334 = arith.addi %mul3A_1181, %add3A_1333 : i32
        %get3A_1335 = arith.constant 0 : i32
        %get3A_1336 = arith.index_cast %get3A_1335 : i32 to index
        %get3A_1337 = arith.index_cast %add3A_1334 : i32 to index
        %get3A_1338 = arith.constant 32 : index
        %get3A_1339 = tpu.vector_load %arg8[%get3A_1336, %get3A_1337, %get3A_1338] {strides = array<i32>} : memref<2x640x64xbf16, #tpu.memory_space<vmem>>, vector<32xbf16>,
        %unpack3A_1340 = tpu.unpack_subelements %get3A_1339, 0 {pack_format = #tpu.pack_format<interleaved>} : vector<32xbf16> -> vector<16xf32>
        %unpack3A_1341 = tpu.unpack_subelements %get3A_1339, 1 {pack_format = #tpu.pack_format<interleaved>} : vector<32xbf16> -> vector<16xf32>
        %mul3A_1342 = arith.mulf %get3A_529, %unpack3A_1340 : vector<16xf32>
        %add3A_1343 = arith.addf %add3A_1330, %mul3A_1342 : vector<16xf32>
        %mul3A_1344 = arith.mulf %get3A_609, %unpack3A_1341 : vector<16xf32>
        %add3A_1345 = arith.addf %add3A_1332, %mul3A_1344 : vector<16xf32>
        %add3A_1346 = arith.constant 13 : i32
        %add3A_1347 = arith.addi %mul3A_1181, %add3A_1346 : i32
        %get3A_1348 = arith.constant 0 : i32
        %get3A_1349 = arith.index_cast %get3A_1348 : i32 to index
        %get3A_1350 = arith.index_cast %add3A_1347 : i32 to index
        %get3A_1351 = arith.constant 32 : index
        %get3A_1352 = tpu.vector_load %arg8[%get3A_1349, %get3A_1350, %get3A_1351] {strides = array<i32>} : memref<2x640x64xbf16, #tpu.memory_space<vmem>>, vector<32xbf16>,
        %unpack3A_1353 = tpu.unpack_subelements %get3A_1352, 0 {pack_format = #tpu.pack_format<interleaved>} : vector<32xbf16> -> vector<16xf32>
        %unpack3A_1354 = tpu.unpack_subelements %get3A_1352, 1 {pack_format = #tpu.pack_format<interleaved>} : vector<32xbf16> -> vector<16xf32>
        %mul3A_1355 = arith.mulf %get3A_533, %unpack3A_1353 : vector<16xf32>
        %add3A_1356 = arith.addf %add3A_1343, %mul3A_1355 : vector<16xf32>
        %mul3A_1357 = arith.mulf %get3A_613, %unpack3A_1354 : vector<16xf32>
        %add3A_1358 = arith.addf %add3A_1345, %mul3A_1357 : vector<16xf32>
        %add3A_1359 = arith.constant 14 : i32
        %add3A_1360 = arith.addi %mul3A_1181, %add3A_1359 : i32
        %get3A_1361 = arith.constant 0 : i32
        %get3A_1362 = arith.index_cast %get3A_1361 : i32 to index
        %get3A_1363 = arith.index_cast %add3A_1360 : i32 to index
        %get3A_1364 = arith.constant 32 : index
        %get3A_1365 = tpu.vector_load %arg8[%get3A_1362, %get3A_1363, %get3A_1364] {strides = array<i32>} : memref<2x640x64xbf16, #tpu.memory_space<vmem>>, vector<32xbf16>,
        %unpack3A_1366 = tpu.unpack_subelements %get3A_1365, 0 {pack_format = #tpu.pack_format<interleaved>} : vector<32xbf16> -> vector<16xf32>
        %unpack3A_1367 = tpu.unpack_subelements %get3A_1365, 1 {pack_format = #tpu.pack_format<interleaved>} : vector<32xbf16> -> vector<16xf32>
        %mul3A_1368 = arith.mulf %get3A_537, %unpack3A_1366 : vector<16xf32>
        %add3A_1369 = arith.addf %add3A_1356, %mul3A_1368 : vector<16xf32>
        %mul3A_1370 = arith.mulf %get3A_617, %unpack3A_1367 : vector<16xf32>
        %add3A_1371 = arith.addf %add3A_1358, %mul3A_1370 : vector<16xf32>
        %add3A_1372 = arith.constant 15 : i32
        %add3A_1373 = arith.addi %mul3A_1181, %add3A_1372 : i32
        %get3A_1374 = arith.constant 0 : i32
        %get3A_1375 = arith.index_cast %get3A_1374 : i32 to index
        %get3A_1376 = arith.index_cast %add3A_1373 : i32 to index
        %get3A_1377 = arith.constant 32 : index
        %get3A_1378 = tpu.vector_load %arg8[%get3A_1375, %get3A_1376, %get3A_1377] {strides = array<i32>} : memref<2x640x64xbf16, #tpu.memory_space<vmem>>, vector<32xbf16>,
        %unpack3A_1379 = tpu.unpack_subelements %get3A_1378, 0 {pack_format = #tpu.pack_format<interleaved>} : vector<32xbf16> -> vector<16xf32>
        %unpack3A_1380 = tpu.unpack_subelements %get3A_1378, 1 {pack_format = #tpu.pack_format<interleaved>} : vector<32xbf16> -> vector<16xf32>
        %mul3A_1381 = arith.mulf %get3A_541, %unpack3A_1379 : vector<16xf32>
        %add3A_1382 = arith.addf %add3A_1369, %mul3A_1381 : vector<16xf32>
        %mul3A_1383 = arith.mulf %get3A_621, %unpack3A_1380 : vector<16xf32>
        %add3A_1384 = arith.addf %add3A_1371, %mul3A_1383 : vector<16xf32>
        %add3A_1385 = arith.constant 16 : i32
        %add3A_1386 = arith.addi %mul3A_1181, %add3A_1385 : i32
        %get3A_1387 = arith.constant 0 : i32
        %get3A_1388 = arith.index_cast %get3A_1387 : i32 to index
        %get3A_1389 = arith.index_cast %add3A_1386 : i32 to index
        %get3A_1390 = arith.constant 32 : index
        %get3A_1391 = tpu.vector_load %arg8[%get3A_1388, %get3A_1389, %get3A_1390] {strides = array<i32>} : memref<2x640x64xbf16, #tpu.memory_space<vmem>>, vector<32xbf16>,
        %unpack3A_1392 = tpu.unpack_subelements %get3A_1391, 0 {pack_format = #tpu.pack_format<interleaved>} : vector<32xbf16> -> vector<16xf32>
        %unpack3A_1393 = tpu.unpack_subelements %get3A_1391, 1 {pack_format = #tpu.pack_format<interleaved>} : vector<32xbf16> -> vector<16xf32>
        %mul3A_1394 = arith.mulf %get3A_545, %unpack3A_1392 : vector<16xf32>
        %add3A_1395 = arith.addf %add3A_1382, %mul3A_1394 : vector<16xf32>
        %mul3A_1396 = arith.mulf %get3A_625, %unpack3A_1393 : vector<16xf32>
        %add3A_1397 = arith.addf %add3A_1384, %mul3A_1396 : vector<16xf32>
        %add3A_1398 = arith.constant 17 : i32
        %add3A_1399 = arith.addi %mul3A_1181, %add3A_1398 : i32
        %get3A_1400 = arith.constant 0 : i32
        %get3A_1401 = arith.index_cast %get3A_1400 : i32 to index
        %get3A_1402 = arith.index_cast %add3A_1399 : i32 to index
        %get3A_1403 = arith.constant 32 : index
        %get3A_1404 = tpu.vector_load %arg8[%get3A_1401, %get3A_1402, %get3A_1403] {strides = array<i32>} : memref<2x640x64xbf16, #tpu.memory_space<vmem>>, vector<32xbf16>,
        %unpack3A_1405 = tpu.unpack_subelements %get3A_1404, 0 {pack_format = #tpu.pack_format<interleaved>} : vector<32xbf16> -> vector<16xf32>
        %unpack3A_1406 = tpu.unpack_subelements %get3A_1404, 1 {pack_format = #tpu.pack_format<interleaved>} : vector<32xbf16> -> vector<16xf32>
        %mul3A_1407 = arith.mulf %get3A_549, %unpack3A_1405 : vector<16xf32>
        %add3A_1408 = arith.addf %add3A_1395, %mul3A_1407 : vector<16xf32>
        %mul3A_1409 = arith.mulf %get3A_629, %unpack3A_1406 : vector<16xf32>
        %add3A_1410 = arith.addf %add3A_1397, %mul3A_1409 : vector<16xf32>
        %add3A_1411 = arith.constant 18 : i32
        %add3A_1412 = arith.addi %mul3A_1181, %add3A_1411 : i32
        %get3A_1413 = arith.constant 0 : i32
        %get3A_1414 = arith.index_cast %get3A_1413 : i32 to index
        %get3A_1415 = arith.index_cast %add3A_1412 : i32 to index
        %get3A_1416 = arith.constant 32 : index
        %get3A_1417 = tpu.vector_load %arg8[%get3A_1414, %get3A_1415, %get3A_1416] {strides = array<i32>} : memref<2x640x64xbf16, #tpu.memory_space<vmem>>, vector<32xbf16>,
        %unpack3A_1418 = tpu.unpack_subelements %get3A_1417, 0 {pack_format = #tpu.pack_format<interleaved>} : vector<32xbf16> -> vector<16xf32>
        %unpack3A_1419 = tpu.unpack_subelements %get3A_1417, 1 {pack_format = #tpu.pack_format<interleaved>} : vector<32xbf16> -> vector<16xf32>
        %mul3A_1420 = arith.mulf %get3A_553, %unpack3A_1418 : vector<16xf32>
        %add3A_1421 = arith.addf %add3A_1408, %mul3A_1420 : vector<16xf32>
        %mul3A_1422 = arith.mulf %get3A_633, %unpack3A_1419 : vector<16xf32>
        %add3A_1423 = arith.addf %add3A_1410, %mul3A_1422 : vector<16xf32>
        %add3A_1424 = arith.constant 19 : i32
        %add3A_1425 = arith.addi %mul3A_1181, %add3A_1424 : i32
        %get3A_1426 = arith.constant 0 : i32
        %get3A_1427 = arith.index_cast %get3A_1426 : i32 to index
        %get3A_1428 = arith.index_cast %add3A_1425 : i32 to index
        %get3A_1429 = arith.constant 32 : index
        %get3A_1430 = tpu.vector_load %arg8[%get3A_1427, %get3A_1428, %get3A_1429] {strides = array<i32>} : memref<2x640x64xbf16, #tpu.memory_space<vmem>>, vector<32xbf16>,
        %unpack3A_1431 = tpu.unpack_subelements %get3A_1430, 0 {pack_format = #tpu.pack_format<interleaved>} : vector<32xbf16> -> vector<16xf32>
        %unpack3A_1432 = tpu.unpack_subelements %get3A_1430, 1 {pack_format = #tpu.pack_format<interleaved>} : vector<32xbf16> -> vector<16xf32>
        %mul3A_1433 = arith.mulf %get3A_557, %unpack3A_1431 : vector<16xf32>
        %add3A_1434 = arith.addf %add3A_1421, %mul3A_1433 : vector<16xf32>
        %mul3A_1435 = arith.mulf %get3A_637, %unpack3A_1432 : vector<16xf32>
        %add3A_1436 = arith.addf %add3A_1423, %mul3A_1435 : vector<16xf32>
        %swap3A_1437 = arith.constant 0 : i32
        %swap3A_1438 = arith.index_cast %swap3A_1437 : i32 to index
        %swap3A_1439 = arith.index_cast %scan3A_1178 : i32 to index
        %swap3A_1440 = arith.constant 32 : index
        %swap3A_1441 = tpu.vector_load %arg9[%swap3A_1438, %swap3A_1439, %swap3A_1440] {strides = array<i32>} : memref<2x32x64xf32, #tpu.memory_space<vmem>>, vector<16xf32>,
        tpu.vector_store %arg9[%swap3A_1438, %swap3A_1439, %swap3A_1440], %add3A_1434 {strides = array<i32>} : memref<2x32x64xf32, #tpu.memory_space<vmem>>, vector<16xf32>,
        %swap3A_1442 = arith.constant 0 : i32
        %swap3A_1443 = arith.index_cast %swap3A_1442 : i32 to index
        %swap3A_1444 = arith.index_cast %scan3A_1178 : i32 to index
        %swap3A_1445 = arith.constant 48 : index
        %swap3A_1446 = tpu.vector_load %arg9[%swap3A_1443, %swap3A_1444, %swap3A_1445] {strides = array<i32>} : memref<2x32x64xf32, #tpu.memory_space<vmem>>, vector<16xf32>,
        tpu.vector_store %arg9[%swap3A_1443, %swap3A_1444, %swap3A_1445], %add3A_1436 {strides = array<i32>} : memref<2x32x64xf32, #tpu.memory_space<vmem>>, vector<16xf32>,
        %scan3A_1447 = arith.constant 0 : i32
        scf.yield %scan3A_1447 : i32
      }
      %scan3A_644 = arith.constant 32 : i32
      %dma_start3A_645 = arith.constant 0 : i32
      %dma_start3A_646 = arith.constant 0 : i32
      %dma_start3A_647 = arith.constant 0 : i32
      %dma_start3A_648 = arith.constant 0 : i32
      %dma_start3A_649 = tpu.memref_slice %arg9[%dma_start3A_645, %dma_start3A_647, %dma_start3A_648] : memref<2x32x64xf32, #tpu.memory_space<vmem>> -> memref<1x32x64xf32, #tpu.memory_space<vmem>>
      %dma_start3A_650 = tpu.memref_squeeze %dma_start3A_649 : memref<1x32x64xf32, #tpu.memory_space<vmem>> -> memref<32x64xf32, #tpu.memory_space<vmem>>
      %dma_start3A_651 = arith.constant 0 : i32
      %dma_start3A_652 = tpu.memref_slice %arg10[%dma_start3A_646, %dma_start3A_651] : memref<2x32xi32, #tpu.memory_space<vmem>> -> memref<1x32xi32, #tpu.memory_space<vmem>>
      %dma_start3A_653 = tpu.memref_squeeze %dma_start3A_652 : memref<1x32xi32, #tpu.memory_space<vmem>> -> memref<32xi32, #tpu.memory_space<vmem>>
      %dma_start3A_654 = arith.constant 0 : i32
      %dma_start3A_655 = arith.constant 0 : i32
      %dma_start3A_656 = tpu.memref_slice %arg5[%dma_start3A_654, %dma_start3A_655] : memref<51200x64xf32, #tpu.memory_space<hbm>> -> memref<51200x64xf32, #tpu.memory_space<hbm>>
      tpu.enqueue_indirect_dma source(%dma_start3A_650 : memref<32x64xf32, #tpu.memory_space<vmem>>) target(%dma_start3A_656 : memref<51200x64xf32, #tpu.memory_space<hbm>>) offsets(%dma_start3A_653 : memref<32xi32, #tpu.memory_space<vmem>>) semaphore(%arg13 : memref<!tpu.dma_semaphore, #tpu.memory_space<semaphore_mem>>)
      %add3A_657 = arith.constant 0 : i32
      %add3A_658 = arith.addi %mul3A_168, %add3A_657 : i32
      %add3A_659 = arith.constant 2 : i32
      %add3A_660 = arith.addi %add3A_658, %add3A_659 : i32
      %lt3A_661 = arith.constant 50 : i32
      %lt3A_662 = arith.cmpi slt, %add3A_660, %lt3A_661 : i32
      %convert_element_type3A_663 = arith.extui %lt3A_662 : i1 to i32
      %cond3A_664 = arith.constant 0 : i32
      %cond3A_665 = arith.cmpi ne, %convert_element_type3A_663, %cond3A_664 : i32
      scf.if %cond3A_665 {
        %add3A_1178 = arith.constant 0 : i32
        %add3A_1179 = arith.addi %mul3A_168, %add3A_1178 : i32
        %add3A_1180 = arith.constant 2 : i32
        %add3A_1181 = arith.addi %add3A_1179, %add3A_1180 : i32
        %mul3A_1182 = arith.constant 5 : i32
        %mul3A_1183 = arith.muli %add3A_1181, %mul3A_1182 : i32
        %add3A_1184 = arith.constant 0 : i32
        %add3A_1185 = arith.addi %mul3A_1183, %add3A_1184 : i32
        %mul3A_1186 = arith.constant 128 : i32
        %mul3A_1187 = arith.muli %add3A_1185, %mul3A_1186 : i32
        %dma_start3A_1188 = arith.constant 0 : i32
        %dma_start3A_1189 = arith.constant 0 : i32
        %dma_start3A_1190 = arith.constant 0 : i32
        %dma_start3A_1191 = tpu.memref_slice %arg8[%dma_start3A_1188, %dma_start3A_1189, %dma_start3A_1190] : memref<2x640x64xbf16, #tpu.memory_space<vmem>> -> memref<1x640x64xbf16, #tpu.memory_space<vmem>>
        %dma_start3A_1192 = tpu.memref_squeeze %dma_start3A_1191 : memref<1x640x64xbf16, #tpu.memory_space<vmem>> -> memref<640x64xbf16, #tpu.memory_space<vmem>>
        %dma_start3A_1193 = arith.constant 0 : i32
        %dma_start3A_1194 = arith.constant 0 : i32
        %dma_start3A_1195 = tpu.memref_slice %dma_start3A_1192[%dma_start3A_1193, %dma_start3A_1194] : memref<640x64xbf16, #tpu.memory_space<vmem>> -> memref<128x64xbf16, #tpu.memory_space<vmem>>
        %dma_start3A_1196 = tpu.memref_slice %arg6[%mul3A_1187] : memref<32000xi32, #tpu.memory_space<vmem>> -> memref<128xi32, #tpu.memory_space<vmem>>
        %dma_start3A_1197 = arith.constant 0 : i32
        %dma_start3A_1198 = arith.constant 0 : i32
        %dma_start3A_1199 = tpu.memref_slice %arg3[%dma_start3A_1197, %dma_start3A_1198] : memref<100000x64xbf16, #tpu.memory_space<hbm>> -> memref<100000x64xbf16, #tpu.memory_space<hbm>>
        tpu.enqueue_indirect_dma source(%dma_start3A_1199 : memref<100000x64xbf16, #tpu.memory_space<hbm>>) target(%dma_start3A_1195 : memref<128x64xbf16, #tpu.memory_space<vmem>>) offsets(%dma_start3A_1196 : memref<128xi32, #tpu.memory_space<vmem>>) semaphore(%arg11 : memref<!tpu.dma_semaphore, #tpu.memory_space<semaphore_mem>>)
        %mul3A_1200 = arith.constant 5 : i32
        %mul3A_1201 = arith.muli %add3A_1181, %mul3A_1200 : i32
        %add3A_1202 = arith.constant 1 : i32
        %add3A_1203 = arith.addi %mul3A_1201, %add3A_1202 : i32
        %mul3A_1204 = arith.constant 128 : i32
        %mul3A_1205 = arith.muli %add3A_1203, %mul3A_1204 : i32
        %dma_start3A_1206 = arith.constant 0 : i32
        %dma_start3A_1207 = arith.constant 0 : i32
        %dma_start3A_1208 = arith.constant 0 : i32
        %dma_start3A_1209 = tpu.memref_slice %arg8[%dma_start3A_1206, %dma_start3A_1207, %dma_start3A_1208] : memref<2x640x64xbf16, #tpu.memory_space<vmem>> -> memref<1x640x64xbf16, #tpu.memory_space<vmem>>
        %dma_start3A_1210 = tpu.memref_squeeze %dma_start3A_1209 : memref<1x640x64xbf16, #tpu.memory_space<vmem>> -> memref<640x64xbf16, #tpu.memory_space<vmem>>
        %dma_start3A_1211 = arith.constant 128 : i32
        %dma_start3A_1212 = arith.constant 0 : i32
        %dma_start3A_1213 = tpu.memref_slice %dma_start3A_1210[%dma_start3A_1211, %dma_start3A_1212] : memref<640x64xbf16, #tpu.memory_space<vmem>> -> memref<128x64xbf16, #tpu.memory_space<vmem>>
        %dma_start3A_1214 = tpu.memref_slice %arg6[%mul3A_1205] : memref<32000xi32, #tpu.memory_space<vmem>> -> memref<128xi32, #tpu.memory_space<vmem>>
        %dma_start3A_1215 = arith.constant 0 : i32
        %dma_start3A_1216 = arith.constant 0 : i32
        %dma_start3A_1217 = tpu.memref_slice %arg3[%dma_start3A_1215, %dma_start3A_1216] : memref<100000x64xbf16, #tpu.memory_space<hbm>> -> memref<100000x64xbf16, #tpu.memory_space<hbm>>
        tpu.enqueue_indirect_dma source(%dma_start3A_1217 : memref<100000x64xbf16, #tpu.memory_space<hbm>>) target(%dma_start3A_1213 : memref<128x64xbf16, #tpu.memory_space<vmem>>) offsets(%dma_start3A_1214 : memref<128xi32, #tpu.memory_space<vmem>>) semaphore(%arg11 : memref<!tpu.dma_semaphore, #tpu.memory_space<semaphore_mem>>)
        %mul3A_1218 = arith.constant 5 : i32
        %mul3A_1219 = arith.muli %add3A_1181, %mul3A_1218 : i32
        %add3A_1220 = arith.constant 2 : i32
        %add3A_1221 = arith.addi %mul3A_1219, %add3A_1220 : i32
        %mul3A_1222 = arith.constant 128 : i32
        %mul3A_1223 = arith.muli %add3A_1221, %mul3A_1222 : i32
        %dma_start3A_1224 = arith.constant 0 : i32
        %dma_start3A_1225 = arith.constant 0 : i32
        %dma_start3A_1226 = arith.constant 0 : i32
        %dma_start3A_1227 = tpu.memref_slice %arg8[%dma_start3A_1224, %dma_start3A_1225, %dma_start3A_1226] : memref<2x640x64xbf16, #tpu.memory_space<vmem>> -> memref<1x640x64xbf16, #tpu.memory_space<vmem>>
        %dma_start3A_1228 = tpu.memref_squeeze %dma_start3A_1227 : memref<1x640x64xbf16, #tpu.memory_space<vmem>> -> memref<640x64xbf16, #tpu.memory_space<vmem>>
        %dma_start3A_1229 = arith.constant 256 : i32
        %dma_start3A_1230 = arith.constant 0 : i32
        %dma_start3A_1231 = tpu.memref_slice %dma_start3A_1228[%dma_start3A_1229, %dma_start3A_1230] : memref<640x64xbf16, #tpu.memory_space<vmem>> -> memref<128x64xbf16, #tpu.memory_space<vmem>>
        %dma_start3A_1232 = tpu.memref_slice %arg6[%mul3A_1223] : memref<32000xi32, #tpu.memory_space<vmem>> -> memref<128xi32, #tpu.memory_space<vmem>>
        %dma_start3A_1233 = arith.constant 0 : i32
        %dma_start3A_1234 = arith.constant 0 : i32
        %dma_start3A_1235 = tpu.memref_slice %arg3[%dma_start3A_1233, %dma_start3A_1234] : memref<100000x64xbf16, #tpu.memory_space<hbm>> -> memref<100000x64xbf16, #tpu.memory_space<hbm>>
        tpu.enqueue_indirect_dma source(%dma_start3A_1235 : memref<100000x64xbf16, #tpu.memory_space<hbm>>) target(%dma_start3A_1231 : memref<128x64xbf16, #tpu.memory_space<vmem>>) offsets(%dma_start3A_1232 : memref<128xi32, #tpu.memory_space<vmem>>) semaphore(%arg11 : memref<!tpu.dma_semaphore, #tpu.memory_space<semaphore_mem>>)
        %mul3A_1236 = arith.constant 5 : i32
        %mul3A_1237 = arith.muli %add3A_1181, %mul3A_1236 : i32
        %add3A_1238 = arith.constant 3 : i32
        %add3A_1239 = arith.addi %mul3A_1237, %add3A_1238 : i32
        %mul3A_1240 = arith.constant 128 : i32
        %mul3A_1241 = arith.muli %add3A_1239, %mul3A_1240 : i32
        %dma_start3A_1242 = arith.constant 0 : i32
        %dma_start3A_1243 = arith.constant 0 : i32
        %dma_start3A_1244 = arith.constant 0 : i32
        %dma_start3A_1245 = tpu.memref_slice %arg8[%dma_start3A_1242, %dma_start3A_1243, %dma_start3A_1244] : memref<2x640x64xbf16, #tpu.memory_space<vmem>> -> memref<1x640x64xbf16, #tpu.memory_space<vmem>>
        %dma_start3A_1246 = tpu.memref_squeeze %dma_start3A_1245 : memref<1x640x64xbf16, #tpu.memory_space<vmem>> -> memref<640x64xbf16, #tpu.memory_space<vmem>>
        %dma_start3A_1247 = arith.constant 384 : i32
        %dma_start3A_1248 = arith.constant 0 : i32
        %dma_start3A_1249 = tpu.memref_slice %dma_start3A_1246[%dma_start3A_1247, %dma_start3A_1248] : memref<640x64xbf16, #tpu.memory_space<vmem>> -> memref<128x64xbf16, #tpu.memory_space<vmem>>
        %dma_start3A_1250 = tpu.memref_slice %arg6[%mul3A_1241] : memref<32000xi32, #tpu.memory_space<vmem>> -> memref<128xi32, #tpu.memory_space<vmem>>
        %dma_start3A_1251 = arith.constant 0 : i32
        %dma_start3A_1252 = arith.constant 0 : i32
        %dma_start3A_1253 = tpu.memref_slice %arg3[%dma_start3A_1251, %dma_start3A_1252] : memref<100000x64xbf16, #tpu.memory_space<hbm>> -> memref<100000x64xbf16, #tpu.memory_space<hbm>>
        tpu.enqueue_indirect_dma source(%dma_start3A_1253 : memref<100000x64xbf16, #tpu.memory_space<hbm>>) target(%dma_start3A_1249 : memref<128x64xbf16, #tpu.memory_space<vmem>>) offsets(%dma_start3A_1250 : memref<128xi32, #tpu.memory_space<vmem>>) semaphore(%arg11 : memref<!tpu.dma_semaphore, #tpu.memory_space<semaphore_mem>>)
        %mul3A_1254 = arith.constant 5 : i32
        %mul3A_1255 = arith.muli %add3A_1181, %mul3A_1254 : i32
        %add3A_1256 = arith.constant 4 : i32
        %add3A_1257 = arith.addi %mul3A_1255, %add3A_1256 : i32
        %mul3A_1258 = arith.constant 128 : i32
        %mul3A_1259 = arith.muli %add3A_1257, %mul3A_1258 : i32
        %dma_start3A_1260 = arith.constant 0 : i32
        %dma_start3A_1261 = arith.constant 0 : i32
        %dma_start3A_1262 = arith.constant 0 : i32
        %dma_start3A_1263 = tpu.memref_slice %arg8[%dma_start3A_1260, %dma_start3A_1261, %dma_start3A_1262] : memref<2x640x64xbf16, #tpu.memory_space<vmem>> -> memref<1x640x64xbf16, #tpu.memory_space<vmem>>
        %dma_start3A_1264 = tpu.memref_squeeze %dma_start3A_1263 : memref<1x640x64xbf16, #tpu.memory_space<vmem>> -> memref<640x64xbf16, #tpu.memory_space<vmem>>
        %dma_start3A_1265 = arith.constant 512 : i32
        %dma_start3A_1266 = arith.constant 0 : i32
        %dma_start3A_1267 = tpu.memref_slice %dma_start3A_1264[%dma_start3A_1265, %dma_start3A_1266] : memref<640x64xbf16, #tpu.memory_space<vmem>> -> memref<128x64xbf16, #tpu.memory_space<vmem>>
        %dma_start3A_1268 = tpu.memref_slice %arg6[%mul3A_1259] : memref<32000xi32, #tpu.memory_space<vmem>> -> memref<128xi32, #tpu.memory_space<vmem>>
        %dma_start3A_1269 = arith.constant 0 : i32
        %dma_start3A_1270 = arith.constant 0 : i32
        %dma_start3A_1271 = tpu.memref_slice %arg3[%dma_start3A_1269, %dma_start3A_1270] : memref<100000x64xbf16, #tpu.memory_space<hbm>> -> memref<100000x64xbf16, #tpu.memory_space<hbm>>
        tpu.enqueue_indirect_dma source(%dma_start3A_1271 : memref<100000x64xbf16, #tpu.memory_space<hbm>>) target(%dma_start3A_1267 : memref<128x64xbf16, #tpu.memory_space<vmem>>) offsets(%dma_start3A_1268 : memref<128xi32, #tpu.memory_space<vmem>>) semaphore(%arg11 : memref<!tpu.dma_semaphore, #tpu.memory_space<semaphore_mem>>)
      } else {
      }
      %dma_wait3A_666 = arith.constant 1 : i32
      %dma_wait3A_667 = arith.constant 0 : i32
      %dma_wait3A_668 = arith.constant 0 : i32
      %dma_wait3A_669 = tpu.memref_slice %arg8[%dma_wait3A_666, %dma_wait3A_667, %dma_wait3A_668] : memref<2x640x64xbf16, #tpu.memory_space<vmem>> -> memref<1x640x64xbf16, #tpu.memory_space<vmem>>
      %dma_wait3A_670 = tpu.memref_squeeze %dma_wait3A_669 : memref<1x640x64xbf16, #tpu.memory_space<vmem>> -> memref<640x64xbf16, #tpu.memory_space<vmem>>
      %dma_wait3A_671 = arith.constant 0 : i32
      %dma_wait3A_672 = arith.constant 0 : i32
      %dma_wait3A_673 = tpu.memref_slice %arg3[%dma_wait3A_671, %dma_wait3A_672] : memref<100000x64xbf16, #tpu.memory_space<hbm>> -> memref<640x64xbf16, #tpu.memory_space<hbm>>
      %dma_wait3A_674 = arith.constant 0 : i32
      %dma_wait3A_675 = arith.constant 0 : i32
      %dma_wait3A_676 = tpu.memref_slice %arg8[%dma_wait3A_666, %dma_wait3A_674, %dma_wait3A_675] : memref<2x640x64xbf16, #tpu.memory_space<vmem>> -> memref<1x640x64xbf16, #tpu.memory_space<vmem>>
      %dma_wait3A_677 = tpu.memref_squeeze %dma_wait3A_676 : memref<1x640x64xbf16, #tpu.memory_space<vmem>> -> memref<640x64xbf16, #tpu.memory_space<vmem>>
      %dma_wait3A_678 = arith.constant 0 : i32
      %dma_wait3A_679 = arith.constant 0 : i32
      %dma_wait3A_680 = tpu.memref_slice %arg3[%dma_wait3A_678, %dma_wait3A_679] : memref<100000x64xbf16, #tpu.memory_space<hbm>> -> memref<640x64xbf16, #tpu.memory_space<hbm>>
      tpu.wait_dma2 semaphore(%arg12 : memref<!tpu.dma_semaphore, #tpu.memory_space<semaphore_mem>>) src(%dma_wait3A_680 : memref<640x64xbf16, #tpu.memory_space<hbm>>) dst(%dma_wait3A_677 : memref<640x64xbf16, #tpu.memory_space<vmem>>)
      %add3A_681 = arith.constant 1 : i32
      %add3A_682 = arith.addi %mul3A_168, %add3A_681 : i32
      %ge3A_683 = arith.constant 2 : i32
      %ge3A_684 = arith.cmpi sge, %add3A_682, %ge3A_683 : i32
      %convert_element_type3A_685 = arith.extui %ge3A_684 : i1 to i32
      %cond3A_686 = arith.constant 0 : i32
      %cond3A_687 = arith.cmpi ne, %convert_element_type3A_685, %cond3A_686 : i32
      scf.if %cond3A_687 {
        %dma_wait3A_1178 = arith.constant 1 : i32
        %dma_wait3A_1179 = arith.constant 0 : i32
        %dma_wait3A_1180 = arith.constant 0 : i32
        %dma_wait3A_1181 = tpu.memref_slice %arg9[%dma_wait3A_1178, %dma_wait3A_1179, %dma_wait3A_1180] : memref<2x32x64xf32, #tpu.memory_space<vmem>> -> memref<1x32x64xf32, #tpu.memory_space<vmem>>
        %dma_wait3A_1182 = tpu.memref_squeeze %dma_wait3A_1181 : memref<1x32x64xf32, #tpu.memory_space<vmem>> -> memref<32x64xf32, #tpu.memory_space<vmem>>
        %dma_wait3A_1183 = arith.constant 0 : i32
        %dma_wait3A_1184 = arith.constant 0 : i32
        %dma_wait3A_1185 = tpu.memref_slice %arg5[%dma_wait3A_1183, %dma_wait3A_1184] : memref<51200x64xf32, #tpu.memory_space<hbm>> -> memref<32x64xf32, #tpu.memory_space<hbm>>
        %dma_wait3A_1186 = arith.constant 0 : i32
        %dma_wait3A_1187 = arith.constant 0 : i32
        %dma_wait3A_1188 = tpu.memref_slice %arg5[%dma_wait3A_1186, %dma_wait3A_1187] : memref<51200x64xf32, #tpu.memory_space<hbm>> -> memref<32x64xf32, #tpu.memory_space<hbm>>
        %dma_wait3A_1189 = arith.constant 0 : i32
        %dma_wait3A_1190 = arith.constant 0 : i32
        %dma_wait3A_1191 = tpu.memref_slice %arg9[%dma_wait3A_1178, %dma_wait3A_1189, %dma_wait3A_1190] : memref<2x32x64xf32, #tpu.memory_space<vmem>> -> memref<1x32x64xf32, #tpu.memory_space<vmem>>
        %dma_wait3A_1192 = tpu.memref_squeeze %dma_wait3A_1191 : memref<1x32x64xf32, #tpu.memory_space<vmem>> -> memref<32x64xf32, #tpu.memory_space<vmem>>
        tpu.wait_dma2 semaphore(%arg14 : memref<!tpu.dma_semaphore, #tpu.memory_space<semaphore_mem>>) src(%dma_wait3A_1192 : memref<32x64xf32, #tpu.memory_space<vmem>>) dst(%dma_wait3A_1188 : memref<32x64xf32, #tpu.memory_space<hbm>>)
      } else {
      }
      %mul3A_688 = arith.constant 1600 : i32
      %mul3A_689 = arith.muli %add3A, %mul3A_688 : i32
      %mul3A_690 = arith.constant 32 : i32
      %mul3A_691 = arith.muli %add3A_682, %mul3A_690 : i32
      %add3A_692 = arith.addi %mul3A_689, %mul3A_691 : i32
      %add3A_693 = arith.constant 0 : i32
      %add3A_694 = arith.addi %add3A_692, %add3A_693 : i32
      %add3A_695 = vector.broadcast %add3A_694 : i32 to vector<16xi32>
      %add3A_696 = arith.addi %iota3A, %add3A_695 : vector<16xi32>
      %jit3A_697 = arith.constant 50 : i32
      %eq3A_698 = arith.constant 0 : i32
      %eq3A_699 = arith.cmpi eq, %jit3A_697, %eq3A_698 : i32
      %jit3A_700 = arith.constant 1 : i32
      %select_n3A_701 = arith.select %eq3A_699, %jit3A_700, %jit3A_697 : i32
      %rem3A_702 = vector.broadcast %select_n3A_701 : i32 to vector<16xi32>
      %rem3A_703 = arith.remsi %add3A_696, %rem3A_702 : vector<16xi32>
      %ne3A_704 = arith.constant 0 : i32
      %ne3A_705 = vector.broadcast %ne3A_704 : i32 to vector<16xi32>
      %ne3A_706 = arith.cmpi ne, %rem3A_703, %ne3A_705 : vector<16xi32>
      %lt3A_707 = arith.constant 0 : i32
      %lt3A_708 = vector.broadcast %lt3A_707 : i32 to vector<16xi32>
      %lt3A_709 = arith.cmpi slt, %rem3A_703, %lt3A_708 : vector<16xi32>
      %lt3A_710 = arith.constant 0 : i32
      %lt3A_711 = arith.cmpi slt, %select_n3A_701, %lt3A_710 : i32
      %ne3A_712 = vector.broadcast %lt3A_711 : i1 to vector<16xi1>
      %ne3A_713 = vector.broadcast %ne3A_712 : vector<16xi1> to vector<16xi1>
      %ne3A_714 = arith.xori %lt3A_709, %ne3A_713 : vector<16xi1>
      %and3A_715 = arith.andi %ne3A_714, %ne3A_706 : vector<16xi1>
      %add3A_716 = vector.broadcast %select_n3A_701 : i32 to vector<16xi32>
      %add3A_717 = arith.addi %rem3A_703, %add3A_716 : vector<16xi32>
      %select_n3A_718 = arith.select %and3A_715, %add3A_717, %rem3A_703 : vector<16xi1>, vector<16xi32>
      %mul3A_719 = arith.constant 1024 : i32
      %mul3A_720 = vector.broadcast %mul3A_719 : i32 to vector<16xi32>
      %mul3A_721 = arith.muli %select_n3A_718, %mul3A_720 : vector<16xi32>
      %jit3A_722 = arith.constant 50 : i32
      %div3A_723 = vector.broadcast %jit3A_722 : i32 to vector<16xi32>
      %div3A_724 = arith.divsi %add3A_696, %div3A_723 : vector<16xi32>
      %sign3A_725 = arith.constant 0 : i32
      %sign3A_726 = vector.broadcast %sign3A_725 : i32 to vector<16xi32>
      %sign3A_727 = arith.cmpi sgt, %add3A_696, %sign3A_726 : vector<16xi32>
      %sign3A_728 = arith.extui %sign3A_727 : vector<16xi1> to vector<16xi32>
      %sign3A_729 = arith.constant 0 : i32
      %sign3A_730 = vector.broadcast %sign3A_729 : i32 to vector<16xi32>
      %sign3A_731 = arith.cmpi slt, %add3A_696, %sign3A_730 : vector<16xi32>
      %sign3A_732 = arith.extui %sign3A_731 : vector<16xi1> to vector<16xi32>
      %sign3A_733 = arith.subi %sign3A_728, %sign3A_732 : vector<16xi32>
      %sign3A_734 = arith.constant 0 : i32
      %sign3A_735 = arith.cmpi sgt, %jit3A_722, %sign3A_734 : i32
      %sign3A_736 = arith.extui %sign3A_735 : i1 to i32
      %sign3A_737 = arith.constant 0 : i32
      %sign3A_738 = arith.cmpi slt, %jit3A_722, %sign3A_737 : i32
      %sign3A_739 = arith.extui %sign3A_738 : i1 to i32
      %sign3A_740 = arith.subi %sign3A_736, %sign3A_739 : i32
      %ne3A_741 = vector.broadcast %sign3A_740 : i32 to vector<16xi32>
      %ne3A_742 = arith.cmpi ne, %sign3A_733, %ne3A_741 : vector<16xi32>
      %rem3A_743 = vector.broadcast %jit3A_722 : i32 to vector<16xi32>
      %rem3A_744 = arith.remsi %add3A_696, %rem3A_743 : vector<16xi32>
      %ne3A_745 = arith.constant 0 : i32
      %ne3A_746 = vector.broadcast %ne3A_745 : i32 to vector<16xi32>
      %ne3A_747 = arith.cmpi ne, %rem3A_744, %ne3A_746 : vector<16xi32>
      %and3A_748 = arith.andi %ne3A_742, %ne3A_747 : vector<16xi1>
      %sub3A_749 = arith.constant 1 : i32
      %sub3A_750 = vector.broadcast %sub3A_749 : i32 to vector<16xi32>
      %sub3A_751 = arith.subi %div3A_724, %sub3A_750 : vector<16xi32>
      %select_n3A_752 = arith.select %and3A_748, %sub3A_751, %div3A_724 : vector<16xi1>, vector<16xi32>
      %add3A_753 = arith.addi %mul3A_721, %select_n3A_752 : vector<16xi32>
      %swap3A_754 = arith.constant 1 : i32
      %swap3A_755 = arith.index_cast %swap3A_754 : i32 to index
      %swap3A_756 = arith.constant 0 : index
      %swap3A_757 = tpu.vector_load %arg10[%swap3A_755, %swap3A_756] {strides = array<i32>} : memref<2x32xi32, #tpu.memory_space<vmem>>, vector<16xi32>,
      tpu.vector_store %arg10[%swap3A_755, %swap3A_756], %add3A_753 {strides = array<i32>} : memref<2x32xi32, #tpu.memory_space<vmem>>, vector<16xi32>,
      %add3A_758 = arith.constant 16 : i32
      %add3A_759 = arith.addi %add3A_692, %add3A_758 : i32
      %add3A_760 = vector.broadcast %add3A_759 : i32 to vector<16xi32>
      %add3A_761 = arith.addi %iota3A, %add3A_760 : vector<16xi32>
      %jit3A_762 = arith.constant 50 : i32
      %eq3A_763 = arith.constant 0 : i32
      %eq3A_764 = arith.cmpi eq, %jit3A_762, %eq3A_763 : i32
      %jit3A_765 = arith.constant 1 : i32
      %select_n3A_766 = arith.select %eq3A_764, %jit3A_765, %jit3A_762 : i32
      %rem3A_767 = vector.broadcast %select_n3A_766 : i32 to vector<16xi32>
      %rem3A_768 = arith.remsi %add3A_761, %rem3A_767 : vector<16xi32>
      %ne3A_769 = arith.constant 0 : i32
      %ne3A_770 = vector.broadcast %ne3A_769 : i32 to vector<16xi32>
      %ne3A_771 = arith.cmpi ne, %rem3A_768, %ne3A_770 : vector<16xi32>
      %lt3A_772 = arith.constant 0 : i32
      %lt3A_773 = vector.broadcast %lt3A_772 : i32 to vector<16xi32>
      %lt3A_774 = arith.cmpi slt, %rem3A_768, %lt3A_773 : vector<16xi32>
      %lt3A_775 = arith.constant 0 : i32
      %lt3A_776 = arith.cmpi slt, %select_n3A_766, %lt3A_775 : i32
      %ne3A_777 = vector.broadcast %lt3A_776 : i1 to vector<16xi1>
      %ne3A_778 = vector.broadcast %ne3A_777 : vector<16xi1> to vector<16xi1>
      %ne3A_779 = arith.xori %lt3A_774, %ne3A_778 : vector<16xi1>
      %and3A_780 = arith.andi %ne3A_779, %ne3A_771 : vector<16xi1>
      %add3A_781 = vector.broadcast %select_n3A_766 : i32 to vector<16xi32>
      %add3A_782 = arith.addi %rem3A_768, %add3A_781 : vector<16xi32>
      %select_n3A_783 = arith.select %and3A_780, %add3A_782, %rem3A_768 : vector<16xi1>, vector<16xi32>
      %mul3A_784 = arith.constant 1024 : i32
      %mul3A_785 = vector.broadcast %mul3A_784 : i32 to vector<16xi32>
      %mul3A_786 = arith.muli %select_n3A_783, %mul3A_785 : vector<16xi32>
      %jit3A_787 = arith.constant 50 : i32
      %div3A_788 = vector.broadcast %jit3A_787 : i32 to vector<16xi32>
      %div3A_789 = arith.divsi %add3A_761, %div3A_788 : vector<16xi32>
      %sign3A_790 = arith.constant 0 : i32
      %sign3A_791 = vector.broadcast %sign3A_790 : i32 to vector<16xi32>
      %sign3A_792 = arith.cmpi sgt, %add3A_761, %sign3A_791 : vector<16xi32>
      %sign3A_793 = arith.extui %sign3A_792 : vector<16xi1> to vector<16xi32>
      %sign3A_794 = arith.constant 0 : i32
      %sign3A_795 = vector.broadcast %sign3A_794 : i32 to vector<16xi32>
      %sign3A_796 = arith.cmpi slt, %add3A_761, %sign3A_795 : vector<16xi32>
      %sign3A_797 = arith.extui %sign3A_796 : vector<16xi1> to vector<16xi32>
      %sign3A_798 = arith.subi %sign3A_793, %sign3A_797 : vector<16xi32>
      %sign3A_799 = arith.constant 0 : i32
      %sign3A_800 = arith.cmpi sgt, %jit3A_787, %sign3A_799 : i32
      %sign3A_801 = arith.extui %sign3A_800 : i1 to i32
      %sign3A_802 = arith.constant 0 : i32
      %sign3A_803 = arith.cmpi slt, %jit3A_787, %sign3A_802 : i32
      %sign3A_804 = arith.extui %sign3A_803 : i1 to i32
      %sign3A_805 = arith.subi %sign3A_801, %sign3A_804 : i32
      %ne3A_806 = vector.broadcast %sign3A_805 : i32 to vector<16xi32>
      %ne3A_807 = arith.cmpi ne, %sign3A_798, %ne3A_806 : vector<16xi32>
      %rem3A_808 = vector.broadcast %jit3A_787 : i32 to vector<16xi32>
      %rem3A_809 = arith.remsi %add3A_761, %rem3A_808 : vector<16xi32>
      %ne3A_810 = arith.constant 0 : i32
      %ne3A_811 = vector.broadcast %ne3A_810 : i32 to vector<16xi32>
      %ne3A_812 = arith.cmpi ne, %rem3A_809, %ne3A_811 : vector<16xi32>
      %and3A_813 = arith.andi %ne3A_807, %ne3A_812 : vector<16xi1>
      %sub3A_814 = arith.constant 1 : i32
      %sub3A_815 = vector.broadcast %sub3A_814 : i32 to vector<16xi32>
      %sub3A_816 = arith.subi %div3A_789, %sub3A_815 : vector<16xi32>
      %select_n3A_817 = arith.select %and3A_813, %sub3A_816, %div3A_789 : vector<16xi1>, vector<16xi32>
      %add3A_818 = arith.addi %mul3A_786, %select_n3A_817 : vector<16xi32>
      %swap3A_819 = arith.constant 1 : i32
      %swap3A_820 = arith.index_cast %swap3A_819 : i32 to index
      %swap3A_821 = arith.constant 16 : index
      %swap3A_822 = tpu.vector_load %arg10[%swap3A_820, %swap3A_821] {strides = array<i32>} : memref<2x32xi32, #tpu.memory_space<vmem>>, vector<16xi32>,
      tpu.vector_store %arg10[%swap3A_820, %swap3A_821], %add3A_818 {strides = array<i32>} : memref<2x32xi32, #tpu.memory_space<vmem>>, vector<16xi32>,
      %get3A_823 = arith.constant 0 : i32
      %get3A_824 = arith.index_cast %get3A_823 : i32 to index
      %get3A_825 = arith.constant 0 : index
      %get3A_826 = tpu.vector_load %arg7[%get3A_824, %get3A_825] {strides = array<i32>} : memref<20x64xf32, #tpu.memory_space<vmem>>, vector<16xf32>,
      %get3A_827 = arith.constant 1 : i32
      %get3A_828 = arith.index_cast %get3A_827 : i32 to index
      %get3A_829 = arith.constant 0 : index
      %get3A_830 = tpu.vector_load %arg7[%get3A_828, %get3A_829] {strides = array<i32>} : memref<20x64xf32, #tpu.memory_space<vmem>>, vector<16xf32>,
      %get3A_831 = arith.constant 2 : i32
      %get3A_832 = arith.index_cast %get3A_831 : i32 to index
      %get3A_833 = arith.constant 0 : index
      %get3A_834 = tpu.vector_load %arg7[%get3A_832, %get3A_833] {strides = array<i32>} : memref<20x64xf32, #tpu.memory_space<vmem>>, vector<16xf32>,
      %get3A_835 = arith.constant 3 : i32
      %get3A_836 = arith.index_cast %get3A_835 : i32 to index
      %get3A_837 = arith.constant 0 : index
      %get3A_838 = tpu.vector_load %arg7[%get3A_836, %get3A_837] {strides = array<i32>} : memref<20x64xf32, #tpu.memory_space<vmem>>, vector<16xf32>,
      %get3A_839 = arith.constant 4 : i32
      %get3A_840 = arith.index_cast %get3A_839 : i32 to index
      %get3A_841 = arith.constant 0 : index
      %get3A_842 = tpu.vector_load %arg7[%get3A_840, %get3A_841] {strides = array<i32>} : memref<20x64xf32, #tpu.memory_space<vmem>>, vector<16xf32>,
      %get3A_843 = arith.constant 5 : i32
      %get3A_844 = arith.index_cast %get3A_843 : i32 to index
      %get3A_845 = arith.constant 0 : index
      %get3A_846 = tpu.vector_load %arg7[%get3A_844, %get3A_845] {strides = array<i32>} : memref<20x64xf32, #tpu.memory_space<vmem>>, vector<16xf32>,
      %get3A_847 = arith.constant 6 : i32
      %get3A_848 = arith.index_cast %get3A_847 : i32 to index
      %get3A_849 = arith.constant 0 : index
      %get3A_850 = tpu.vector_load %arg7[%get3A_848, %get3A_849] {strides = array<i32>} : memref<20x64xf32, #tpu.memory_space<vmem>>, vector<16xf32>,
      %get3A_851 = arith.constant 7 : i32
      %get3A_852 = arith.index_cast %get3A_851 : i32 to index
      %get3A_853 = arith.constant 0 : index
      %get3A_854 = tpu.vector_load %arg7[%get3A_852, %get3A_853] {strides = array<i32>} : memref<20x64xf32, #tpu.memory_space<vmem>>, vector<16xf32>,
      %get3A_855 = arith.constant 8 : i32
      %get3A_856 = arith.index_cast %get3A_855 : i32 to index
      %get3A_857 = arith.constant 0 : index
      %get3A_858 = tpu.vector_load %arg7[%get3A_856, %get3A_857] {strides = array<i32>} : memref<20x64xf32, #tpu.memory_space<vmem>>, vector<16xf32>,
      %get3A_859 = arith.constant 9 : i32
      %get3A_860 = arith.index_cast %get3A_859 : i32 to index
      %get3A_861 = arith.constant 0 : index
      %get3A_862 = tpu.vector_load %arg7[%get3A_860, %get3A_861] {strides = array<i32>} : memref<20x64xf32, #tpu.memory_space<vmem>>, vector<16xf32>,
      %get3A_863 = arith.constant 10 : i32
      %get3A_864 = arith.index_cast %get3A_863 : i32 to index
      %get3A_865 = arith.constant 0 : index
      %get3A_866 = tpu.vector_load %arg7[%get3A_864, %get3A_865] {strides = array<i32>} : memref<20x64xf32, #tpu.memory_space<vmem>>, vector<16xf32>,
      %get3A_867 = arith.constant 11 : i32
      %get3A_868 = arith.index_cast %get3A_867 : i32 to index
      %get3A_869 = arith.constant 0 : index
      %get3A_870 = tpu.vector_load %arg7[%get3A_868, %get3A_869] {strides = array<i32>} : memref<20x64xf32, #tpu.memory_space<vmem>>, vector<16xf32>,
      %get3A_871 = arith.constant 12 : i32
      %get3A_872 = arith.index_cast %get3A_871 : i32 to index
      %get3A_873 = arith.constant 0 : index
      %get3A_874 = tpu.vector_load %arg7[%get3A_872, %get3A_873] {strides = array<i32>} : memref<20x64xf32, #tpu.memory_space<vmem>>, vector<16xf32>,
      %get3A_875 = arith.constant 13 : i32
      %get3A_876 = arith.index_cast %get3A_875 : i32 to index
      %get3A_877 = arith.constant 0 : index
      %get3A_878 = tpu.vector_load %arg7[%get3A_876, %get3A_877] {strides = array<i32>} : memref<20x64xf32, #tpu.memory_space<vmem>>, vector<16xf32>,
      %get3A_879 = arith.constant 14 : i32
      %get3A_880 = arith.index_cast %get3A_879 : i32 to index
      %get3A_881 = arith.constant 0 : index
      %get3A_882 = tpu.vector_load %arg7[%get3A_880, %get3A_881] {strides = array<i32>} : memref<20x64xf32, #tpu.memory_space<vmem>>, vector<16xf32>,
      %get3A_883 = arith.constant 15 : i32
      %get3A_884 = arith.index_cast %get3A_883 : i32 to index
      %get3A_885 = arith.constant 0 : index
      %get3A_886 = tpu.vector_load %arg7[%get3A_884, %get3A_885] {strides = array<i32>} : memref<20x64xf32, #tpu.memory_space<vmem>>, vector<16xf32>,
      %get3A_887 = arith.constant 16 : i32
      %get3A_888 = arith.index_cast %get3A_887 : i32 to index
      %get3A_889 = arith.constant 0 : index
      %get3A_890 = tpu.vector_load %arg7[%get3A_888, %get3A_889] {strides = array<i32>} : memref<20x64xf32, #tpu.memory_space<vmem>>, vector<16xf32>,
      %get3A_891 = arith.constant 17 : i32
      %get3A_892 = arith.index_cast %get3A_891 : i32 to index
      %get3A_893 = arith.constant 0 : index
      %get3A_894 = tpu.vector_load %arg7[%get3A_892, %get3A_893] {strides = array<i32>} : memref<20x64xf32, #tpu.memory_space<vmem>>, vector<16xf32>,
      %get3A_895 = arith.constant 18 : i32
      %get3A_896 = arith.index_cast %get3A_895 : i32 to index
      %get3A_897 = arith.constant 0 : index
      %get3A_898 = tpu.vector_load %arg7[%get3A_896, %get3A_897] {strides = array<i32>} : memref<20x64xf32, #tpu.memory_space<vmem>>, vector<16xf32>,
      %get3A_899 = arith.constant 19 : i32
      %get3A_900 = arith.index_cast %get3A_899 : i32 to index
      %get3A_901 = arith.constant 0 : index
      %get3A_902 = tpu.vector_load %arg7[%get3A_900, %get3A_901] {strides = array<i32>} : memref<20x64xf32, #tpu.memory_space<vmem>>, vector<16xf32>,
      %get3A_903 = arith.constant 0 : i32
      %get3A_904 = arith.index_cast %get3A_903 : i32 to index
      %get3A_905 = arith.constant 16 : index
      %get3A_906 = tpu.vector_load %arg7[%get3A_904, %get3A_905] {strides = array<i32>} : memref<20x64xf32, #tpu.memory_space<vmem>>, vector<16xf32>,
      %get3A_907 = arith.constant 1 : i32
      %get3A_908 = arith.index_cast %get3A_907 : i32 to index
      %get3A_909 = arith.constant 16 : index
      %get3A_910 = tpu.vector_load %arg7[%get3A_908, %get3A_909] {strides = array<i32>} : memref<20x64xf32, #tpu.memory_space<vmem>>, vector<16xf32>,
      %get3A_911 = arith.constant 2 : i32
      %get3A_912 = arith.index_cast %get3A_911 : i32 to index
      %get3A_913 = arith.constant 16 : index
      %get3A_914 = tpu.vector_load %arg7[%get3A_912, %get3A_913] {strides = array<i32>} : memref<20x64xf32, #tpu.memory_space<vmem>>, vector<16xf32>,
      %get3A_915 = arith.constant 3 : i32
      %get3A_916 = arith.index_cast %get3A_915 : i32 to index
      %get3A_917 = arith.constant 16 : index
      %get3A_918 = tpu.vector_load %arg7[%get3A_916, %get3A_917] {strides = array<i32>} : memref<20x64xf32, #tpu.memory_space<vmem>>, vector<16xf32>,
      %get3A_919 = arith.constant 4 : i32
      %get3A_920 = arith.index_cast %get3A_919 : i32 to index
      %get3A_921 = arith.constant 16 : index
      %get3A_922 = tpu.vector_load %arg7[%get3A_920, %get3A_921] {strides = array<i32>} : memref<20x64xf32, #tpu.memory_space<vmem>>, vector<16xf32>,
      %get3A_923 = arith.constant 5 : i32
      %get3A_924 = arith.index_cast %get3A_923 : i32 to index
      %get3A_925 = arith.constant 16 : index
      %get3A_926 = tpu.vector_load %arg7[%get3A_924, %get3A_925] {strides = array<i32>} : memref<20x64xf32, #tpu.memory_space<vmem>>, vector<16xf32>,
      %get3A_927 = arith.constant 6 : i32
      %get3A_928 = arith.index_cast %get3A_927 : i32 to index
      %get3A_929 = arith.constant 16 : index
      %get3A_930 = tpu.vector_load %arg7[%get3A_928, %get3A_929] {strides = array<i32>} : memref<20x64xf32, #tpu.memory_space<vmem>>, vector<16xf32>,
      %get3A_931 = arith.constant 7 : i32
      %get3A_932 = arith.index_cast %get3A_931 : i32 to index
      %get3A_933 = arith.constant 16 : index
      %get3A_934 = tpu.vector_load %arg7[%get3A_932, %get3A_933] {strides = array<i32>} : memref<20x64xf32, #tpu.memory_space<vmem>>, vector<16xf32>,
      %get3A_935 = arith.constant 8 : i32
      %get3A_936 = arith.index_cast %get3A_935 : i32 to index
      %get3A_937 = arith.constant 16 : index
      %get3A_938 = tpu.vector_load %arg7[%get3A_936, %get3A_937] {strides = array<i32>} : memref<20x64xf32, #tpu.memory_space<vmem>>, vector<16xf32>,
      %get3A_939 = arith.constant 9 : i32
      %get3A_940 = arith.index_cast %get3A_939 : i32 to index
      %get3A_941 = arith.constant 16 : index
      %get3A_942 = tpu.vector_load %arg7[%get3A_940, %get3A_941] {strides = array<i32>} : memref<20x64xf32, #tpu.memory_space<vmem>>, vector<16xf32>,
      %get3A_943 = arith.constant 10 : i32
      %get3A_944 = arith.index_cast %get3A_943 : i32 to index
      %get3A_945 = arith.constant 16 : index
      %get3A_946 = tpu.vector_load %arg7[%get3A_944, %get3A_945] {strides = array<i32>} : memref<20x64xf32, #tpu.memory_space<vmem>>, vector<16xf32>,
      %get3A_947 = arith.constant 11 : i32
      %get3A_948 = arith.index_cast %get3A_947 : i32 to index
      %get3A_949 = arith.constant 16 : index
      %get3A_950 = tpu.vector_load %arg7[%get3A_948, %get3A_949] {strides = array<i32>} : memref<20x64xf32, #tpu.memory_space<vmem>>, vector<16xf32>,
      %get3A_951 = arith.constant 12 : i32
      %get3A_952 = arith.index_cast %get3A_951 : i32 to index
      %get3A_953 = arith.constant 16 : index
      %get3A_954 = tpu.vector_load %arg7[%get3A_952, %get3A_953] {strides = array<i32>} : memref<20x64xf32, #tpu.memory_space<vmem>>, vector<16xf32>,
      %get3A_955 = arith.constant 13 : i32
      %get3A_956 = arith.index_cast %get3A_955 : i32 to index
      %get3A_957 = arith.constant 16 : index
      %get3A_958 = tpu.vector_load %arg7[%get3A_956, %get3A_957] {strides = array<i32>} : memref<20x64xf32, #tpu.memory_space<vmem>>, vector<16xf32>,
      %get3A_959 = arith.constant 14 : i32
      %get3A_960 = arith.index_cast %get3A_959 : i32 to index
      %get3A_961 = arith.constant 16 : index
      %get3A_962 = tpu.vector_load %arg7[%get3A_960, %get3A_961] {strides = array<i32>} : memref<20x64xf32, #tpu.memory_space<vmem>>, vector<16xf32>,
      %get3A_963 = arith.constant 15 : i32
      %get3A_964 = arith.index_cast %get3A_963 : i32 to index
      %get3A_965 = arith.constant 16 : index
      %get3A_966 = tpu.vector_load %arg7[%get3A_964, %get3A_965] {strides = array<i32>} : memref<20x64xf32, #tpu.memory_space<vmem>>, vector<16xf32>,
      %get3A_967 = arith.constant 16 : i32
      %get3A_968 = arith.index_cast %get3A_967 : i32 to index
      %get3A_969 = arith.constant 16 : index
      %get3A_970 = tpu.vector_load %arg7[%get3A_968, %get3A_969] {strides = array<i32>} : memref<20x64xf32, #tpu.memory_space<vmem>>, vector<16xf32>,
      %get3A_971 = arith.constant 17 : i32
      %get3A_972 = arith.index_cast %get3A_971 : i32 to index
      %get3A_973 = arith.constant 16 : index
      %get3A_974 = tpu.vector_load %arg7[%get3A_972, %get3A_973] {strides = array<i32>} : memref<20x64xf32, #tpu.memory_space<vmem>>, vector<16xf32>,
      %get3A_975 = arith.constant 18 : i32
      %get3A_976 = arith.index_cast %get3A_975 : i32 to index
      %get3A_977 = arith.constant 16 : index
      %get3A_978 = tpu.vector_load %arg7[%get3A_976, %get3A_977] {strides = array<i32>} : memref<20x64xf32, #tpu.memory_space<vmem>>, vector<16xf32>,
      %get3A_979 = arith.constant 19 : i32
      %get3A_980 = arith.index_cast %get3A_979 : i32 to index
      %get3A_981 = arith.constant 16 : index
      %get3A_982 = tpu.vector_load %arg7[%get3A_980, %get3A_981] {strides = array<i32>} : memref<20x64xf32, #tpu.memory_space<vmem>>, vector<16xf32>,
      %scan3A_983 = arith.constant 0 : i32
      %scan3A_984 = arith.constant 0 : i32
      %scan3A_985 = arith.constant 32 : i32
      %scan3A_986 = arith.addi %scan3A_984, %scan3A_985 : i32
      %scan3A_987 = arith.constant 1 : i32
      %scan3A_988 = scf.for %scan3A_1178 = %scan3A_984 to %scan3A_986 step %scan3A_987 iter_args(%scan3A_1179 = %scan3A_983) -> (i32)  : i32 {
        %mul3A_1180 = arith.constant 20 : i32
        %mul3A_1181 = arith.muli %scan3A_1178, %mul3A_1180 : i32
        %get3A_1182 = arith.constant 1 : i32
        %get3A_1183 = arith.index_cast %get3A_1182 : i32 to index
        %get3A_1184 = arith.index_cast %mul3A_1181 : i32 to index
        %get3A_1185 = arith.constant 0 : index
        %get3A_1186 = tpu.vector_load %arg8[%get3A_1183, %get3A_1184, %get3A_1185] {strides = array<i32>} : memref<2x640x64xbf16, #tpu.memory_space<vmem>>, vector<32xbf16>,
        %unpack3A = tpu.unpack_subelements %get3A_1186, 0 {pack_format = #tpu.pack_format<interleaved>} : vector<32xbf16> -> vector<16xf32>
        %unpack3A_1187 = tpu.unpack_subelements %get3A_1186, 1 {pack_format = #tpu.pack_format<interleaved>} : vector<32xbf16> -> vector<16xf32>
        %mul3A_1188 = arith.mulf %get3A_826, %unpack3A : vector<16xf32>
        %mul3A_1189 = arith.mulf %get3A_906, %unpack3A_1187 : vector<16xf32>
        %add3A_1190 = arith.constant 1 : i32
        %add3A_1191 = arith.addi %mul3A_1181, %add3A_1190 : i32
        %get3A_1192 = arith.constant 1 : i32
        %get3A_1193 = arith.index_cast %get3A_1192 : i32 to index
        %get3A_1194 = arith.index_cast %add3A_1191 : i32 to index
        %get3A_1195 = arith.constant 0 : index
        %get3A_1196 = tpu.vector_load %arg8[%get3A_1193, %get3A_1194, %get3A_1195] {strides = array<i32>} : memref<2x640x64xbf16, #tpu.memory_space<vmem>>, vector<32xbf16>,
        %unpack3A_1197 = tpu.unpack_subelements %get3A_1196, 0 {pack_format = #tpu.pack_format<interleaved>} : vector<32xbf16> -> vector<16xf32>
        %unpack3A_1198 = tpu.unpack_subelements %get3A_1196, 1 {pack_format = #tpu.pack_format<interleaved>} : vector<32xbf16> -> vector<16xf32>
        %mul3A_1199 = arith.mulf %get3A_830, %unpack3A_1197 : vector<16xf32>
        %add3A_1200 = arith.addf %mul3A_1188, %mul3A_1199 : vector<16xf32>
        %mul3A_1201 = arith.mulf %get3A_910, %unpack3A_1198 : vector<16xf32>
        %add3A_1202 = arith.addf %mul3A_1189, %mul3A_1201 : vector<16xf32>
        %add3A_1203 = arith.constant 2 : i32
        %add3A_1204 = arith.addi %mul3A_1181, %add3A_1203 : i32
        %get3A_1205 = arith.constant 1 : i32
        %get3A_1206 = arith.index_cast %get3A_1205 : i32 to index
        %get3A_1207 = arith.index_cast %add3A_1204 : i32 to index
        %get3A_1208 = arith.constant 0 : index
        %get3A_1209 = tpu.vector_load %arg8[%get3A_1206, %get3A_1207, %get3A_1208] {strides = array<i32>} : memref<2x640x64xbf16, #tpu.memory_space<vmem>>, vector<32xbf16>,
        %unpack3A_1210 = tpu.unpack_subelements %get3A_1209, 0 {pack_format = #tpu.pack_format<interleaved>} : vector<32xbf16> -> vector<16xf32>
        %unpack3A_1211 = tpu.unpack_subelements %get3A_1209, 1 {pack_format = #tpu.pack_format<interleaved>} : vector<32xbf16> -> vector<16xf32>
        %mul3A_1212 = arith.mulf %get3A_834, %unpack3A_1210 : vector<16xf32>
        %add3A_1213 = arith.addf %add3A_1200, %mul3A_1212 : vector<16xf32>
        %mul3A_1214 = arith.mulf %get3A_914, %unpack3A_1211 : vector<16xf32>
        %add3A_1215 = arith.addf %add3A_1202, %mul3A_1214 : vector<16xf32>
        %add3A_1216 = arith.constant 3 : i32
        %add3A_1217 = arith.addi %mul3A_1181, %add3A_1216 : i32
        %get3A_1218 = arith.constant 1 : i32
        %get3A_1219 = arith.index_cast %get3A_1218 : i32 to index
        %get3A_1220 = arith.index_cast %add3A_1217 : i32 to index
        %get3A_1221 = arith.constant 0 : index
        %get3A_1222 = tpu.vector_load %arg8[%get3A_1219, %get3A_1220, %get3A_1221] {strides = array<i32>} : memref<2x640x64xbf16, #tpu.memory_space<vmem>>, vector<32xbf16>,
        %unpack3A_1223 = tpu.unpack_subelements %get3A_1222, 0 {pack_format = #tpu.pack_format<interleaved>} : vector<32xbf16> -> vector<16xf32>
        %unpack3A_1224 = tpu.unpack_subelements %get3A_1222, 1 {pack_format = #tpu.pack_format<interleaved>} : vector<32xbf16> -> vector<16xf32>
        %mul3A_1225 = arith.mulf %get3A_838, %unpack3A_1223 : vector<16xf32>
        %add3A_1226 = arith.addf %add3A_1213, %mul3A_1225 : vector<16xf32>
        %mul3A_1227 = arith.mulf %get3A_918, %unpack3A_1224 : vector<16xf32>
        %add3A_1228 = arith.addf %add3A_1215, %mul3A_1227 : vector<16xf32>
        %add3A_1229 = arith.constant 4 : i32
        %add3A_1230 = arith.addi %mul3A_1181, %add3A_1229 : i32
        %get3A_1231 = arith.constant 1 : i32
        %get3A_1232 = arith.index_cast %get3A_1231 : i32 to index
        %get3A_1233 = arith.index_cast %add3A_1230 : i32 to index
        %get3A_1234 = arith.constant 0 : index
        %get3A_1235 = tpu.vector_load %arg8[%get3A_1232, %get3A_1233, %get3A_1234] {strides = array<i32>} : memref<2x640x64xbf16, #tpu.memory_space<vmem>>, vector<32xbf16>,
        %unpack3A_1236 = tpu.unpack_subelements %get3A_1235, 0 {pack_format = #tpu.pack_format<interleaved>} : vector<32xbf16> -> vector<16xf32>
        %unpack3A_1237 = tpu.unpack_subelements %get3A_1235, 1 {pack_format = #tpu.pack_format<interleaved>} : vector<32xbf16> -> vector<16xf32>
        %mul3A_1238 = arith.mulf %get3A_842, %unpack3A_1236 : vector<16xf32>
        %add3A_1239 = arith.addf %add3A_1226, %mul3A_1238 : vector<16xf32>
        %mul3A_1240 = arith.mulf %get3A_922, %unpack3A_1237 : vector<16xf32>
        %add3A_1241 = arith.addf %add3A_1228, %mul3A_1240 : vector<16xf32>
        %add3A_1242 = arith.constant 5 : i32
        %add3A_1243 = arith.addi %mul3A_1181, %add3A_1242 : i32
        %get3A_1244 = arith.constant 1 : i32
        %get3A_1245 = arith.index_cast %get3A_1244 : i32 to index
        %get3A_1246 = arith.index_cast %add3A_1243 : i32 to index
        %get3A_1247 = arith.constant 0 : index
        %get3A_1248 = tpu.vector_load %arg8[%get3A_1245, %get3A_1246, %get3A_1247] {strides = array<i32>} : memref<2x640x64xbf16, #tpu.memory_space<vmem>>, vector<32xbf16>,
        %unpack3A_1249 = tpu.unpack_subelements %get3A_1248, 0 {pack_format = #tpu.pack_format<interleaved>} : vector<32xbf16> -> vector<16xf32>
        %unpack3A_1250 = tpu.unpack_subelements %get3A_1248, 1 {pack_format = #tpu.pack_format<interleaved>} : vector<32xbf16> -> vector<16xf32>
        %mul3A_1251 = arith.mulf %get3A_846, %unpack3A_1249 : vector<16xf32>
        %add3A_1252 = arith.addf %add3A_1239, %mul3A_1251 : vector<16xf32>
        %mul3A_1253 = arith.mulf %get3A_926, %unpack3A_1250 : vector<16xf32>
        %add3A_1254 = arith.addf %add3A_1241, %mul3A_1253 : vector<16xf32>
        %add3A_1255 = arith.constant 6 : i32
        %add3A_1256 = arith.addi %mul3A_1181, %add3A_1255 : i32
        %get3A_1257 = arith.constant 1 : i32
        %get3A_1258 = arith.index_cast %get3A_1257 : i32 to index
        %get3A_1259 = arith.index_cast %add3A_1256 : i32 to index
        %get3A_1260 = arith.constant 0 : index
        %get3A_1261 = tpu.vector_load %arg8[%get3A_1258, %get3A_1259, %get3A_1260] {strides = array<i32>} : memref<2x640x64xbf16, #tpu.memory_space<vmem>>, vector<32xbf16>,
        %unpack3A_1262 = tpu.unpack_subelements %get3A_1261, 0 {pack_format = #tpu.pack_format<interleaved>} : vector<32xbf16> -> vector<16xf32>
        %unpack3A_1263 = tpu.unpack_subelements %get3A_1261, 1 {pack_format = #tpu.pack_format<interleaved>} : vector<32xbf16> -> vector<16xf32>
        %mul3A_1264 = arith.mulf %get3A_850, %unpack3A_1262 : vector<16xf32>
        %add3A_1265 = arith.addf %add3A_1252, %mul3A_1264 : vector<16xf32>
        %mul3A_1266 = arith.mulf %get3A_930, %unpack3A_1263 : vector<16xf32>
        %add3A_1267 = arith.addf %add3A_1254, %mul3A_1266 : vector<16xf32>
        %add3A_1268 = arith.constant 7 : i32
        %add3A_1269 = arith.addi %mul3A_1181, %add3A_1268 : i32
        %get3A_1270 = arith.constant 1 : i32
        %get3A_1271 = arith.index_cast %get3A_1270 : i32 to index
        %get3A_1272 = arith.index_cast %add3A_1269 : i32 to index
        %get3A_1273 = arith.constant 0 : index
        %get3A_1274 = tpu.vector_load %arg8[%get3A_1271, %get3A_1272, %get3A_1273] {strides = array<i32>} : memref<2x640x64xbf16, #tpu.memory_space<vmem>>, vector<32xbf16>,
        %unpack3A_1275 = tpu.unpack_subelements %get3A_1274, 0 {pack_format = #tpu.pack_format<interleaved>} : vector<32xbf16> -> vector<16xf32>
        %unpack3A_1276 = tpu.unpack_subelements %get3A_1274, 1 {pack_format = #tpu.pack_format<interleaved>} : vector<32xbf16> -> vector<16xf32>
        %mul3A_1277 = arith.mulf %get3A_854, %unpack3A_1275 : vector<16xf32>
        %add3A_1278 = arith.addf %add3A_1265, %mul3A_1277 : vector<16xf32>
        %mul3A_1279 = arith.mulf %get3A_934, %unpack3A_1276 : vector<16xf32>
        %add3A_1280 = arith.addf %add3A_1267, %mul3A_1279 : vector<16xf32>
        %add3A_1281 = arith.constant 8 : i32
        %add3A_1282 = arith.addi %mul3A_1181, %add3A_1281 : i32
        %get3A_1283 = arith.constant 1 : i32
        %get3A_1284 = arith.index_cast %get3A_1283 : i32 to index
        %get3A_1285 = arith.index_cast %add3A_1282 : i32 to index
        %get3A_1286 = arith.constant 0 : index
        %get3A_1287 = tpu.vector_load %arg8[%get3A_1284, %get3A_1285, %get3A_1286] {strides = array<i32>} : memref<2x640x64xbf16, #tpu.memory_space<vmem>>, vector<32xbf16>,
        %unpack3A_1288 = tpu.unpack_subelements %get3A_1287, 0 {pack_format = #tpu.pack_format<interleaved>} : vector<32xbf16> -> vector<16xf32>
        %unpack3A_1289 = tpu.unpack_subelements %get3A_1287, 1 {pack_format = #tpu.pack_format<interleaved>} : vector<32xbf16> -> vector<16xf32>
        %mul3A_1290 = arith.mulf %get3A_858, %unpack3A_1288 : vector<16xf32>
        %add3A_1291 = arith.addf %add3A_1278, %mul3A_1290 : vector<16xf32>
        %mul3A_1292 = arith.mulf %get3A_938, %unpack3A_1289 : vector<16xf32>
        %add3A_1293 = arith.addf %add3A_1280, %mul3A_1292 : vector<16xf32>
        %add3A_1294 = arith.constant 9 : i32
        %add3A_1295 = arith.addi %mul3A_1181, %add3A_1294 : i32
        %get3A_1296 = arith.constant 1 : i32
        %get3A_1297 = arith.index_cast %get3A_1296 : i32 to index
        %get3A_1298 = arith.index_cast %add3A_1295 : i32 to index
        %get3A_1299 = arith.constant 0 : index
        %get3A_1300 = tpu.vector_load %arg8[%get3A_1297, %get3A_1298, %get3A_1299] {strides = array<i32>} : memref<2x640x64xbf16, #tpu.memory_space<vmem>>, vector<32xbf16>,
        %unpack3A_1301 = tpu.unpack_subelements %get3A_1300, 0 {pack_format = #tpu.pack_format<interleaved>} : vector<32xbf16> -> vector<16xf32>
        %unpack3A_1302 = tpu.unpack_subelements %get3A_1300, 1 {pack_format = #tpu.pack_format<interleaved>} : vector<32xbf16> -> vector<16xf32>
        %mul3A_1303 = arith.mulf %get3A_862, %unpack3A_1301 : vector<16xf32>
        %add3A_1304 = arith.addf %add3A_1291, %mul3A_1303 : vector<16xf32>
        %mul3A_1305 = arith.mulf %get3A_942, %unpack3A_1302 : vector<16xf32>
        %add3A_1306 = arith.addf %add3A_1293, %mul3A_1305 : vector<16xf32>
        %add3A_1307 = arith.constant 10 : i32
        %add3A_1308 = arith.addi %mul3A_1181, %add3A_1307 : i32
        %get3A_1309 = arith.constant 1 : i32
        %get3A_1310 = arith.index_cast %get3A_1309 : i32 to index
        %get3A_1311 = arith.index_cast %add3A_1308 : i32 to index
        %get3A_1312 = arith.constant 0 : index
        %get3A_1313 = tpu.vector_load %arg8[%get3A_1310, %get3A_1311, %get3A_1312] {strides = array<i32>} : memref<2x640x64xbf16, #tpu.memory_space<vmem>>, vector<32xbf16>,
        %unpack3A_1314 = tpu.unpack_subelements %get3A_1313, 0 {pack_format = #tpu.pack_format<interleaved>} : vector<32xbf16> -> vector<16xf32>
        %unpack3A_1315 = tpu.unpack_subelements %get3A_1313, 1 {pack_format = #tpu.pack_format<interleaved>} : vector<32xbf16> -> vector<16xf32>
        %mul3A_1316 = arith.mulf %get3A_866, %unpack3A_1314 : vector<16xf32>
        %add3A_1317 = arith.addf %add3A_1304, %mul3A_1316 : vector<16xf32>
        %mul3A_1318 = arith.mulf %get3A_946, %unpack3A_1315 : vector<16xf32>
        %add3A_1319 = arith.addf %add3A_1306, %mul3A_1318 : vector<16xf32>
        %add3A_1320 = arith.constant 11 : i32
        %add3A_1321 = arith.addi %mul3A_1181, %add3A_1320 : i32
        %get3A_1322 = arith.constant 1 : i32
        %get3A_1323 = arith.index_cast %get3A_1322 : i32 to index
        %get3A_1324 = arith.index_cast %add3A_1321 : i32 to index
        %get3A_1325 = arith.constant 0 : index
        %get3A_1326 = tpu.vector_load %arg8[%get3A_1323, %get3A_1324, %get3A_1325] {strides = array<i32>} : memref<2x640x64xbf16, #tpu.memory_space<vmem>>, vector<32xbf16>,
        %unpack3A_1327 = tpu.unpack_subelements %get3A_1326, 0 {pack_format = #tpu.pack_format<interleaved>} : vector<32xbf16> -> vector<16xf32>
        %unpack3A_1328 = tpu.unpack_subelements %get3A_1326, 1 {pack_format = #tpu.pack_format<interleaved>} : vector<32xbf16> -> vector<16xf32>
        %mul3A_1329 = arith.mulf %get3A_870, %unpack3A_1327 : vector<16xf32>
        %add3A_1330 = arith.addf %add3A_1317, %mul3A_1329 : vector<16xf32>
        %mul3A_1331 = arith.mulf %get3A_950, %unpack3A_1328 : vector<16xf32>
        %add3A_1332 = arith.addf %add3A_1319, %mul3A_1331 : vector<16xf32>
        %add3A_1333 = arith.constant 12 : i32
        %add3A_1334 = arith.addi %mul3A_1181, %add3A_1333 : i32
        %get3A_1335 = arith.constant 1 : i32
        %get3A_1336 = arith.index_cast %get3A_1335 : i32 to index
        %get3A_1337 = arith.index_cast %add3A_1334 : i32 to index
        %get3A_1338 = arith.constant 0 : index
        %get3A_1339 = tpu.vector_load %arg8[%get3A_1336, %get3A_1337, %get3A_1338] {strides = array<i32>} : memref<2x640x64xbf16, #tpu.memory_space<vmem>>, vector<32xbf16>,
        %unpack3A_1340 = tpu.unpack_subelements %get3A_1339, 0 {pack_format = #tpu.pack_format<interleaved>} : vector<32xbf16> -> vector<16xf32>
        %unpack3A_1341 = tpu.unpack_subelements %get3A_1339, 1 {pack_format = #tpu.pack_format<interleaved>} : vector<32xbf16> -> vector<16xf32>
        %mul3A_1342 = arith.mulf %get3A_874, %unpack3A_1340 : vector<16xf32>
        %add3A_1343 = arith.addf %add3A_1330, %mul3A_1342 : vector<16xf32>
        %mul3A_1344 = arith.mulf %get3A_954, %unpack3A_1341 : vector<16xf32>
        %add3A_1345 = arith.addf %add3A_1332, %mul3A_1344 : vector<16xf32>
        %add3A_1346 = arith.constant 13 : i32
        %add3A_1347 = arith.addi %mul3A_1181, %add3A_1346 : i32
        %get3A_1348 = arith.constant 1 : i32
        %get3A_1349 = arith.index_cast %get3A_1348 : i32 to index
        %get3A_1350 = arith.index_cast %add3A_1347 : i32 to index
        %get3A_1351 = arith.constant 0 : index
        %get3A_1352 = tpu.vector_load %arg8[%get3A_1349, %get3A_1350, %get3A_1351] {strides = array<i32>} : memref<2x640x64xbf16, #tpu.memory_space<vmem>>, vector<32xbf16>,
        %unpack3A_1353 = tpu.unpack_subelements %get3A_1352, 0 {pack_format = #tpu.pack_format<interleaved>} : vector<32xbf16> -> vector<16xf32>
        %unpack3A_1354 = tpu.unpack_subelements %get3A_1352, 1 {pack_format = #tpu.pack_format<interleaved>} : vector<32xbf16> -> vector<16xf32>
        %mul3A_1355 = arith.mulf %get3A_878, %unpack3A_1353 : vector<16xf32>
        %add3A_1356 = arith.addf %add3A_1343, %mul3A_1355 : vector<16xf32>
        %mul3A_1357 = arith.mulf %get3A_958, %unpack3A_1354 : vector<16xf32>
        %add3A_1358 = arith.addf %add3A_1345, %mul3A_1357 : vector<16xf32>
        %add3A_1359 = arith.constant 14 : i32
        %add3A_1360 = arith.addi %mul3A_1181, %add3A_1359 : i32
        %get3A_1361 = arith.constant 1 : i32
        %get3A_1362 = arith.index_cast %get3A_1361 : i32 to index
        %get3A_1363 = arith.index_cast %add3A_1360 : i32 to index
        %get3A_1364 = arith.constant 0 : index
        %get3A_1365 = tpu.vector_load %arg8[%get3A_1362, %get3A_1363, %get3A_1364] {strides = array<i32>} : memref<2x640x64xbf16, #tpu.memory_space<vmem>>, vector<32xbf16>,
        %unpack3A_1366 = tpu.unpack_subelements %get3A_1365, 0 {pack_format = #tpu.pack_format<interleaved>} : vector<32xbf16> -> vector<16xf32>
        %unpack3A_1367 = tpu.unpack_subelements %get3A_1365, 1 {pack_format = #tpu.pack_format<interleaved>} : vector<32xbf16> -> vector<16xf32>
        %mul3A_1368 = arith.mulf %get3A_882, %unpack3A_1366 : vector<16xf32>
        %add3A_1369 = arith.addf %add3A_1356, %mul3A_1368 : vector<16xf32>
        %mul3A_1370 = arith.mulf %get3A_962, %unpack3A_1367 : vector<16xf32>
        %add3A_1371 = arith.addf %add3A_1358, %mul3A_1370 : vector<16xf32>
        %add3A_1372 = arith.constant 15 : i32
        %add3A_1373 = arith.addi %mul3A_1181, %add3A_1372 : i32
        %get3A_1374 = arith.constant 1 : i32
        %get3A_1375 = arith.index_cast %get3A_1374 : i32 to index
        %get3A_1376 = arith.index_cast %add3A_1373 : i32 to index
        %get3A_1377 = arith.constant 0 : index
        %get3A_1378 = tpu.vector_load %arg8[%get3A_1375, %get3A_1376, %get3A_1377] {strides = array<i32>} : memref<2x640x64xbf16, #tpu.memory_space<vmem>>, vector<32xbf16>,
        %unpack3A_1379 = tpu.unpack_subelements %get3A_1378, 0 {pack_format = #tpu.pack_format<interleaved>} : vector<32xbf16> -> vector<16xf32>
        %unpack3A_1380 = tpu.unpack_subelements %get3A_1378, 1 {pack_format = #tpu.pack_format<interleaved>} : vector<32xbf16> -> vector<16xf32>
        %mul3A_1381 = arith.mulf %get3A_886, %unpack3A_1379 : vector<16xf32>
        %add3A_1382 = arith.addf %add3A_1369, %mul3A_1381 : vector<16xf32>
        %mul3A_1383 = arith.mulf %get3A_966, %unpack3A_1380 : vector<16xf32>
        %add3A_1384 = arith.addf %add3A_1371, %mul3A_1383 : vector<16xf32>
        %add3A_1385 = arith.constant 16 : i32
        %add3A_1386 = arith.addi %mul3A_1181, %add3A_1385 : i32
        %get3A_1387 = arith.constant 1 : i32
        %get3A_1388 = arith.index_cast %get3A_1387 : i32 to index
        %get3A_1389 = arith.index_cast %add3A_1386 : i32 to index
        %get3A_1390 = arith.constant 0 : index
        %get3A_1391 = tpu.vector_load %arg8[%get3A_1388, %get3A_1389, %get3A_1390] {strides = array<i32>} : memref<2x640x64xbf16, #tpu.memory_space<vmem>>, vector<32xbf16>,
        %unpack3A_1392 = tpu.unpack_subelements %get3A_1391, 0 {pack_format = #tpu.pack_format<interleaved>} : vector<32xbf16> -> vector<16xf32>
        %unpack3A_1393 = tpu.unpack_subelements %get3A_1391, 1 {pack_format = #tpu.pack_format<interleaved>} : vector<32xbf16> -> vector<16xf32>
        %mul3A_1394 = arith.mulf %get3A_890, %unpack3A_1392 : vector<16xf32>
        %add3A_1395 = arith.addf %add3A_1382, %mul3A_1394 : vector<16xf32>
        %mul3A_1396 = arith.mulf %get3A_970, %unpack3A_1393 : vector<16xf32>
        %add3A_1397 = arith.addf %add3A_1384, %mul3A_1396 : vector<16xf32>
        %add3A_1398 = arith.constant 17 : i32
        %add3A_1399 = arith.addi %mul3A_1181, %add3A_1398 : i32
        %get3A_1400 = arith.constant 1 : i32
        %get3A_1401 = arith.index_cast %get3A_1400 : i32 to index
        %get3A_1402 = arith.index_cast %add3A_1399 : i32 to index
        %get3A_1403 = arith.constant 0 : index
        %get3A_1404 = tpu.vector_load %arg8[%get3A_1401, %get3A_1402, %get3A_1403] {strides = array<i32>} : memref<2x640x64xbf16, #tpu.memory_space<vmem>>, vector<32xbf16>,
        %unpack3A_1405 = tpu.unpack_subelements %get3A_1404, 0 {pack_format = #tpu.pack_format<interleaved>} : vector<32xbf16> -> vector<16xf32>
        %unpack3A_1406 = tpu.unpack_subelements %get3A_1404, 1 {pack_format = #tpu.pack_format<interleaved>} : vector<32xbf16> -> vector<16xf32>
        %mul3A_1407 = arith.mulf %get3A_894, %unpack3A_1405 : vector<16xf32>
        %add3A_1408 = arith.addf %add3A_1395, %mul3A_1407 : vector<16xf32>
        %mul3A_1409 = arith.mulf %get3A_974, %unpack3A_1406 : vector<16xf32>
        %add3A_1410 = arith.addf %add3A_1397, %mul3A_1409 : vector<16xf32>
        %add3A_1411 = arith.constant 18 : i32
        %add3A_1412 = arith.addi %mul3A_1181, %add3A_1411 : i32
        %get3A_1413 = arith.constant 1 : i32
        %get3A_1414 = arith.index_cast %get3A_1413 : i32 to index
        %get3A_1415 = arith.index_cast %add3A_1412 : i32 to index
        %get3A_1416 = arith.constant 0 : index
        %get3A_1417 = tpu.vector_load %arg8[%get3A_1414, %get3A_1415, %get3A_1416] {strides = array<i32>} : memref<2x640x64xbf16, #tpu.memory_space<vmem>>, vector<32xbf16>,
        %unpack3A_1418 = tpu.unpack_subelements %get3A_1417, 0 {pack_format = #tpu.pack_format<interleaved>} : vector<32xbf16> -> vector<16xf32>
        %unpack3A_1419 = tpu.unpack_subelements %get3A_1417, 1 {pack_format = #tpu.pack_format<interleaved>} : vector<32xbf16> -> vector<16xf32>
        %mul3A_1420 = arith.mulf %get3A_898, %unpack3A_1418 : vector<16xf32>
        %add3A_1421 = arith.addf %add3A_1408, %mul3A_1420 : vector<16xf32>
        %mul3A_1422 = arith.mulf %get3A_978, %unpack3A_1419 : vector<16xf32>
        %add3A_1423 = arith.addf %add3A_1410, %mul3A_1422 : vector<16xf32>
        %add3A_1424 = arith.constant 19 : i32
        %add3A_1425 = arith.addi %mul3A_1181, %add3A_1424 : i32
        %get3A_1426 = arith.constant 1 : i32
        %get3A_1427 = arith.index_cast %get3A_1426 : i32 to index
        %get3A_1428 = arith.index_cast %add3A_1425 : i32 to index
        %get3A_1429 = arith.constant 0 : index
        %get3A_1430 = tpu.vector_load %arg8[%get3A_1427, %get3A_1428, %get3A_1429] {strides = array<i32>} : memref<2x640x64xbf16, #tpu.memory_space<vmem>>, vector<32xbf16>,
        %unpack3A_1431 = tpu.unpack_subelements %get3A_1430, 0 {pack_format = #tpu.pack_format<interleaved>} : vector<32xbf16> -> vector<16xf32>
        %unpack3A_1432 = tpu.unpack_subelements %get3A_1430, 1 {pack_format = #tpu.pack_format<interleaved>} : vector<32xbf16> -> vector<16xf32>
        %mul3A_1433 = arith.mulf %get3A_902, %unpack3A_1431 : vector<16xf32>
        %add3A_1434 = arith.addf %add3A_1421, %mul3A_1433 : vector<16xf32>
        %mul3A_1435 = arith.mulf %get3A_982, %unpack3A_1432 : vector<16xf32>
        %add3A_1436 = arith.addf %add3A_1423, %mul3A_1435 : vector<16xf32>
        %swap3A_1437 = arith.constant 1 : i32
        %swap3A_1438 = arith.index_cast %swap3A_1437 : i32 to index
        %swap3A_1439 = arith.index_cast %scan3A_1178 : i32 to index
        %swap3A_1440 = arith.constant 0 : index
        %swap3A_1441 = tpu.vector_load %arg9[%swap3A_1438, %swap3A_1439, %swap3A_1440] {strides = array<i32>} : memref<2x32x64xf32, #tpu.memory_space<vmem>>, vector<16xf32>,
        tpu.vector_store %arg9[%swap3A_1438, %swap3A_1439, %swap3A_1440], %add3A_1434 {strides = array<i32>} : memref<2x32x64xf32, #tpu.memory_space<vmem>>, vector<16xf32>,
        %swap3A_1442 = arith.constant 1 : i32
        %swap3A_1443 = arith.index_cast %swap3A_1442 : i32 to index
        %swap3A_1444 = arith.index_cast %scan3A_1178 : i32 to index
        %swap3A_1445 = arith.constant 16 : index
        %swap3A_1446 = tpu.vector_load %arg9[%swap3A_1443, %swap3A_1444, %swap3A_1445] {strides = array<i32>} : memref<2x32x64xf32, #tpu.memory_space<vmem>>, vector<16xf32>,
        tpu.vector_store %arg9[%swap3A_1443, %swap3A_1444, %swap3A_1445], %add3A_1436 {strides = array<i32>} : memref<2x32x64xf32, #tpu.memory_space<vmem>>, vector<16xf32>,
        %scan3A_1447 = arith.constant 0 : i32
        scf.yield %scan3A_1447 : i32
      }
      %scan3A_989 = arith.constant 32 : i32
      %get3A_990 = arith.constant 0 : i32
      %get3A_991 = arith.index_cast %get3A_990 : i32 to index
      %get3A_992 = arith.constant 32 : index
      %get3A_993 = tpu.vector_load %arg7[%get3A_991, %get3A_992] {strides = array<i32>} : memref<20x64xf32, #tpu.memory_space<vmem>>, vector<16xf32>,
      %get3A_994 = arith.constant 1 : i32
      %get3A_995 = arith.index_cast %get3A_994 : i32 to index
      %get3A_996 = arith.constant 32 : index
      %get3A_997 = tpu.vector_load %arg7[%get3A_995, %get3A_996] {strides = array<i32>} : memref<20x64xf32, #tpu.memory_space<vmem>>, vector<16xf32>,
      %get3A_998 = arith.constant 2 : i32
      %get3A_999 = arith.index_cast %get3A_998 : i32 to index
      %get3A_1000 = arith.constant 32 : index
      %get3A_1001 = tpu.vector_load %arg7[%get3A_999, %get3A_1000] {strides = array<i32>} : memref<20x64xf32, #tpu.memory_space<vmem>>, vector<16xf32>,
      %get3A_1002 = arith.constant 3 : i32
      %get3A_1003 = arith.index_cast %get3A_1002 : i32 to index
      %get3A_1004 = arith.constant 32 : index
      %get3A_1005 = tpu.vector_load %arg7[%get3A_1003, %get3A_1004] {strides = array<i32>} : memref<20x64xf32, #tpu.memory_space<vmem>>, vector<16xf32>,
      %get3A_1006 = arith.constant 4 : i32
      %get3A_1007 = arith.index_cast %get3A_1006 : i32 to index
      %get3A_1008 = arith.constant 32 : index
      %get3A_1009 = tpu.vector_load %arg7[%get3A_1007, %get3A_1008] {strides = array<i32>} : memref<20x64xf32, #tpu.memory_space<vmem>>, vector<16xf32>,
      %get3A_1010 = arith.constant 5 : i32
      %get3A_1011 = arith.index_cast %get3A_1010 : i32 to index
      %get3A_1012 = arith.constant 32 : index
      %get3A_1013 = tpu.vector_load %arg7[%get3A_1011, %get3A_1012] {strides = array<i32>} : memref<20x64xf32, #tpu.memory_space<vmem>>, vector<16xf32>,
      %get3A_1014 = arith.constant 6 : i32
      %get3A_1015 = arith.index_cast %get3A_1014 : i32 to index
      %get3A_1016 = arith.constant 32 : index
      %get3A_1017 = tpu.vector_load %arg7[%get3A_1015, %get3A_1016] {strides = array<i32>} : memref<20x64xf32, #tpu.memory_space<vmem>>, vector<16xf32>,
      %get3A_1018 = arith.constant 7 : i32
      %get3A_1019 = arith.index_cast %get3A_1018 : i32 to index
      %get3A_1020 = arith.constant 32 : index
      %get3A_1021 = tpu.vector_load %arg7[%get3A_1019, %get3A_1020] {strides = array<i32>} : memref<20x64xf32, #tpu.memory_space<vmem>>, vector<16xf32>,
      %get3A_1022 = arith.constant 8 : i32
      %get3A_1023 = arith.index_cast %get3A_1022 : i32 to index
      %get3A_1024 = arith.constant 32 : index
      %get3A_1025 = tpu.vector_load %arg7[%get3A_1023, %get3A_1024] {strides = array<i32>} : memref<20x64xf32, #tpu.memory_space<vmem>>, vector<16xf32>,
      %get3A_1026 = arith.constant 9 : i32
      %get3A_1027 = arith.index_cast %get3A_1026 : i32 to index
      %get3A_1028 = arith.constant 32 : index
      %get3A_1029 = tpu.vector_load %arg7[%get3A_1027, %get3A_1028] {strides = array<i32>} : memref<20x64xf32, #tpu.memory_space<vmem>>, vector<16xf32>,
      %get3A_1030 = arith.constant 10 : i32
      %get3A_1031 = arith.index_cast %get3A_1030 : i32 to index
      %get3A_1032 = arith.constant 32 : index
      %get3A_1033 = tpu.vector_load %arg7[%get3A_1031, %get3A_1032] {strides = array<i32>} : memref<20x64xf32, #tpu.memory_space<vmem>>, vector<16xf32>,
      %get3A_1034 = arith.constant 11 : i32
      %get3A_1035 = arith.index_cast %get3A_1034 : i32 to index
      %get3A_1036 = arith.constant 32 : index
      %get3A_1037 = tpu.vector_load %arg7[%get3A_1035, %get3A_1036] {strides = array<i32>} : memref<20x64xf32, #tpu.memory_space<vmem>>, vector<16xf32>,
      %get3A_1038 = arith.constant 12 : i32
      %get3A_1039 = arith.index_cast %get3A_1038 : i32 to index
      %get3A_1040 = arith.constant 32 : index
      %get3A_1041 = tpu.vector_load %arg7[%get3A_1039, %get3A_1040] {strides = array<i32>} : memref<20x64xf32, #tpu.memory_space<vmem>>, vector<16xf32>,
      %get3A_1042 = arith.constant 13 : i32
      %get3A_1043 = arith.index_cast %get3A_1042 : i32 to index
      %get3A_1044 = arith.constant 32 : index
      %get3A_1045 = tpu.vector_load %arg7[%get3A_1043, %get3A_1044] {strides = array<i32>} : memref<20x64xf32, #tpu.memory_space<vmem>>, vector<16xf32>,
      %get3A_1046 = arith.constant 14 : i32
      %get3A_1047 = arith.index_cast %get3A_1046 : i32 to index
      %get3A_1048 = arith.constant 32 : index
      %get3A_1049 = tpu.vector_load %arg7[%get3A_1047, %get3A_1048] {strides = array<i32>} : memref<20x64xf32, #tpu.memory_space<vmem>>, vector<16xf32>,
      %get3A_1050 = arith.constant 15 : i32
      %get3A_1051 = arith.index_cast %get3A_1050 : i32 to index
      %get3A_1052 = arith.constant 32 : index
      %get3A_1053 = tpu.vector_load %arg7[%get3A_1051, %get3A_1052] {strides = array<i32>} : memref<20x64xf32, #tpu.memory_space<vmem>>, vector<16xf32>,
      %get3A_1054 = arith.constant 16 : i32
      %get3A_1055 = arith.index_cast %get3A_1054 : i32 to index
      %get3A_1056 = arith.constant 32 : index
      %get3A_1057 = tpu.vector_load %arg7[%get3A_1055, %get3A_1056] {strides = array<i32>} : memref<20x64xf32, #tpu.memory_space<vmem>>, vector<16xf32>,
      %get3A_1058 = arith.constant 17 : i32
      %get3A_1059 = arith.index_cast %get3A_1058 : i32 to index
      %get3A_1060 = arith.constant 32 : index
      %get3A_1061 = tpu.vector_load %arg7[%get3A_1059, %get3A_1060] {strides = array<i32>} : memref<20x64xf32, #tpu.memory_space<vmem>>, vector<16xf32>,
      %get3A_1062 = arith.constant 18 : i32
      %get3A_1063 = arith.index_cast %get3A_1062 : i32 to index
      %get3A_1064 = arith.constant 32 : index
      %get3A_1065 = tpu.vector_load %arg7[%get3A_1063, %get3A_1064] {strides = array<i32>} : memref<20x64xf32, #tpu.memory_space<vmem>>, vector<16xf32>,
      %get3A_1066 = arith.constant 19 : i32
      %get3A_1067 = arith.index_cast %get3A_1066 : i32 to index
      %get3A_1068 = arith.constant 32 : index
      %get3A_1069 = tpu.vector_load %arg7[%get3A_1067, %get3A_1068] {strides = array<i32>} : memref<20x64xf32, #tpu.memory_space<vmem>>, vector<16xf32>,
      %get3A_1070 = arith.constant 0 : i32
      %get3A_1071 = arith.index_cast %get3A_1070 : i32 to index
      %get3A_1072 = arith.constant 48 : index
      %get3A_1073 = tpu.vector_load %arg7[%get3A_1071, %get3A_1072] {strides = array<i32>} : memref<20x64xf32, #tpu.memory_space<vmem>>, vector<16xf32>,
      %get3A_1074 = arith.constant 1 : i32
      %get3A_1075 = arith.index_cast %get3A_1074 : i32 to index
      %get3A_1076 = arith.constant 48 : index
      %get3A_1077 = tpu.vector_load %arg7[%get3A_1075, %get3A_1076] {strides = array<i32>} : memref<20x64xf32, #tpu.memory_space<vmem>>, vector<16xf32>,
      %get3A_1078 = arith.constant 2 : i32
      %get3A_1079 = arith.index_cast %get3A_1078 : i32 to index
      %get3A_1080 = arith.constant 48 : index
      %get3A_1081 = tpu.vector_load %arg7[%get3A_1079, %get3A_1080] {strides = array<i32>} : memref<20x64xf32, #tpu.memory_space<vmem>>, vector<16xf32>,
      %get3A_1082 = arith.constant 3 : i32
      %get3A_1083 = arith.index_cast %get3A_1082 : i32 to index
      %get3A_1084 = arith.constant 48 : index
      %get3A_1085 = tpu.vector_load %arg7[%get3A_1083, %get3A_1084] {strides = array<i32>} : memref<20x64xf32, #tpu.memory_space<vmem>>, vector<16xf32>,
      %get3A_1086 = arith.constant 4 : i32
      %get3A_1087 = arith.index_cast %get3A_1086 : i32 to index
      %get3A_1088 = arith.constant 48 : index
      %get3A_1089 = tpu.vector_load %arg7[%get3A_1087, %get3A_1088] {strides = array<i32>} : memref<20x64xf32, #tpu.memory_space<vmem>>, vector<16xf32>,
      %get3A_1090 = arith.constant 5 : i32
      %get3A_1091 = arith.index_cast %get3A_1090 : i32 to index
      %get3A_1092 = arith.constant 48 : index
      %get3A_1093 = tpu.vector_load %arg7[%get3A_1091, %get3A_1092] {strides = array<i32>} : memref<20x64xf32, #tpu.memory_space<vmem>>, vector<16xf32>,
      %get3A_1094 = arith.constant 6 : i32
      %get3A_1095 = arith.index_cast %get3A_1094 : i32 to index
      %get3A_1096 = arith.constant 48 : index
      %get3A_1097 = tpu.vector_load %arg7[%get3A_1095, %get3A_1096] {strides = array<i32>} : memref<20x64xf32, #tpu.memory_space<vmem>>, vector<16xf32>,
      %get3A_1098 = arith.constant 7 : i32
      %get3A_1099 = arith.index_cast %get3A_1098 : i32 to index
      %get3A_1100 = arith.constant 48 : index
      %get3A_1101 = tpu.vector_load %arg7[%get3A_1099, %get3A_1100] {strides = array<i32>} : memref<20x64xf32, #tpu.memory_space<vmem>>, vector<16xf32>,
      %get3A_1102 = arith.constant 8 : i32
      %get3A_1103 = arith.index_cast %get3A_1102 : i32 to index
      %get3A_1104 = arith.constant 48 : index
      %get3A_1105 = tpu.vector_load %arg7[%get3A_1103, %get3A_1104] {strides = array<i32>} : memref<20x64xf32, #tpu.memory_space<vmem>>, vector<16xf32>,
      %get3A_1106 = arith.constant 9 : i32
      %get3A_1107 = arith.index_cast %get3A_1106 : i32 to index
      %get3A_1108 = arith.constant 48 : index
      %get3A_1109 = tpu.vector_load %arg7[%get3A_1107, %get3A_1108] {strides = array<i32>} : memref<20x64xf32, #tpu.memory_space<vmem>>, vector<16xf32>,
      %get3A_1110 = arith.constant 10 : i32
      %get3A_1111 = arith.index_cast %get3A_1110 : i32 to index
      %get3A_1112 = arith.constant 48 : index
      %get3A_1113 = tpu.vector_load %arg7[%get3A_1111, %get3A_1112] {strides = array<i32>} : memref<20x64xf32, #tpu.memory_space<vmem>>, vector<16xf32>,
      %get3A_1114 = arith.constant 11 : i32
      %get3A_1115 = arith.index_cast %get3A_1114 : i32 to index
      %get3A_1116 = arith.constant 48 : index
      %get3A_1117 = tpu.vector_load %arg7[%get3A_1115, %get3A_1116] {strides = array<i32>} : memref<20x64xf32, #tpu.memory_space<vmem>>, vector<16xf32>,
      %get3A_1118 = arith.constant 12 : i32
      %get3A_1119 = arith.index_cast %get3A_1118 : i32 to index
      %get3A_1120 = arith.constant 48 : index
      %get3A_1121 = tpu.vector_load %arg7[%get3A_1119, %get3A_1120] {strides = array<i32>} : memref<20x64xf32, #tpu.memory_space<vmem>>, vector<16xf32>,
      %get3A_1122 = arith.constant 13 : i32
      %get3A_1123 = arith.index_cast %get3A_1122 : i32 to index
      %get3A_1124 = arith.constant 48 : index
      %get3A_1125 = tpu.vector_load %arg7[%get3A_1123, %get3A_1124] {strides = array<i32>} : memref<20x64xf32, #tpu.memory_space<vmem>>, vector<16xf32>,
      %get3A_1126 = arith.constant 14 : i32
      %get3A_1127 = arith.index_cast %get3A_1126 : i32 to index
      %get3A_1128 = arith.constant 48 : index
      %get3A_1129 = tpu.vector_load %arg7[%get3A_1127, %get3A_1128] {strides = array<i32>} : memref<20x64xf32, #tpu.memory_space<vmem>>, vector<16xf32>,
      %get3A_1130 = arith.constant 15 : i32
      %get3A_1131 = arith.index_cast %get3A_1130 : i32 to index
      %get3A_1132 = arith.constant 48 : index
      %get3A_1133 = tpu.vector_load %arg7[%get3A_1131, %get3A_1132] {strides = array<i32>} : memref<20x64xf32, #tpu.memory_space<vmem>>, vector<16xf32>,
      %get3A_1134 = arith.constant 16 : i32
      %get3A_1135 = arith.index_cast %get3A_1134 : i32 to index
      %get3A_1136 = arith.constant 48 : index
      %get3A_1137 = tpu.vector_load %arg7[%get3A_1135, %get3A_1136] {strides = array<i32>} : memref<20x64xf32, #tpu.memory_space<vmem>>, vector<16xf32>,
      %get3A_1138 = arith.constant 17 : i32
      %get3A_1139 = arith.index_cast %get3A_1138 : i32 to index
      %get3A_1140 = arith.constant 48 : index
      %get3A_1141 = tpu.vector_load %arg7[%get3A_1139, %get3A_1140] {strides = array<i32>} : memref<20x64xf32, #tpu.memory_space<vmem>>, vector<16xf32>,
      %get3A_1142 = arith.constant 18 : i32
      %get3A_1143 = arith.index_cast %get3A_1142 : i32 to index
      %get3A_1144 = arith.constant 48 : index
      %get3A_1145 = tpu.vector_load %arg7[%get3A_1143, %get3A_1144] {strides = array<i32>} : memref<20x64xf32, #tpu.memory_space<vmem>>, vector<16xf32>,
      %get3A_1146 = arith.constant 19 : i32
      %get3A_1147 = arith.index_cast %get3A_1146 : i32 to index
      %get3A_1148 = arith.constant 48 : index
      %get3A_1149 = tpu.vector_load %arg7[%get3A_1147, %get3A_1148] {strides = array<i32>} : memref<20x64xf32, #tpu.memory_space<vmem>>, vector<16xf32>,
      %scan3A_1150 = arith.constant 0 : i32
      %scan3A_1151 = arith.constant 0 : i32
      %scan3A_1152 = arith.constant 32 : i32
      %scan3A_1153 = arith.addi %scan3A_1151, %scan3A_1152 : i32
      %scan3A_1154 = arith.constant 1 : i32
      %scan3A_1155 = scf.for %scan3A_1178 = %scan3A_1151 to %scan3A_1153 step %scan3A_1154 iter_args(%scan3A_1179 = %scan3A_1150) -> (i32)  : i32 {
        %mul3A_1180 = arith.constant 20 : i32
        %mul3A_1181 = arith.muli %scan3A_1178, %mul3A_1180 : i32
        %get3A_1182 = arith.constant 1 : i32
        %get3A_1183 = arith.index_cast %get3A_1182 : i32 to index
        %get3A_1184 = arith.index_cast %mul3A_1181 : i32 to index
        %get3A_1185 = arith.constant 32 : index
        %get3A_1186 = tpu.vector_load %arg8[%get3A_1183, %get3A_1184, %get3A_1185] {strides = array<i32>} : memref<2x640x64xbf16, #tpu.memory_space<vmem>>, vector<32xbf16>,
        %unpack3A = tpu.unpack_subelements %get3A_1186, 0 {pack_format = #tpu.pack_format<interleaved>} : vector<32xbf16> -> vector<16xf32>
        %unpack3A_1187 = tpu.unpack_subelements %get3A_1186, 1 {pack_format = #tpu.pack_format<interleaved>} : vector<32xbf16> -> vector<16xf32>
        %mul3A_1188 = arith.mulf %get3A_993, %unpack3A : vector<16xf32>
        %mul3A_1189 = arith.mulf %get3A_1073, %unpack3A_1187 : vector<16xf32>
        %add3A_1190 = arith.constant 1 : i32
        %add3A_1191 = arith.addi %mul3A_1181, %add3A_1190 : i32
        %get3A_1192 = arith.constant 1 : i32
        %get3A_1193 = arith.index_cast %get3A_1192 : i32 to index
        %get3A_1194 = arith.index_cast %add3A_1191 : i32 to index
        %get3A_1195 = arith.constant 32 : index
        %get3A_1196 = tpu.vector_load %arg8[%get3A_1193, %get3A_1194, %get3A_1195] {strides = array<i32>} : memref<2x640x64xbf16, #tpu.memory_space<vmem>>, vector<32xbf16>,
        %unpack3A_1197 = tpu.unpack_subelements %get3A_1196, 0 {pack_format = #tpu.pack_format<interleaved>} : vector<32xbf16> -> vector<16xf32>
        %unpack3A_1198 = tpu.unpack_subelements %get3A_1196, 1 {pack_format = #tpu.pack_format<interleaved>} : vector<32xbf16> -> vector<16xf32>
        %mul3A_1199 = arith.mulf %get3A_997, %unpack3A_1197 : vector<16xf32>
        %add3A_1200 = arith.addf %mul3A_1188, %mul3A_1199 : vector<16xf32>
        %mul3A_1201 = arith.mulf %get3A_1077, %unpack3A_1198 : vector<16xf32>
        %add3A_1202 = arith.addf %mul3A_1189, %mul3A_1201 : vector<16xf32>
        %add3A_1203 = arith.constant 2 : i32
        %add3A_1204 = arith.addi %mul3A_1181, %add3A_1203 : i32
        %get3A_1205 = arith.constant 1 : i32
        %get3A_1206 = arith.index_cast %get3A_1205 : i32 to index
        %get3A_1207 = arith.index_cast %add3A_1204 : i32 to index
        %get3A_1208 = arith.constant 32 : index
        %get3A_1209 = tpu.vector_load %arg8[%get3A_1206, %get3A_1207, %get3A_1208] {strides = array<i32>} : memref<2x640x64xbf16, #tpu.memory_space<vmem>>, vector<32xbf16>,
        %unpack3A_1210 = tpu.unpack_subelements %get3A_1209, 0 {pack_format = #tpu.pack_format<interleaved>} : vector<32xbf16> -> vector<16xf32>
        %unpack3A_1211 = tpu.unpack_subelements %get3A_1209, 1 {pack_format = #tpu.pack_format<interleaved>} : vector<32xbf16> -> vector<16xf32>
        %mul3A_1212 = arith.mulf %get3A_1001, %unpack3A_1210 : vector<16xf32>
        %add3A_1213 = arith.addf %add3A_1200, %mul3A_1212 : vector<16xf32>
        %mul3A_1214 = arith.mulf %get3A_1081, %unpack3A_1211 : vector<16xf32>
        %add3A_1215 = arith.addf %add3A_1202, %mul3A_1214 : vector<16xf32>
        %add3A_1216 = arith.constant 3 : i32
        %add3A_1217 = arith.addi %mul3A_1181, %add3A_1216 : i32
        %get3A_1218 = arith.constant 1 : i32
        %get3A_1219 = arith.index_cast %get3A_1218 : i32 to index
        %get3A_1220 = arith.index_cast %add3A_1217 : i32 to index
        %get3A_1221 = arith.constant 32 : index
        %get3A_1222 = tpu.vector_load %arg8[%get3A_1219, %get3A_1220, %get3A_1221] {strides = array<i32>} : memref<2x640x64xbf16, #tpu.memory_space<vmem>>, vector<32xbf16>,
        %unpack3A_1223 = tpu.unpack_subelements %get3A_1222, 0 {pack_format = #tpu.pack_format<interleaved>} : vector<32xbf16> -> vector<16xf32>
        %unpack3A_1224 = tpu.unpack_subelements %get3A_1222, 1 {pack_format = #tpu.pack_format<interleaved>} : vector<32xbf16> -> vector<16xf32>
        %mul3A_1225 = arith.mulf %get3A_1005, %unpack3A_1223 : vector<16xf32>
        %add3A_1226 = arith.addf %add3A_1213, %mul3A_1225 : vector<16xf32>
        %mul3A_1227 = arith.mulf %get3A_1085, %unpack3A_1224 : vector<16xf32>
        %add3A_1228 = arith.addf %add3A_1215, %mul3A_1227 : vector<16xf32>
        %add3A_1229 = arith.constant 4 : i32
        %add3A_1230 = arith.addi %mul3A_1181, %add3A_1229 : i32
        %get3A_1231 = arith.constant 1 : i32
        %get3A_1232 = arith.index_cast %get3A_1231 : i32 to index
        %get3A_1233 = arith.index_cast %add3A_1230 : i32 to index
        %get3A_1234 = arith.constant 32 : index
        %get3A_1235 = tpu.vector_load %arg8[%get3A_1232, %get3A_1233, %get3A_1234] {strides = array<i32>} : memref<2x640x64xbf16, #tpu.memory_space<vmem>>, vector<32xbf16>,
        %unpack3A_1236 = tpu.unpack_subelements %get3A_1235, 0 {pack_format = #tpu.pack_format<interleaved>} : vector<32xbf16> -> vector<16xf32>
        %unpack3A_1237 = tpu.unpack_subelements %get3A_1235, 1 {pack_format = #tpu.pack_format<interleaved>} : vector<32xbf16> -> vector<16xf32>
        %mul3A_1238 = arith.mulf %get3A_1009, %unpack3A_1236 : vector<16xf32>
        %add3A_1239 = arith.addf %add3A_1226, %mul3A_1238 : vector<16xf32>
        %mul3A_1240 = arith.mulf %get3A_1089, %unpack3A_1237 : vector<16xf32>
        %add3A_1241 = arith.addf %add3A_1228, %mul3A_1240 : vector<16xf32>
        %add3A_1242 = arith.constant 5 : i32
        %add3A_1243 = arith.addi %mul3A_1181, %add3A_1242 : i32
        %get3A_1244 = arith.constant 1 : i32
        %get3A_1245 = arith.index_cast %get3A_1244 : i32 to index
        %get3A_1246 = arith.index_cast %add3A_1243 : i32 to index
        %get3A_1247 = arith.constant 32 : index
        %get3A_1248 = tpu.vector_load %arg8[%get3A_1245, %get3A_1246, %get3A_1247] {strides = array<i32>} : memref<2x640x64xbf16, #tpu.memory_space<vmem>>, vector<32xbf16>,
        %unpack3A_1249 = tpu.unpack_subelements %get3A_1248, 0 {pack_format = #tpu.pack_format<interleaved>} : vector<32xbf16> -> vector<16xf32>
        %unpack3A_1250 = tpu.unpack_subelements %get3A_1248, 1 {pack_format = #tpu.pack_format<interleaved>} : vector<32xbf16> -> vector<16xf32>
        %mul3A_1251 = arith.mulf %get3A_1013, %unpack3A_1249 : vector<16xf32>
        %add3A_1252 = arith.addf %add3A_1239, %mul3A_1251 : vector<16xf32>
        %mul3A_1253 = arith.mulf %get3A_1093, %unpack3A_1250 : vector<16xf32>
        %add3A_1254 = arith.addf %add3A_1241, %mul3A_1253 : vector<16xf32>
        %add3A_1255 = arith.constant 6 : i32
        %add3A_1256 = arith.addi %mul3A_1181, %add3A_1255 : i32
        %get3A_1257 = arith.constant 1 : i32
        %get3A_1258 = arith.index_cast %get3A_1257 : i32 to index
        %get3A_1259 = arith.index_cast %add3A_1256 : i32 to index
        %get3A_1260 = arith.constant 32 : index
        %get3A_1261 = tpu.vector_load %arg8[%get3A_1258, %get3A_1259, %get3A_1260] {strides = array<i32>} : memref<2x640x64xbf16, #tpu.memory_space<vmem>>, vector<32xbf16>,
        %unpack3A_1262 = tpu.unpack_subelements %get3A_1261, 0 {pack_format = #tpu.pack_format<interleaved>} : vector<32xbf16> -> vector<16xf32>
        %unpack3A_1263 = tpu.unpack_subelements %get3A_1261, 1 {pack_format = #tpu.pack_format<interleaved>} : vector<32xbf16> -> vector<16xf32>
        %mul3A_1264 = arith.mulf %get3A_1017, %unpack3A_1262 : vector<16xf32>
        %add3A_1265 = arith.addf %add3A_1252, %mul3A_1264 : vector<16xf32>
        %mul3A_1266 = arith.mulf %get3A_1097, %unpack3A_1263 : vector<16xf32>
        %add3A_1267 = arith.addf %add3A_1254, %mul3A_1266 : vector<16xf32>
        %add3A_1268 = arith.constant 7 : i32
        %add3A_1269 = arith.addi %mul3A_1181, %add3A_1268 : i32
        %get3A_1270 = arith.constant 1 : i32
        %get3A_1271 = arith.index_cast %get3A_1270 : i32 to index
        %get3A_1272 = arith.index_cast %add3A_1269 : i32 to index
        %get3A_1273 = arith.constant 32 : index
        %get3A_1274 = tpu.vector_load %arg8[%get3A_1271, %get3A_1272, %get3A_1273] {strides = array<i32>} : memref<2x640x64xbf16, #tpu.memory_space<vmem>>, vector<32xbf16>,
        %unpack3A_1275 = tpu.unpack_subelements %get3A_1274, 0 {pack_format = #tpu.pack_format<interleaved>} : vector<32xbf16> -> vector<16xf32>
        %unpack3A_1276 = tpu.unpack_subelements %get3A_1274, 1 {pack_format = #tpu.pack_format<interleaved>} : vector<32xbf16> -> vector<16xf32>
        %mul3A_1277 = arith.mulf %get3A_1021, %unpack3A_1275 : vector<16xf32>
        %add3A_1278 = arith.addf %add3A_1265, %mul3A_1277 : vector<16xf32>
        %mul3A_1279 = arith.mulf %get3A_1101, %unpack3A_1276 : vector<16xf32>
        %add3A_1280 = arith.addf %add3A_1267, %mul3A_1279 : vector<16xf32>
        %add3A_1281 = arith.constant 8 : i32
        %add3A_1282 = arith.addi %mul3A_1181, %add3A_1281 : i32
        %get3A_1283 = arith.constant 1 : i32
        %get3A_1284 = arith.index_cast %get3A_1283 : i32 to index
        %get3A_1285 = arith.index_cast %add3A_1282 : i32 to index
        %get3A_1286 = arith.constant 32 : index
        %get3A_1287 = tpu.vector_load %arg8[%get3A_1284, %get3A_1285, %get3A_1286] {strides = array<i32>} : memref<2x640x64xbf16, #tpu.memory_space<vmem>>, vector<32xbf16>,
        %unpack3A_1288 = tpu.unpack_subelements %get3A_1287, 0 {pack_format = #tpu.pack_format<interleaved>} : vector<32xbf16> -> vector<16xf32>
        %unpack3A_1289 = tpu.unpack_subelements %get3A_1287, 1 {pack_format = #tpu.pack_format<interleaved>} : vector<32xbf16> -> vector<16xf32>
        %mul3A_1290 = arith.mulf %get3A_1025, %unpack3A_1288 : vector<16xf32>
        %add3A_1291 = arith.addf %add3A_1278, %mul3A_1290 : vector<16xf32>
        %mul3A_1292 = arith.mulf %get3A_1105, %unpack3A_1289 : vector<16xf32>
        %add3A_1293 = arith.addf %add3A_1280, %mul3A_1292 : vector<16xf32>
        %add3A_1294 = arith.constant 9 : i32
        %add3A_1295 = arith.addi %mul3A_1181, %add3A_1294 : i32
        %get3A_1296 = arith.constant 1 : i32
        %get3A_1297 = arith.index_cast %get3A_1296 : i32 to index
        %get3A_1298 = arith.index_cast %add3A_1295 : i32 to index
        %get3A_1299 = arith.constant 32 : index
        %get3A_1300 = tpu.vector_load %arg8[%get3A_1297, %get3A_1298, %get3A_1299] {strides = array<i32>} : memref<2x640x64xbf16, #tpu.memory_space<vmem>>, vector<32xbf16>,
        %unpack3A_1301 = tpu.unpack_subelements %get3A_1300, 0 {pack_format = #tpu.pack_format<interleaved>} : vector<32xbf16> -> vector<16xf32>
        %unpack3A_1302 = tpu.unpack_subelements %get3A_1300, 1 {pack_format = #tpu.pack_format<interleaved>} : vector<32xbf16> -> vector<16xf32>
        %mul3A_1303 = arith.mulf %get3A_1029, %unpack3A_1301 : vector<16xf32>
        %add3A_1304 = arith.addf %add3A_1291, %mul3A_1303 : vector<16xf32>
        %mul3A_1305 = arith.mulf %get3A_1109, %unpack3A_1302 : vector<16xf32>
        %add3A_1306 = arith.addf %add3A_1293, %mul3A_1305 : vector<16xf32>
        %add3A_1307 = arith.constant 10 : i32
        %add3A_1308 = arith.addi %mul3A_1181, %add3A_1307 : i32
        %get3A_1309 = arith.constant 1 : i32
        %get3A_1310 = arith.index_cast %get3A_1309 : i32 to index
        %get3A_1311 = arith.index_cast %add3A_1308 : i32 to index
        %get3A_1312 = arith.constant 32 : index
        %get3A_1313 = tpu.vector_load %arg8[%get3A_1310, %get3A_1311, %get3A_1312] {strides = array<i32>} : memref<2x640x64xbf16, #tpu.memory_space<vmem>>, vector<32xbf16>,
        %unpack3A_1314 = tpu.unpack_subelements %get3A_1313, 0 {pack_format = #tpu.pack_format<interleaved>} : vector<32xbf16> -> vector<16xf32>
        %unpack3A_1315 = tpu.unpack_subelements %get3A_1313, 1 {pack_format = #tpu.pack_format<interleaved>} : vector<32xbf16> -> vector<16xf32>
        %mul3A_1316 = arith.mulf %get3A_1033, %unpack3A_1314 : vector<16xf32>
        %add3A_1317 = arith.addf %add3A_1304, %mul3A_1316 : vector<16xf32>
        %mul3A_1318 = arith.mulf %get3A_1113, %unpack3A_1315 : vector<16xf32>
        %add3A_1319 = arith.addf %add3A_1306, %mul3A_1318 : vector<16xf32>
        %add3A_1320 = arith.constant 11 : i32
        %add3A_1321 = arith.addi %mul3A_1181, %add3A_1320 : i32
        %get3A_1322 = arith.constant 1 : i32
        %get3A_1323 = arith.index_cast %get3A_1322 : i32 to index
        %get3A_1324 = arith.index_cast %add3A_1321 : i32 to index
        %get3A_1325 = arith.constant 32 : index
        %get3A_1326 = tpu.vector_load %arg8[%get3A_1323, %get3A_1324, %get3A_1325] {strides = array<i32>} : memref<2x640x64xbf16, #tpu.memory_space<vmem>>, vector<32xbf16>,
        %unpack3A_1327 = tpu.unpack_subelements %get3A_1326, 0 {pack_format = #tpu.pack_format<interleaved>} : vector<32xbf16> -> vector<16xf32>
        %unpack3A_1328 = tpu.unpack_subelements %get3A_1326, 1 {pack_format = #tpu.pack_format<interleaved>} : vector<32xbf16> -> vector<16xf32>
        %mul3A_1329 = arith.mulf %get3A_1037, %unpack3A_1327 : vector<16xf32>
        %add3A_1330 = arith.addf %add3A_1317, %mul3A_1329 : vector<16xf32>
        %mul3A_1331 = arith.mulf %get3A_1117, %unpack3A_1328 : vector<16xf32>
        %add3A_1332 = arith.addf %add3A_1319, %mul3A_1331 : vector<16xf32>
        %add3A_1333 = arith.constant 12 : i32
        %add3A_1334 = arith.addi %mul3A_1181, %add3A_1333 : i32
        %get3A_1335 = arith.constant 1 : i32
        %get3A_1336 = arith.index_cast %get3A_1335 : i32 to index
        %get3A_1337 = arith.index_cast %add3A_1334 : i32 to index
        %get3A_1338 = arith.constant 32 : index
        %get3A_1339 = tpu.vector_load %arg8[%get3A_1336, %get3A_1337, %get3A_1338] {strides = array<i32>} : memref<2x640x64xbf16, #tpu.memory_space<vmem>>, vector<32xbf16>,
        %unpack3A_1340 = tpu.unpack_subelements %get3A_1339, 0 {pack_format = #tpu.pack_format<interleaved>} : vector<32xbf16> -> vector<16xf32>
        %unpack3A_1341 = tpu.unpack_subelements %get3A_1339, 1 {pack_format = #tpu.pack_format<interleaved>} : vector<32xbf16> -> vector<16xf32>
        %mul3A_1342 = arith.mulf %get3A_1041, %unpack3A_1340 : vector<16xf32>
        %add3A_1343 = arith.addf %add3A_1330, %mul3A_1342 : vector<16xf32>
        %mul3A_1344 = arith.mulf %get3A_1121, %unpack3A_1341 : vector<16xf32>
        %add3A_1345 = arith.addf %add3A_1332, %mul3A_1344 : vector<16xf32>
        %add3A_1346 = arith.constant 13 : i32
        %add3A_1347 = arith.addi %mul3A_1181, %add3A_1346 : i32
        %get3A_1348 = arith.constant 1 : i32
        %get3A_1349 = arith.index_cast %get3A_1348 : i32 to index
        %get3A_1350 = arith.index_cast %add3A_1347 : i32 to index
        %get3A_1351 = arith.constant 32 : index
        %get3A_1352 = tpu.vector_load %arg8[%get3A_1349, %get3A_1350, %get3A_1351] {strides = array<i32>} : memref<2x640x64xbf16, #tpu.memory_space<vmem>>, vector<32xbf16>,
        %unpack3A_1353 = tpu.unpack_subelements %get3A_1352, 0 {pack_format = #tpu.pack_format<interleaved>} : vector<32xbf16> -> vector<16xf32>
        %unpack3A_1354 = tpu.unpack_subelements %get3A_1352, 1 {pack_format = #tpu.pack_format<interleaved>} : vector<32xbf16> -> vector<16xf32>
        %mul3A_1355 = arith.mulf %get3A_1045, %unpack3A_1353 : vector<16xf32>
        %add3A_1356 = arith.addf %add3A_1343, %mul3A_1355 : vector<16xf32>
        %mul3A_1357 = arith.mulf %get3A_1125, %unpack3A_1354 : vector<16xf32>
        %add3A_1358 = arith.addf %add3A_1345, %mul3A_1357 : vector<16xf32>
        %add3A_1359 = arith.constant 14 : i32
        %add3A_1360 = arith.addi %mul3A_1181, %add3A_1359 : i32
        %get3A_1361 = arith.constant 1 : i32
        %get3A_1362 = arith.index_cast %get3A_1361 : i32 to index
        %get3A_1363 = arith.index_cast %add3A_1360 : i32 to index
        %get3A_1364 = arith.constant 32 : index
        %get3A_1365 = tpu.vector_load %arg8[%get3A_1362, %get3A_1363, %get3A_1364] {strides = array<i32>} : memref<2x640x64xbf16, #tpu.memory_space<vmem>>, vector<32xbf16>,
        %unpack3A_1366 = tpu.unpack_subelements %get3A_1365, 0 {pack_format = #tpu.pack_format<interleaved>} : vector<32xbf16> -> vector<16xf32>
        %unpack3A_1367 = tpu.unpack_subelements %get3A_1365, 1 {pack_format = #tpu.pack_format<interleaved>} : vector<32xbf16> -> vector<16xf32>
        %mul3A_1368 = arith.mulf %get3A_1049, %unpack3A_1366 : vector<16xf32>
        %add3A_1369 = arith.addf %add3A_1356, %mul3A_1368 : vector<16xf32>
        %mul3A_1370 = arith.mulf %get3A_1129, %unpack3A_1367 : vector<16xf32>
        %add3A_1371 = arith.addf %add3A_1358, %mul3A_1370 : vector<16xf32>
        %add3A_1372 = arith.constant 15 : i32
        %add3A_1373 = arith.addi %mul3A_1181, %add3A_1372 : i32
        %get3A_1374 = arith.constant 1 : i32
        %get3A_1375 = arith.index_cast %get3A_1374 : i32 to index
        %get3A_1376 = arith.index_cast %add3A_1373 : i32 to index
        %get3A_1377 = arith.constant 32 : index
        %get3A_1378 = tpu.vector_load %arg8[%get3A_1375, %get3A_1376, %get3A_1377] {strides = array<i32>} : memref<2x640x64xbf16, #tpu.memory_space<vmem>>, vector<32xbf16>,
        %unpack3A_1379 = tpu.unpack_subelements %get3A_1378, 0 {pack_format = #tpu.pack_format<interleaved>} : vector<32xbf16> -> vector<16xf32>
        %unpack3A_1380 = tpu.unpack_subelements %get3A_1378, 1 {pack_format = #tpu.pack_format<interleaved>} : vector<32xbf16> -> vector<16xf32>
        %mul3A_1381 = arith.mulf %get3A_1053, %unpack3A_1379 : vector<16xf32>
        %add3A_1382 = arith.addf %add3A_1369, %mul3A_1381 : vector<16xf32>
        %mul3A_1383 = arith.mulf %get3A_1133, %unpack3A_1380 : vector<16xf32>
        %add3A_1384 = arith.addf %add3A_1371, %mul3A_1383 : vector<16xf32>
        %add3A_1385 = arith.constant 16 : i32
        %add3A_1386 = arith.addi %mul3A_1181, %add3A_1385 : i32
        %get3A_1387 = arith.constant 1 : i32
        %get3A_1388 = arith.index_cast %get3A_1387 : i32 to index
        %get3A_1389 = arith.index_cast %add3A_1386 : i32 to index
        %get3A_1390 = arith.constant 32 : index
        %get3A_1391 = tpu.vector_load %arg8[%get3A_1388, %get3A_1389, %get3A_1390] {strides = array<i32>} : memref<2x640x64xbf16, #tpu.memory_space<vmem>>, vector<32xbf16>,
        %unpack3A_1392 = tpu.unpack_subelements %get3A_1391, 0 {pack_format = #tpu.pack_format<interleaved>} : vector<32xbf16> -> vector<16xf32>
        %unpack3A_1393 = tpu.unpack_subelements %get3A_1391, 1 {pack_format = #tpu.pack_format<interleaved>} : vector<32xbf16> -> vector<16xf32>
        %mul3A_1394 = arith.mulf %get3A_1057, %unpack3A_1392 : vector<16xf32>
        %add3A_1395 = arith.addf %add3A_1382, %mul3A_1394 : vector<16xf32>
        %mul3A_1396 = arith.mulf %get3A_1137, %unpack3A_1393 : vector<16xf32>
        %add3A_1397 = arith.addf %add3A_1384, %mul3A_1396 : vector<16xf32>
        %add3A_1398 = arith.constant 17 : i32
        %add3A_1399 = arith.addi %mul3A_1181, %add3A_1398 : i32
        %get3A_1400 = arith.constant 1 : i32
        %get3A_1401 = arith.index_cast %get3A_1400 : i32 to index
        %get3A_1402 = arith.index_cast %add3A_1399 : i32 to index
        %get3A_1403 = arith.constant 32 : index
        %get3A_1404 = tpu.vector_load %arg8[%get3A_1401, %get3A_1402, %get3A_1403] {strides = array<i32>} : memref<2x640x64xbf16, #tpu.memory_space<vmem>>, vector<32xbf16>,
        %unpack3A_1405 = tpu.unpack_subelements %get3A_1404, 0 {pack_format = #tpu.pack_format<interleaved>} : vector<32xbf16> -> vector<16xf32>
        %unpack3A_1406 = tpu.unpack_subelements %get3A_1404, 1 {pack_format = #tpu.pack_format<interleaved>} : vector<32xbf16> -> vector<16xf32>
        %mul3A_1407 = arith.mulf %get3A_1061, %unpack3A_1405 : vector<16xf32>
        %add3A_1408 = arith.addf %add3A_1395, %mul3A_1407 : vector<16xf32>
        %mul3A_1409 = arith.mulf %get3A_1141, %unpack3A_1406 : vector<16xf32>
        %add3A_1410 = arith.addf %add3A_1397, %mul3A_1409 : vector<16xf32>
        %add3A_1411 = arith.constant 18 : i32
        %add3A_1412 = arith.addi %mul3A_1181, %add3A_1411 : i32
        %get3A_1413 = arith.constant 1 : i32
        %get3A_1414 = arith.index_cast %get3A_1413 : i32 to index
        %get3A_1415 = arith.index_cast %add3A_1412 : i32 to index
        %get3A_1416 = arith.constant 32 : index
        %get3A_1417 = tpu.vector_load %arg8[%get3A_1414, %get3A_1415, %get3A_1416] {strides = array<i32>} : memref<2x640x64xbf16, #tpu.memory_space<vmem>>, vector<32xbf16>,
        %unpack3A_1418 = tpu.unpack_subelements %get3A_1417, 0 {pack_format = #tpu.pack_format<interleaved>} : vector<32xbf16> -> vector<16xf32>
        %unpack3A_1419 = tpu.unpack_subelements %get3A_1417, 1 {pack_format = #tpu.pack_format<interleaved>} : vector<32xbf16> -> vector<16xf32>
        %mul3A_1420 = arith.mulf %get3A_1065, %unpack3A_1418 : vector<16xf32>
        %add3A_1421 = arith.addf %add3A_1408, %mul3A_1420 : vector<16xf32>
        %mul3A_1422 = arith.mulf %get3A_1145, %unpack3A_1419 : vector<16xf32>
        %add3A_1423 = arith.addf %add3A_1410, %mul3A_1422 : vector<16xf32>
        %add3A_1424 = arith.constant 19 : i32
        %add3A_1425 = arith.addi %mul3A_1181, %add3A_1424 : i32
        %get3A_1426 = arith.constant 1 : i32
        %get3A_1427 = arith.index_cast %get3A_1426 : i32 to index
        %get3A_1428 = arith.index_cast %add3A_1425 : i32 to index
        %get3A_1429 = arith.constant 32 : index
        %get3A_1430 = tpu.vector_load %arg8[%get3A_1427, %get3A_1428, %get3A_1429] {strides = array<i32>} : memref<2x640x64xbf16, #tpu.memory_space<vmem>>, vector<32xbf16>,
        %unpack3A_1431 = tpu.unpack_subelements %get3A_1430, 0 {pack_format = #tpu.pack_format<interleaved>} : vector<32xbf16> -> vector<16xf32>
        %unpack3A_1432 = tpu.unpack_subelements %get3A_1430, 1 {pack_format = #tpu.pack_format<interleaved>} : vector<32xbf16> -> vector<16xf32>
        %mul3A_1433 = arith.mulf %get3A_1069, %unpack3A_1431 : vector<16xf32>
        %add3A_1434 = arith.addf %add3A_1421, %mul3A_1433 : vector<16xf32>
        %mul3A_1435 = arith.mulf %get3A_1149, %unpack3A_1432 : vector<16xf32>
        %add3A_1436 = arith.addf %add3A_1423, %mul3A_1435 : vector<16xf32>
        %swap3A_1437 = arith.constant 1 : i32
        %swap3A_1438 = arith.index_cast %swap3A_1437 : i32 to index
        %swap3A_1439 = arith.index_cast %scan3A_1178 : i32 to index
        %swap3A_1440 = arith.constant 32 : index
        %swap3A_1441 = tpu.vector_load %arg9[%swap3A_1438, %swap3A_1439, %swap3A_1440] {strides = array<i32>} : memref<2x32x64xf32, #tpu.memory_space<vmem>>, vector<16xf32>,
        tpu.vector_store %arg9[%swap3A_1438, %swap3A_1439, %swap3A_1440], %add3A_1434 {strides = array<i32>} : memref<2x32x64xf32, #tpu.memory_space<vmem>>, vector<16xf32>,
        %swap3A_1442 = arith.constant 1 : i32
        %swap3A_1443 = arith.index_cast %swap3A_1442 : i32 to index
        %swap3A_1444 = arith.index_cast %scan3A_1178 : i32 to index
        %swap3A_1445 = arith.constant 48 : index
        %swap3A_1446 = tpu.vector_load %arg9[%swap3A_1443, %swap3A_1444, %swap3A_1445] {strides = array<i32>} : memref<2x32x64xf32, #tpu.memory_space<vmem>>, vector<16xf32>,
        tpu.vector_store %arg9[%swap3A_1443, %swap3A_1444, %swap3A_1445], %add3A_1436 {strides = array<i32>} : memref<2x32x64xf32, #tpu.memory_space<vmem>>, vector<16xf32>,
        %scan3A_1447 = arith.constant 0 : i32
        scf.yield %scan3A_1447 : i32
      }
      %scan3A_1156 = arith.constant 32 : i32
      %dma_start3A_1157 = arith.constant 1 : i32
      %dma_start3A_1158 = arith.constant 1 : i32
      %dma_start3A_1159 = arith.constant 0 : i32
      %dma_start3A_1160 = arith.constant 0 : i32
      %dma_start3A_1161 = tpu.memref_slice %arg9[%dma_start3A_1157, %dma_start3A_1159, %dma_start3A_1160] : memref<2x32x64xf32, #tpu.memory_space<vmem>> -> memref<1x32x64xf32, #tpu.memory_space<vmem>>
      %dma_start3A_1162 = tpu.memref_squeeze %dma_start3A_1161 : memref<1x32x64xf32, #tpu.memory_space<vmem>> -> memref<32x64xf32, #tpu.memory_space<vmem>>
      %dma_start3A_1163 = arith.constant 0 : i32
      %dma_start3A_1164 = tpu.memref_slice %arg10[%dma_start3A_1158, %dma_start3A_1163] : memref<2x32xi32, #tpu.memory_space<vmem>> -> memref<1x32xi32, #tpu.memory_space<vmem>>
      %dma_start3A_1165 = tpu.memref_squeeze %dma_start3A_1164 : memref<1x32xi32, #tpu.memory_space<vmem>> -> memref<32xi32, #tpu.memory_space<vmem>>
      %dma_start3A_1166 = arith.constant 0 : i32
      %dma_start3A_1167 = arith.constant 0 : i32
      %dma_start3A_1168 = tpu.memref_slice %arg5[%dma_start3A_1166, %dma_start3A_1167] : memref<51200x64xf32, #tpu.memory_space<hbm>> -> memref<51200x64xf32, #tpu.memory_space<hbm>>
      tpu.enqueue_indirect_dma source(%dma_start3A_1162 : memref<32x64xf32, #tpu.memory_space<vmem>>) target(%dma_start3A_1168 : memref<51200x64xf32, #tpu.memory_space<hbm>>) offsets(%dma_start3A_1165 : memref<32xi32, #tpu.memory_space<vmem>>) semaphore(%arg14 : memref<!tpu.dma_semaphore, #tpu.memory_space<semaphore_mem>>)
      %add3A_1169 = arith.constant 1 : i32
      %add3A_1170 = arith.addi %mul3A_168, %add3A_1169 : i32
      %add3A_1171 = arith.constant 2 : i32
      %add3A_1172 = arith.addi %add3A_1170, %add3A_1171 : i32
      %lt3A_1173 = arith.constant 50 : i32
      %lt3A_1174 = arith.cmpi slt, %add3A_1172, %lt3A_1173 : i32
      %convert_element_type3A_1175 = arith.extui %lt3A_1174 : i1 to i32
      %cond3A_1176 = arith.constant 0 : i32
      %cond3A_1177 = arith.cmpi ne, %convert_element_type3A_1175, %cond3A_1176 : i32
      scf.if %cond3A_1177 {
        %add3A_1178 = arith.constant 1 : i32
        %add3A_1179 = arith.addi %mul3A_168, %add3A_1178 : i32
        %add3A_1180 = arith.constant 2 : i32
        %add3A_1181 = arith.addi %add3A_1179, %add3A_1180 : i32
        %mul3A_1182 = arith.constant 5 : i32
        %mul3A_1183 = arith.muli %add3A_1181, %mul3A_1182 : i32
        %add3A_1184 = arith.constant 0 : i32
        %add3A_1185 = arith.addi %mul3A_1183, %add3A_1184 : i32
        %mul3A_1186 = arith.constant 128 : i32
        %mul3A_1187 = arith.muli %add3A_1185, %mul3A_1186 : i32
        %dma_start3A_1188 = arith.constant 1 : i32
        %dma_start3A_1189 = arith.constant 0 : i32
        %dma_start3A_1190 = arith.constant 0 : i32
        %dma_start3A_1191 = tpu.memref_slice %arg8[%dma_start3A_1188, %dma_start3A_1189, %dma_start3A_1190] : memref<2x640x64xbf16, #tpu.memory_space<vmem>> -> memref<1x640x64xbf16, #tpu.memory_space<vmem>>
        %dma_start3A_1192 = tpu.memref_squeeze %dma_start3A_1191 : memref<1x640x64xbf16, #tpu.memory_space<vmem>> -> memref<640x64xbf16, #tpu.memory_space<vmem>>
        %dma_start3A_1193 = arith.constant 0 : i32
        %dma_start3A_1194 = arith.constant 0 : i32
        %dma_start3A_1195 = tpu.memref_slice %dma_start3A_1192[%dma_start3A_1193, %dma_start3A_1194] : memref<640x64xbf16, #tpu.memory_space<vmem>> -> memref<128x64xbf16, #tpu.memory_space<vmem>>
        %dma_start3A_1196 = tpu.memref_slice %arg6[%mul3A_1187] : memref<32000xi32, #tpu.memory_space<vmem>> -> memref<128xi32, #tpu.memory_space<vmem>>
        %dma_start3A_1197 = arith.constant 0 : i32
        %dma_start3A_1198 = arith.constant 0 : i32
        %dma_start3A_1199 = tpu.memref_slice %arg3[%dma_start3A_1197, %dma_start3A_1198] : memref<100000x64xbf16, #tpu.memory_space<hbm>> -> memref<100000x64xbf16, #tpu.memory_space<hbm>>
        tpu.enqueue_indirect_dma source(%dma_start3A_1199 : memref<100000x64xbf16, #tpu.memory_space<hbm>>) target(%dma_start3A_1195 : memref<128x64xbf16, #tpu.memory_space<vmem>>) offsets(%dma_start3A_1196 : memref<128xi32, #tpu.memory_space<vmem>>) semaphore(%arg12 : memref<!tpu.dma_semaphore, #tpu.memory_space<semaphore_mem>>)
        %mul3A_1200 = arith.constant 5 : i32
        %mul3A_1201 = arith.muli %add3A_1181, %mul3A_1200 : i32
        %add3A_1202 = arith.constant 1 : i32
        %add3A_1203 = arith.addi %mul3A_1201, %add3A_1202 : i32
        %mul3A_1204 = arith.constant 128 : i32
        %mul3A_1205 = arith.muli %add3A_1203, %mul3A_1204 : i32
        %dma_start3A_1206 = arith.constant 1 : i32
        %dma_start3A_1207 = arith.constant 0 : i32
        %dma_start3A_1208 = arith.constant 0 : i32
        %dma_start3A_1209 = tpu.memref_slice %arg8[%dma_start3A_1206, %dma_start3A_1207, %dma_start3A_1208] : memref<2x640x64xbf16, #tpu.memory_space<vmem>> -> memref<1x640x64xbf16, #tpu.memory_space<vmem>>
        %dma_start3A_1210 = tpu.memref_squeeze %dma_start3A_1209 : memref<1x640x64xbf16, #tpu.memory_space<vmem>> -> memref<640x64xbf16, #tpu.memory_space<vmem>>
        %dma_start3A_1211 = arith.constant 128 : i32
        %dma_start3A_1212 = arith.constant 0 : i32
        %dma_start3A_1213 = tpu.memref_slice %dma_start3A_1210[%dma_start3A_1211, %dma_start3A_1212] : memref<640x64xbf16, #tpu.memory_space<vmem>> -> memref<128x64xbf16, #tpu.memory_space<vmem>>
        %dma_start3A_1214 = tpu.memref_slice %arg6[%mul3A_1205] : memref<32000xi32, #tpu.memory_space<vmem>> -> memref<128xi32, #tpu.memory_space<vmem>>
        %dma_start3A_1215 = arith.constant 0 : i32
        %dma_start3A_1216 = arith.constant 0 : i32
        %dma_start3A_1217 = tpu.memref_slice %arg3[%dma_start3A_1215, %dma_start3A_1216] : memref<100000x64xbf16, #tpu.memory_space<hbm>> -> memref<100000x64xbf16, #tpu.memory_space<hbm>>
        tpu.enqueue_indirect_dma source(%dma_start3A_1217 : memref<100000x64xbf16, #tpu.memory_space<hbm>>) target(%dma_start3A_1213 : memref<128x64xbf16, #tpu.memory_space<vmem>>) offsets(%dma_start3A_1214 : memref<128xi32, #tpu.memory_space<vmem>>) semaphore(%arg12 : memref<!tpu.dma_semaphore, #tpu.memory_space<semaphore_mem>>)
        %mul3A_1218 = arith.constant 5 : i32
        %mul3A_1219 = arith.muli %add3A_1181, %mul3A_1218 : i32
        %add3A_1220 = arith.constant 2 : i32
        %add3A_1221 = arith.addi %mul3A_1219, %add3A_1220 : i32
        %mul3A_1222 = arith.constant 128 : i32
        %mul3A_1223 = arith.muli %add3A_1221, %mul3A_1222 : i32
        %dma_start3A_1224 = arith.constant 1 : i32
        %dma_start3A_1225 = arith.constant 0 : i32
        %dma_start3A_1226 = arith.constant 0 : i32
        %dma_start3A_1227 = tpu.memref_slice %arg8[%dma_start3A_1224, %dma_start3A_1225, %dma_start3A_1226] : memref<2x640x64xbf16, #tpu.memory_space<vmem>> -> memref<1x640x64xbf16, #tpu.memory_space<vmem>>
        %dma_start3A_1228 = tpu.memref_squeeze %dma_start3A_1227 : memref<1x640x64xbf16, #tpu.memory_space<vmem>> -> memref<640x64xbf16, #tpu.memory_space<vmem>>
        %dma_start3A_1229 = arith.constant 256 : i32
        %dma_start3A_1230 = arith.constant 0 : i32
        %dma_start3A_1231 = tpu.memref_slice %dma_start3A_1228[%dma_start3A_1229, %dma_start3A_1230] : memref<640x64xbf16, #tpu.memory_space<vmem>> -> memref<128x64xbf16, #tpu.memory_space<vmem>>
        %dma_start3A_1232 = tpu.memref_slice %arg6[%mul3A_1223] : memref<32000xi32, #tpu.memory_space<vmem>> -> memref<128xi32, #tpu.memory_space<vmem>>
        %dma_start3A_1233 = arith.constant 0 : i32
        %dma_start3A_1234 = arith.constant 0 : i32
        %dma_start3A_1235 = tpu.memref_slice %arg3[%dma_start3A_1233, %dma_start3A_1234] : memref<100000x64xbf16, #tpu.memory_space<hbm>> -> memref<100000x64xbf16, #tpu.memory_space<hbm>>
        tpu.enqueue_indirect_dma source(%dma_start3A_1235 : memref<100000x64xbf16, #tpu.memory_space<hbm>>) target(%dma_start3A_1231 : memref<128x64xbf16, #tpu.memory_space<vmem>>) offsets(%dma_start3A_1232 : memref<128xi32, #tpu.memory_space<vmem>>) semaphore(%arg12 : memref<!tpu.dma_semaphore, #tpu.memory_space<semaphore_mem>>)
        %mul3A_1236 = arith.constant 5 : i32
        %mul3A_1237 = arith.muli %add3A_1181, %mul3A_1236 : i32
        %add3A_1238 = arith.constant 3 : i32
        %add3A_1239 = arith.addi %mul3A_1237, %add3A_1238 : i32
        %mul3A_1240 = arith.constant 128 : i32
        %mul3A_1241 = arith.muli %add3A_1239, %mul3A_1240 : i32
        %dma_start3A_1242 = arith.constant 1 : i32
        %dma_start3A_1243 = arith.constant 0 : i32
        %dma_start3A_1244 = arith.constant 0 : i32
        %dma_start3A_1245 = tpu.memref_slice %arg8[%dma_start3A_1242, %dma_start3A_1243, %dma_start3A_1244] : memref<2x640x64xbf16, #tpu.memory_space<vmem>> -> memref<1x640x64xbf16, #tpu.memory_space<vmem>>
        %dma_start3A_1246 = tpu.memref_squeeze %dma_start3A_1245 : memref<1x640x64xbf16, #tpu.memory_space<vmem>> -> memref<640x64xbf16, #tpu.memory_space<vmem>>
        %dma_start3A_1247 = arith.constant 384 : i32
        %dma_start3A_1248 = arith.constant 0 : i32
        %dma_start3A_1249 = tpu.memref_slice %dma_start3A_1246[%dma_start3A_1247, %dma_start3A_1248] : memref<640x64xbf16, #tpu.memory_space<vmem>> -> memref<128x64xbf16, #tpu.memory_space<vmem>>
        %dma_start3A_1250 = tpu.memref_slice %arg6[%mul3A_1241] : memref<32000xi32, #tpu.memory_space<vmem>> -> memref<128xi32, #tpu.memory_space<vmem>>
        %dma_start3A_1251 = arith.constant 0 : i32
        %dma_start3A_1252 = arith.constant 0 : i32
        %dma_start3A_1253 = tpu.memref_slice %arg3[%dma_start3A_1251, %dma_start3A_1252] : memref<100000x64xbf16, #tpu.memory_space<hbm>> -> memref<100000x64xbf16, #tpu.memory_space<hbm>>
        tpu.enqueue_indirect_dma source(%dma_start3A_1253 : memref<100000x64xbf16, #tpu.memory_space<hbm>>) target(%dma_start3A_1249 : memref<128x64xbf16, #tpu.memory_space<vmem>>) offsets(%dma_start3A_1250 : memref<128xi32, #tpu.memory_space<vmem>>) semaphore(%arg12 : memref<!tpu.dma_semaphore, #tpu.memory_space<semaphore_mem>>)
        %mul3A_1254 = arith.constant 5 : i32
        %mul3A_1255 = arith.muli %add3A_1181, %mul3A_1254 : i32
        %add3A_1256 = arith.constant 4 : i32
        %add3A_1257 = arith.addi %mul3A_1255, %add3A_1256 : i32
        %mul3A_1258 = arith.constant 128 : i32
        %mul3A_1259 = arith.muli %add3A_1257, %mul3A_1258 : i32
        %dma_start3A_1260 = arith.constant 1 : i32
        %dma_start3A_1261 = arith.constant 0 : i32
        %dma_start3A_1262 = arith.constant 0 : i32
        %dma_start3A_1263 = tpu.memref_slice %arg8[%dma_start3A_1260, %dma_start3A_1261, %dma_start3A_1262] : memref<2x640x64xbf16, #tpu.memory_space<vmem>> -> memref<1x640x64xbf16, #tpu.memory_space<vmem>>
        %dma_start3A_1264 = tpu.memref_squeeze %dma_start3A_1263 : memref<1x640x64xbf16, #tpu.memory_space<vmem>> -> memref<640x64xbf16, #tpu.memory_space<vmem>>
        %dma_start3A_1265 = arith.constant 512 : i32
        %dma_start3A_1266 = arith.constant 0 : i32
        %dma_start3A_1267 = tpu.memref_slice %dma_start3A_1264[%dma_start3A_1265, %dma_start3A_1266] : memref<640x64xbf16, #tpu.memory_space<vmem>> -> memref<128x64xbf16, #tpu.memory_space<vmem>>
        %dma_start3A_1268 = tpu.memref_slice %arg6[%mul3A_1259] : memref<32000xi32, #tpu.memory_space<vmem>> -> memref<128xi32, #tpu.memory_space<vmem>>
        %dma_start3A_1269 = arith.constant 0 : i32
        %dma_start3A_1270 = arith.constant 0 : i32
        %dma_start3A_1271 = tpu.memref_slice %arg3[%dma_start3A_1269, %dma_start3A_1270] : memref<100000x64xbf16, #tpu.memory_space<hbm>> -> memref<100000x64xbf16, #tpu.memory_space<hbm>>
        tpu.enqueue_indirect_dma source(%dma_start3A_1271 : memref<100000x64xbf16, #tpu.memory_space<hbm>>) target(%dma_start3A_1267 : memref<128x64xbf16, #tpu.memory_space<vmem>>) offsets(%dma_start3A_1268 : memref<128xi32, #tpu.memory_space<vmem>>) semaphore(%arg12 : memref<!tpu.dma_semaphore, #tpu.memory_space<semaphore_mem>>)
      } else {
      }
    }
    %scan3A_136 = arith.constant 25 : i32
    %dma_wait3A = arith.constant 0 : i32
    %dma_wait3A_137 = arith.constant 0 : i32
    %dma_wait3A_138 = arith.constant 0 : i32
    %dma_wait3A_139 = tpu.memref_slice %arg9[%dma_wait3A, %dma_wait3A_137, %dma_wait3A_138] : memref<2x32x64xf32, #tpu.memory_space<vmem>> -> memref<1x32x64xf32, #tpu.memory_space<vmem>>
    %dma_wait3A_140 = tpu.memref_squeeze %dma_wait3A_139 : memref<1x32x64xf32, #tpu.memory_space<vmem>> -> memref<32x64xf32, #tpu.memory_space<vmem>>
    %dma_wait3A_141 = arith.constant 0 : i32
    %dma_wait3A_142 = arith.constant 0 : i32
    %dma_wait3A_143 = tpu.memref_slice %arg5[%dma_wait3A_141, %dma_wait3A_142] : memref<51200x64xf32, #tpu.memory_space<hbm>> -> memref<32x64xf32, #tpu.memory_space<hbm>>
    %dma_wait3A_144 = arith.constant 0 : i32
    %dma_wait3A_145 = arith.constant 0 : i32
    %dma_wait3A_146 = tpu.memref_slice %arg5[%dma_wait3A_144, %dma_wait3A_145] : memref<51200x64xf32, #tpu.memory_space<hbm>> -> memref<32x64xf32, #tpu.memory_space<hbm>>
    %dma_wait3A_147 = arith.constant 0 : i32
    %dma_wait3A_148 = arith.constant 0 : i32
    %dma_wait3A_149 = tpu.memref_slice %arg9[%dma_wait3A, %dma_wait3A_147, %dma_wait3A_148] : memref<2x32x64xf32, #tpu.memory_space<vmem>> -> memref<1x32x64xf32, #tpu.memory_space<vmem>>
    %dma_wait3A_150 = tpu.memref_squeeze %dma_wait3A_149 : memref<1x32x64xf32, #tpu.memory_space<vmem>> -> memref<32x64xf32, #tpu.memory_space<vmem>>
    tpu.wait_dma2 semaphore(%arg13 : memref<!tpu.dma_semaphore, #tpu.memory_space<semaphore_mem>>) src(%dma_wait3A_150 : memref<32x64xf32, #tpu.memory_space<vmem>>) dst(%dma_wait3A_146 : memref<32x64xf32, #tpu.memory_space<hbm>>)
    %dma_wait3A_151 = arith.constant 1 : i32
    %dma_wait3A_152 = arith.constant 0 : i32
    %dma_wait3A_153 = arith.constant 0 : i32
    %dma_wait3A_154 = tpu.memref_slice %arg9[%dma_wait3A_151, %dma_wait3A_152, %dma_wait3A_153] : memref<2x32x64xf32, #tpu.memory_space<vmem>> -> memref<1x32x64xf32, #tpu.memory_space<vmem>>
    %dma_wait3A_155 = tpu.memref_squeeze %dma_wait3A_154 : memref<1x32x64xf32, #tpu.memory_space<vmem>> -> memref<32x64xf32, #tpu.memory_space<vmem>>
    %dma_wait3A_156 = arith.constant 0 : i32
    %dma_wait3A_157 = arith.constant 0 : i32
    %dma_wait3A_158 = tpu.memref_slice %arg5[%dma_wait3A_156, %dma_wait3A_157] : memref<51200x64xf32, #tpu.memory_space<hbm>> -> memref<32x64xf32, #tpu.memory_space<hbm>>
    %dma_wait3A_159 = arith.constant 0 : i32
    %dma_wait3A_160 = arith.constant 0 : i32
    %dma_wait3A_161 = tpu.memref_slice %arg5[%dma_wait3A_159, %dma_wait3A_160] : memref<51200x64xf32, #tpu.memory_space<hbm>> -> memref<32x64xf32, #tpu.memory_space<hbm>>
    %dma_wait3A_162 = arith.constant 0 : i32
    %dma_wait3A_163 = arith.constant 0 : i32
    %dma_wait3A_164 = tpu.memref_slice %arg9[%dma_wait3A_151, %dma_wait3A_162, %dma_wait3A_163] : memref<2x32x64xf32, #tpu.memory_space<vmem>> -> memref<1x32x64xf32, #tpu.memory_space<vmem>>
    %dma_wait3A_165 = tpu.memref_squeeze %dma_wait3A_164 : memref<1x32x64xf32, #tpu.memory_space<vmem>> -> memref<32x64xf32, #tpu.memory_space<vmem>>
    tpu.wait_dma2 semaphore(%arg14 : memref<!tpu.dma_semaphore, #tpu.memory_space<semaphore_mem>>) src(%dma_wait3A_165 : memref<32x64xf32, #tpu.memory_space<vmem>>) dst(%dma_wait3A_161 : memref<32x64xf32, #tpu.memory_space<hbm>>)
    return
  }
}

module attributes {stable_mosaic.version = 14 : i64} {
  func.func @body(%arg0: i32, %arg1: memref<10240x64xf32, #tpu.memory_space<vmem>>, %arg2: memref<64x64xf32, #tpu.memory_space<vmem>>, %arg3: memref<64x1xf32, #tpu.memory_space<vmem>>, %arg4: memref<10x64x1024xf32, #tpu.memory_space<vmem>>) attributes {dimension_semantics = [#tpu.dimension_semantics<arbitrary>], iteration_bounds = array<i64: 5>, scalar_prefetch = 0 : i64, scratch_operands = 0 : i64, tpu.core_type = #tpu.core_type<tc>, window_params = [{transform_indices = @transform_0, window_bounds = array<i64: 10240, 64>}, {pipeline_mode = #tpu.pipeline_mode<synchronous>, transform_indices = @transform_1, window_bounds = array<i64: 64, 64>}, {pipeline_mode = #tpu.pipeline_mode<synchronous>, transform_indices = @transform_2, window_bounds = array<i64: 64, 1>}, {transform_indices = @transform_3, window_bounds = array<i64: 10, 64, 1024>}]} {
    %get3A = arith.constant 0 : index
    %get3A_0 = arith.constant 0 : index
    %get3A_1 = vector.load %arg2[%get3A, %get3A_0] : memref<64x64xf32, #tpu.memory_space<vmem>>, vector<64x64xf32>
    %get3A_2 = arith.constant 0 : index
    %get3A_3 = arith.constant 0 : index
    %get3A_4 = vector.load %arg1[%get3A_2, %get3A_3] : memref<10240x64xf32, #tpu.memory_space<vmem>>, vector<1024x64xf32>
    %dot_general3A = arith.constant dense<0.000000e+00> : vector<64x1024xf32>
    %dot_general3A_5 = tpu.matmul %get3A_1, %get3A_4, %dot_general3A {dimension_numbers = #tpu.dot_dimension_numbers<[1], [1], [0], [0], [0, 0, 1, 0], [], []>, transpose_lhs_hint = false} : vector<64x64xf32>, vector<1024x64xf32>, vector<64x1024xf32> -> vector<64x1024xf32>
    %get3A_6 = arith.constant 0 : index
    %get3A_7 = arith.constant 0 : index
    %get3A_8 = vector.load %arg3[%get3A_6, %get3A_7] : memref<64x1xf32, #tpu.memory_space<vmem>>, vector<64x1xf32>
    %add3A = vector.broadcast %get3A_8 : vector<64x1xf32> to vector<64x1024xf32>
    %add3A_9 = arith.addf %dot_general3A_5, %add3A : vector<64x1024xf32>
    %swap3A = arith.constant 0 : index
    %swap3A_10 = arith.constant 0 : index
    %swap3A_11 = arith.constant 0 : index
    %swap3A_12 = vector.load %arg4[%swap3A, %swap3A_10, %swap3A_11] : memref<10x64x1024xf32, #tpu.memory_space<vmem>>, vector<1x64x1024xf32>
    %swap3A_13 = vector.shape_cast %swap3A_12 : vector<1x64x1024xf32> to vector<64x1024xf32>
    %swap3A_14 = vector.shape_cast %add3A_9 : vector<64x1024xf32> to vector<1x64x1024xf32>
    tpu.vector_store %arg4[%swap3A, %swap3A_10, %swap3A_11], %swap3A_14 {strides = array<i32>} : memref<10x64x1024xf32, #tpu.memory_space<vmem>>, vector<1x64x1024xf32>,
    %get3A_15 = arith.constant 0 : index
    %get3A_16 = arith.constant 0 : index
    %get3A_17 = vector.load %arg2[%get3A_15, %get3A_16] : memref<64x64xf32, #tpu.memory_space<vmem>>, vector<64x64xf32>
    %get3A_18 = arith.constant 1024 : index
    %get3A_19 = arith.constant 0 : index
    %get3A_20 = vector.load %arg1[%get3A_18, %get3A_19] : memref<10240x64xf32, #tpu.memory_space<vmem>>, vector<1024x64xf32>
    %dot_general3A_21 = arith.constant dense<0.000000e+00> : vector<64x1024xf32>
    %dot_general3A_22 = tpu.matmul %get3A_17, %get3A_20, %dot_general3A_21 {dimension_numbers = #tpu.dot_dimension_numbers<[1], [1], [0], [0], [0, 0, 1, 0], [], []>, transpose_lhs_hint = false} : vector<64x64xf32>, vector<1024x64xf32>, vector<64x1024xf32> -> vector<64x1024xf32>
    %get3A_23 = arith.constant 0 : index
    %get3A_24 = arith.constant 0 : index
    %get3A_25 = vector.load %arg3[%get3A_23, %get3A_24] : memref<64x1xf32, #tpu.memory_space<vmem>>, vector<64x1xf32>
    %add3A_26 = vector.broadcast %get3A_25 : vector<64x1xf32> to vector<64x1024xf32>
    %add3A_27 = arith.addf %dot_general3A_22, %add3A_26 : vector<64x1024xf32>
    %swap3A_28 = arith.constant 1 : index
    %swap3A_29 = arith.constant 0 : index
    %swap3A_30 = arith.constant 0 : index
    %swap3A_31 = vector.load %arg4[%swap3A_28, %swap3A_29, %swap3A_30] : memref<10x64x1024xf32, #tpu.memory_space<vmem>>, vector<1x64x1024xf32>
    %swap3A_32 = vector.shape_cast %swap3A_31 : vector<1x64x1024xf32> to vector<64x1024xf32>
    %swap3A_33 = vector.shape_cast %add3A_27 : vector<64x1024xf32> to vector<1x64x1024xf32>
    tpu.vector_store %arg4[%swap3A_28, %swap3A_29, %swap3A_30], %swap3A_33 {strides = array<i32>} : memref<10x64x1024xf32, #tpu.memory_space<vmem>>, vector<1x64x1024xf32>,
    %get3A_34 = arith.constant 0 : index
    %get3A_35 = arith.constant 0 : index
    %get3A_36 = vector.load %arg2[%get3A_34, %get3A_35] : memref<64x64xf32, #tpu.memory_space<vmem>>, vector<64x64xf32>
    %get3A_37 = arith.constant 2048 : index
    %get3A_38 = arith.constant 0 : index
    %get3A_39 = vector.load %arg1[%get3A_37, %get3A_38] : memref<10240x64xf32, #tpu.memory_space<vmem>>, vector<1024x64xf32>
    %dot_general3A_40 = arith.constant dense<0.000000e+00> : vector<64x1024xf32>
    %dot_general3A_41 = tpu.matmul %get3A_36, %get3A_39, %dot_general3A_40 {dimension_numbers = #tpu.dot_dimension_numbers<[1], [1], [0], [0], [0, 0, 1, 0], [], []>, transpose_lhs_hint = false} : vector<64x64xf32>, vector<1024x64xf32>, vector<64x1024xf32> -> vector<64x1024xf32>
    %get3A_42 = arith.constant 0 : index
    %get3A_43 = arith.constant 0 : index
    %get3A_44 = vector.load %arg3[%get3A_42, %get3A_43] : memref<64x1xf32, #tpu.memory_space<vmem>>, vector<64x1xf32>
    %add3A_45 = vector.broadcast %get3A_44 : vector<64x1xf32> to vector<64x1024xf32>
    %add3A_46 = arith.addf %dot_general3A_41, %add3A_45 : vector<64x1024xf32>
    %swap3A_47 = arith.constant 2 : index
    %swap3A_48 = arith.constant 0 : index
    %swap3A_49 = arith.constant 0 : index
    %swap3A_50 = vector.load %arg4[%swap3A_47, %swap3A_48, %swap3A_49] : memref<10x64x1024xf32, #tpu.memory_space<vmem>>, vector<1x64x1024xf32>
    %swap3A_51 = vector.shape_cast %swap3A_50 : vector<1x64x1024xf32> to vector<64x1024xf32>
    %swap3A_52 = vector.shape_cast %add3A_46 : vector<64x1024xf32> to vector<1x64x1024xf32>
    tpu.vector_store %arg4[%swap3A_47, %swap3A_48, %swap3A_49], %swap3A_52 {strides = array<i32>} : memref<10x64x1024xf32, #tpu.memory_space<vmem>>, vector<1x64x1024xf32>,
    %get3A_53 = arith.constant 0 : index
    %get3A_54 = arith.constant 0 : index
    %get3A_55 = vector.load %arg2[%get3A_53, %get3A_54] : memref<64x64xf32, #tpu.memory_space<vmem>>, vector<64x64xf32>
    %get3A_56 = arith.constant 3072 : index
    %get3A_57 = arith.constant 0 : index
    %get3A_58 = vector.load %arg1[%get3A_56, %get3A_57] : memref<10240x64xf32, #tpu.memory_space<vmem>>, vector<1024x64xf32>
    %dot_general3A_59 = arith.constant dense<0.000000e+00> : vector<64x1024xf32>
    %dot_general3A_60 = tpu.matmul %get3A_55, %get3A_58, %dot_general3A_59 {dimension_numbers = #tpu.dot_dimension_numbers<[1], [1], [0], [0], [0, 0, 1, 0], [], []>, transpose_lhs_hint = false} : vector<64x64xf32>, vector<1024x64xf32>, vector<64x1024xf32> -> vector<64x1024xf32>
    %get3A_61 = arith.constant 0 : index
    %get3A_62 = arith.constant 0 : index
    %get3A_63 = vector.load %arg3[%get3A_61, %get3A_62] : memref<64x1xf32, #tpu.memory_space<vmem>>, vector<64x1xf32>
    %add3A_64 = vector.broadcast %get3A_63 : vector<64x1xf32> to vector<64x1024xf32>
    %add3A_65 = arith.addf %dot_general3A_60, %add3A_64 : vector<64x1024xf32>
    %swap3A_66 = arith.constant 3 : index
    %swap3A_67 = arith.constant 0 : index
    %swap3A_68 = arith.constant 0 : index
    %swap3A_69 = vector.load %arg4[%swap3A_66, %swap3A_67, %swap3A_68] : memref<10x64x1024xf32, #tpu.memory_space<vmem>>, vector<1x64x1024xf32>
    %swap3A_70 = vector.shape_cast %swap3A_69 : vector<1x64x1024xf32> to vector<64x1024xf32>
    %swap3A_71 = vector.shape_cast %add3A_65 : vector<64x1024xf32> to vector<1x64x1024xf32>
    tpu.vector_store %arg4[%swap3A_66, %swap3A_67, %swap3A_68], %swap3A_71 {strides = array<i32>} : memref<10x64x1024xf32, #tpu.memory_space<vmem>>, vector<1x64x1024xf32>,
    %get3A_72 = arith.constant 0 : index
    %get3A_73 = arith.constant 0 : index
    %get3A_74 = vector.load %arg2[%get3A_72, %get3A_73] : memref<64x64xf32, #tpu.memory_space<vmem>>, vector<64x64xf32>
    %get3A_75 = arith.constant 4096 : index
    %get3A_76 = arith.constant 0 : index
    %get3A_77 = vector.load %arg1[%get3A_75, %get3A_76] : memref<10240x64xf32, #tpu.memory_space<vmem>>, vector<1024x64xf32>
    %dot_general3A_78 = arith.constant dense<0.000000e+00> : vector<64x1024xf32>
    %dot_general3A_79 = tpu.matmul %get3A_74, %get3A_77, %dot_general3A_78 {dimension_numbers = #tpu.dot_dimension_numbers<[1], [1], [0], [0], [0, 0, 1, 0], [], []>, transpose_lhs_hint = false} : vector<64x64xf32>, vector<1024x64xf32>, vector<64x1024xf32> -> vector<64x1024xf32>
    %get3A_80 = arith.constant 0 : index
    %get3A_81 = arith.constant 0 : index
    %get3A_82 = vector.load %arg3[%get3A_80, %get3A_81] : memref<64x1xf32, #tpu.memory_space<vmem>>, vector<64x1xf32>
    %add3A_83 = vector.broadcast %get3A_82 : vector<64x1xf32> to vector<64x1024xf32>
    %add3A_84 = arith.addf %dot_general3A_79, %add3A_83 : vector<64x1024xf32>
    %swap3A_85 = arith.constant 4 : index
    %swap3A_86 = arith.constant 0 : index
    %swap3A_87 = arith.constant 0 : index
    %swap3A_88 = vector.load %arg4[%swap3A_85, %swap3A_86, %swap3A_87] : memref<10x64x1024xf32, #tpu.memory_space<vmem>>, vector<1x64x1024xf32>
    %swap3A_89 = vector.shape_cast %swap3A_88 : vector<1x64x1024xf32> to vector<64x1024xf32>
    %swap3A_90 = vector.shape_cast %add3A_84 : vector<64x1024xf32> to vector<1x64x1024xf32>
    tpu.vector_store %arg4[%swap3A_85, %swap3A_86, %swap3A_87], %swap3A_90 {strides = array<i32>} : memref<10x64x1024xf32, #tpu.memory_space<vmem>>, vector<1x64x1024xf32>,
    %get3A_91 = arith.constant 0 : index
    %get3A_92 = arith.constant 0 : index
    %get3A_93 = vector.load %arg2[%get3A_91, %get3A_92] : memref<64x64xf32, #tpu.memory_space<vmem>>, vector<64x64xf32>
    %get3A_94 = arith.constant 5120 : index
    %get3A_95 = arith.constant 0 : index
    %get3A_96 = vector.load %arg1[%get3A_94, %get3A_95] : memref<10240x64xf32, #tpu.memory_space<vmem>>, vector<1024x64xf32>
    %dot_general3A_97 = arith.constant dense<0.000000e+00> : vector<64x1024xf32>
    %dot_general3A_98 = tpu.matmul %get3A_93, %get3A_96, %dot_general3A_97 {dimension_numbers = #tpu.dot_dimension_numbers<[1], [1], [0], [0], [0, 0, 1, 0], [], []>, transpose_lhs_hint = false} : vector<64x64xf32>, vector<1024x64xf32>, vector<64x1024xf32> -> vector<64x1024xf32>
    %get3A_99 = arith.constant 0 : index
    %get3A_100 = arith.constant 0 : index
    %get3A_101 = vector.load %arg3[%get3A_99, %get3A_100] : memref<64x1xf32, #tpu.memory_space<vmem>>, vector<64x1xf32>
    %add3A_102 = vector.broadcast %get3A_101 : vector<64x1xf32> to vector<64x1024xf32>
    %add3A_103 = arith.addf %dot_general3A_98, %add3A_102 : vector<64x1024xf32>
    %swap3A_104 = arith.constant 5 : index
    %swap3A_105 = arith.constant 0 : index
    %swap3A_106 = arith.constant 0 : index
    %swap3A_107 = vector.load %arg4[%swap3A_104, %swap3A_105, %swap3A_106] : memref<10x64x1024xf32, #tpu.memory_space<vmem>>, vector<1x64x1024xf32>
    %swap3A_108 = vector.shape_cast %swap3A_107 : vector<1x64x1024xf32> to vector<64x1024xf32>
    %swap3A_109 = vector.shape_cast %add3A_103 : vector<64x1024xf32> to vector<1x64x1024xf32>
    tpu.vector_store %arg4[%swap3A_104, %swap3A_105, %swap3A_106], %swap3A_109 {strides = array<i32>} : memref<10x64x1024xf32, #tpu.memory_space<vmem>>, vector<1x64x1024xf32>,
    %get3A_110 = arith.constant 0 : index
    %get3A_111 = arith.constant 0 : index
    %get3A_112 = vector.load %arg2[%get3A_110, %get3A_111] : memref<64x64xf32, #tpu.memory_space<vmem>>, vector<64x64xf32>
    %get3A_113 = arith.constant 6144 : index
    %get3A_114 = arith.constant 0 : index
    %get3A_115 = vector.load %arg1[%get3A_113, %get3A_114] : memref<10240x64xf32, #tpu.memory_space<vmem>>, vector<1024x64xf32>
    %dot_general3A_116 = arith.constant dense<0.000000e+00> : vector<64x1024xf32>
    %dot_general3A_117 = tpu.matmul %get3A_112, %get3A_115, %dot_general3A_116 {dimension_numbers = #tpu.dot_dimension_numbers<[1], [1], [0], [0], [0, 0, 1, 0], [], []>, transpose_lhs_hint = false} : vector<64x64xf32>, vector<1024x64xf32>, vector<64x1024xf32> -> vector<64x1024xf32>
    %get3A_118 = arith.constant 0 : index
    %get3A_119 = arith.constant 0 : index
    %get3A_120 = vector.load %arg3[%get3A_118, %get3A_119] : memref<64x1xf32, #tpu.memory_space<vmem>>, vector<64x1xf32>
    %add3A_121 = vector.broadcast %get3A_120 : vector<64x1xf32> to vector<64x1024xf32>
    %add3A_122 = arith.addf %dot_general3A_117, %add3A_121 : vector<64x1024xf32>
    %swap3A_123 = arith.constant 6 : index
    %swap3A_124 = arith.constant 0 : index
    %swap3A_125 = arith.constant 0 : index
    %swap3A_126 = vector.load %arg4[%swap3A_123, %swap3A_124, %swap3A_125] : memref<10x64x1024xf32, #tpu.memory_space<vmem>>, vector<1x64x1024xf32>
    %swap3A_127 = vector.shape_cast %swap3A_126 : vector<1x64x1024xf32> to vector<64x1024xf32>
    %swap3A_128 = vector.shape_cast %add3A_122 : vector<64x1024xf32> to vector<1x64x1024xf32>
    tpu.vector_store %arg4[%swap3A_123, %swap3A_124, %swap3A_125], %swap3A_128 {strides = array<i32>} : memref<10x64x1024xf32, #tpu.memory_space<vmem>>, vector<1x64x1024xf32>,
    %get3A_129 = arith.constant 0 : index
    %get3A_130 = arith.constant 0 : index
    %get3A_131 = vector.load %arg2[%get3A_129, %get3A_130] : memref<64x64xf32, #tpu.memory_space<vmem>>, vector<64x64xf32>
    %get3A_132 = arith.constant 7168 : index
    %get3A_133 = arith.constant 0 : index
    %get3A_134 = vector.load %arg1[%get3A_132, %get3A_133] : memref<10240x64xf32, #tpu.memory_space<vmem>>, vector<1024x64xf32>
    %dot_general3A_135 = arith.constant dense<0.000000e+00> : vector<64x1024xf32>
    %dot_general3A_136 = tpu.matmul %get3A_131, %get3A_134, %dot_general3A_135 {dimension_numbers = #tpu.dot_dimension_numbers<[1], [1], [0], [0], [0, 0, 1, 0], [], []>, transpose_lhs_hint = false} : vector<64x64xf32>, vector<1024x64xf32>, vector<64x1024xf32> -> vector<64x1024xf32>
    %get3A_137 = arith.constant 0 : index
    %get3A_138 = arith.constant 0 : index
    %get3A_139 = vector.load %arg3[%get3A_137, %get3A_138] : memref<64x1xf32, #tpu.memory_space<vmem>>, vector<64x1xf32>
    %add3A_140 = vector.broadcast %get3A_139 : vector<64x1xf32> to vector<64x1024xf32>
    %add3A_141 = arith.addf %dot_general3A_136, %add3A_140 : vector<64x1024xf32>
    %swap3A_142 = arith.constant 7 : index
    %swap3A_143 = arith.constant 0 : index
    %swap3A_144 = arith.constant 0 : index
    %swap3A_145 = vector.load %arg4[%swap3A_142, %swap3A_143, %swap3A_144] : memref<10x64x1024xf32, #tpu.memory_space<vmem>>, vector<1x64x1024xf32>
    %swap3A_146 = vector.shape_cast %swap3A_145 : vector<1x64x1024xf32> to vector<64x1024xf32>
    %swap3A_147 = vector.shape_cast %add3A_141 : vector<64x1024xf32> to vector<1x64x1024xf32>
    tpu.vector_store %arg4[%swap3A_142, %swap3A_143, %swap3A_144], %swap3A_147 {strides = array<i32>} : memref<10x64x1024xf32, #tpu.memory_space<vmem>>, vector<1x64x1024xf32>,
    %get3A_148 = arith.constant 0 : index
    %get3A_149 = arith.constant 0 : index
    %get3A_150 = vector.load %arg2[%get3A_148, %get3A_149] : memref<64x64xf32, #tpu.memory_space<vmem>>, vector<64x64xf32>
    %get3A_151 = arith.constant 8192 : index
    %get3A_152 = arith.constant 0 : index
    %get3A_153 = vector.load %arg1[%get3A_151, %get3A_152] : memref<10240x64xf32, #tpu.memory_space<vmem>>, vector<1024x64xf32>
    %dot_general3A_154 = arith.constant dense<0.000000e+00> : vector<64x1024xf32>
    %dot_general3A_155 = tpu.matmul %get3A_150, %get3A_153, %dot_general3A_154 {dimension_numbers = #tpu.dot_dimension_numbers<[1], [1], [0], [0], [0, 0, 1, 0], [], []>, transpose_lhs_hint = false} : vector<64x64xf32>, vector<1024x64xf32>, vector<64x1024xf32> -> vector<64x1024xf32>
    %get3A_156 = arith.constant 0 : index
    %get3A_157 = arith.constant 0 : index
    %get3A_158 = vector.load %arg3[%get3A_156, %get3A_157] : memref<64x1xf32, #tpu.memory_space<vmem>>, vector<64x1xf32>
    %add3A_159 = vector.broadcast %get3A_158 : vector<64x1xf32> to vector<64x1024xf32>
    %add3A_160 = arith.addf %dot_general3A_155, %add3A_159 : vector<64x1024xf32>
    %swap3A_161 = arith.constant 8 : index
    %swap3A_162 = arith.constant 0 : index
    %swap3A_163 = arith.constant 0 : index
    %swap3A_164 = vector.load %arg4[%swap3A_161, %swap3A_162, %swap3A_163] : memref<10x64x1024xf32, #tpu.memory_space<vmem>>, vector<1x64x1024xf32>
    %swap3A_165 = vector.shape_cast %swap3A_164 : vector<1x64x1024xf32> to vector<64x1024xf32>
    %swap3A_166 = vector.shape_cast %add3A_160 : vector<64x1024xf32> to vector<1x64x1024xf32>
    tpu.vector_store %arg4[%swap3A_161, %swap3A_162, %swap3A_163], %swap3A_166 {strides = array<i32>} : memref<10x64x1024xf32, #tpu.memory_space<vmem>>, vector<1x64x1024xf32>,
    %get3A_167 = arith.constant 0 : index
    %get3A_168 = arith.constant 0 : index
    %get3A_169 = vector.load %arg2[%get3A_167, %get3A_168] : memref<64x64xf32, #tpu.memory_space<vmem>>, vector<64x64xf32>
    %get3A_170 = arith.constant 9216 : index
    %get3A_171 = arith.constant 0 : index
    %get3A_172 = vector.load %arg1[%get3A_170, %get3A_171] : memref<10240x64xf32, #tpu.memory_space<vmem>>, vector<1024x64xf32>
    %dot_general3A_173 = arith.constant dense<0.000000e+00> : vector<64x1024xf32>
    %dot_general3A_174 = tpu.matmul %get3A_169, %get3A_172, %dot_general3A_173 {dimension_numbers = #tpu.dot_dimension_numbers<[1], [1], [0], [0], [0, 0, 1, 0], [], []>, transpose_lhs_hint = false} : vector<64x64xf32>, vector<1024x64xf32>, vector<64x1024xf32> -> vector<64x1024xf32>
    %get3A_175 = arith.constant 0 : index
    %get3A_176 = arith.constant 0 : index
    %get3A_177 = vector.load %arg3[%get3A_175, %get3A_176] : memref<64x1xf32, #tpu.memory_space<vmem>>, vector<64x1xf32>
    %add3A_178 = vector.broadcast %get3A_177 : vector<64x1xf32> to vector<64x1024xf32>
    %add3A_179 = arith.addf %dot_general3A_174, %add3A_178 : vector<64x1024xf32>
    %swap3A_180 = arith.constant 9 : index
    %swap3A_181 = arith.constant 0 : index
    %swap3A_182 = arith.constant 0 : index
    %swap3A_183 = vector.load %arg4[%swap3A_180, %swap3A_181, %swap3A_182] : memref<10x64x1024xf32, #tpu.memory_space<vmem>>, vector<1x64x1024xf32>
    %swap3A_184 = vector.shape_cast %swap3A_183 : vector<1x64x1024xf32> to vector<64x1024xf32>
    %swap3A_185 = vector.shape_cast %add3A_179 : vector<64x1024xf32> to vector<1x64x1024xf32>
    tpu.vector_store %arg4[%swap3A_180, %swap3A_181, %swap3A_182], %swap3A_185 {strides = array<i32>} : memref<10x64x1024xf32, #tpu.memory_space<vmem>>, vector<1x64x1024xf32>,
    return
  }
  func.func @transform_0(%arg0: i32) -> (i32, i32) {
    %c0_i32 = arith.constant 0 : i32
    %c0_i32_0 = arith.constant 0 : i32
    return %arg0, %c0_i32 : i32, i32
  }
  func.func @transform_1(%arg0: i32) -> (i32, i32) {
    %c0_i32 = arith.constant 0 : i32
    %c0_i32_0 = arith.constant 0 : i32
    %c0_i32_1 = arith.constant 0 : i32
    return %c0_i32, %c0_i32_0 : i32, i32
  }
  func.func @transform_2(%arg0: i32) -> (i32, i32) {
    %c0_i32 = arith.constant 0 : i32
    %c0_i32_0 = arith.constant 0 : i32
    %c0_i32_1 = arith.constant 0 : i32
    return %c0_i32, %c0_i32_0 : i32, i32
  }
  func.func @transform_3(%arg0: i32) -> (i32, i32, i32) {
    %c0_i32 = arith.constant 0 : i32
    %c0_i32_0 = arith.constant 0 : i32
    %c0_i32_1 = arith.constant 0 : i32
    return %arg0, %c0_i32, %c0_i32_0 : i32, i32, i32
  }
}

</mosaic_0001>

<sc_bundles>
// kernel: kernel.4.cloned.1.call-start
scs
__scs_entry_jumppad:
0x0: {  	(pc) =	sbr.rel $0x88, $3  }
0x1: {  	(tag) =	ssettag $0x0;
	lr =	simm.s32 $0x1  }
0x2: {  	[smem:$0x3F9C] =	sst lr;
	_ =	strace $0xD0000000  }
0x3: {  	_ = 	snop  }
0x4: {  	_ = 	snop  }
0x5: {  	_ = 	snop  }
0x6: {  	_ = 	snop  }
0x7: {  	_ = 	snop  }
__scs_overlays_trampoline_lowered:
0x8: {  	[smem:$0x3FAB] =	sst s0  }
0x9: {  	[smem:$0x3FAC] =	sst s1  }
0xa: {  	[smem:$0x3FAD] =	sst s2  }
0xb: {  	[smem:$0x3FAE] =	sst s3  }
0xc: {  	[smem:$0x3FAF] =	sst s4  }
0xd: {  	[smem:$0x3FB0] =	sst s5  }
0xe: {  	[smem:$0x3FB1] =	sst s6  }
0xf: {  	[smem:$0x3FB2] =	sst s7  }
0x10: {  	[smem:$0x3FB3] =	sst s8  }
0x11: {  	[smem:$0x3FB4] =	sst s9;
	s0 =	simm.s32 @!p0 $0x0  }
0x12: {  	s1 =	sld [smem:$0x3F9A];
	s0 =	simm.s32 @p0 $0x1  }
0x13: {  	[smem:$0x3FB5] =	sst s0;
	s0 =	simm.s32 @!p1 $0x0  }
0x14: {  	s2 =	sld [smem:$0x3F99];
	s0 =	simm.s32 @p1 $0x1  }
0x15: {  	[smem:$0x3FB6] =	sst s0;
	s0 =	simm.s32 @!p2 $0x0  }
0x16: {  	s3 =	sld [smem:$0x3FDB];
	s0 =	simm.s32 @p2 $0x1  }
0x17: {  	s4 =	simm.s32 $0x1BF5;
	[smem:$0x3FB8] =	sst s0  }
0x18: {  	s0 =	sld [smem:$0x3F9B];
	_ =	swait.ge [sflag:s4], $0x0  }
0x19: {  	s7 =	sld [smem:$0x3F9C]  }
0x1a: {  	s8 =	sadd.s32 $0xFFFFE003, lr  }
0x1b: {  	s9 =	sadd.s32 $0xFFFFFEF7, lr;
	s5 =	simm.s32 $0xFFFFFFFF;
	p2 =	slt.u32 s8, $0xFFFFF086  }
0x1c: {  	p1 =	slt.u32 s9, $0xF7A;
	s5 =	simm.s32 @!p2 $0x0  }
0x1d: {  	s5 =	simm.s32 @p1 $0x1;
	p0 =	seq.s32 s7, s2  }
0x1e: {  	s7 =	smul.u32 @!p0 $0xF7A, s2;
	p2 =	seq.s32 @!p0 s5, $0x0  }
0x1f: {  	s9 =	smul.u32 $0xF7A, s1;
	s8 =	simm.s32 @!p0 $0x1BF5;
	p2 =	por !p2, p0  }
0x20: {  	[sflag:s8] =	ssyncset.s32 @!p0 $0xFFFFF086;
	s6 =	sadd.s32 @!p0 s3, s7;
	s7 =	simm.s32 @!p0 $0x108  }
0x21: {  	s3 =	sadd.s32 s3, s9;
	s6 =	sadd.s32 @!p0 $0x88, s6;
	s7 =	simm.s32 @p2 $0x1082  }
0x22: {  	[simem:s7], [sflag:s8] =	dma.local @!p0 [hbm:s6], $0xF7A  }
0x23: {  	s9 =	sor.u32 $0xD0000000, s2;
	s6 =	simm.s32 $0x108;
	_ =	swait.ge @!p0 [sflag:s8], $0x0  }
0x24: {  	s3 =	sadd.s32 $0x88, s3;
	s6 =	simm.s32 @!p1 $0x1082;
	[sflag:s4] =	ssyncset.s32 $0xFFFFF086  }
0x25: {  	[simem:s6], [sflag:s4] =	dma.local [hbm:s3], $0xF7A  }
0x26: {  	[smem:$0x3F9C] =	sst s1;
	(tag) =	ssettag s2;
	_ =	strace s9  }
0x27: {  	s1 =	sld [smem:$0x3FAC]  }
0x28: {  	s2 =	sld [smem:$0x3FAD]  }
0x29: {  	s4 =	sld [smem:$0x3FAF]  }
0x2a: {  	p0 =	seq.s32 s5, $0x0;
	s5 =	sld [smem:$0x3FB0]  }
0x2b: {  	s6 =	sld [smem:$0x3FB1]  }
0x2c: {  	s7 =	sld [smem:$0x3FB2]  }
0x2d: {  	s3 =	simm.s32 $0x108;
	s8 =	sld [smem:$0x3FB3]  }
0x2e: {  	s3 =	simm.s32 @!p0 $0x1082;
	s9 =	sld [smem:$0x3FB4]  }
0x2f: {  	lr =	sadd.s32 s0, s3;
	s0 =	sld [smem:$0x3FAB]  }
0x30: {  	s3 =	sld [smem:$0x3FAE]  }
0x31: {  	[smem:$0x3FB7] =	sst s10  }
0x32: {  	s10 =	sld [smem:$0x3FB5];
	_ =	sdelay $0x3  }
0x33: {  	p0 =	seq.s32 s10, $0x1;
	s10 =	sld [smem:$0x3FB7];
	_ =	sdelay $0x3  }
0x34: {  	[smem:$0x3FB7] =	sst s10  }
0x35: {  	s10 =	sld [smem:$0x3FB6];
	_ =	sdelay $0x3  }
0x36: {  	p1 =	seq.s32 s10, $0x1;
	s10 =	sld [smem:$0x3FB7];
	_ =	sdelay $0x3  }
0x37: {  	[smem:$0x3FB7] =	sst s10  }
0x38: {  	s10 =	sld [smem:$0x3FB8]  }
0x39: {  	_ = 	snop;
	(pc) =	sbr.ind lr, $3  }
0x3a: {  	_ = 	snop  }
0x3b: {  	_ = 	snop  }
0x3c: {  	p2 =	seq.s32 s10, $0x1;
	s10 =	sld [smem:$0x3FB7]  }
0x3d: {  	_ =	shalt  }
0x3e: {  	_ =	shalt  }
0x3f: {  	_ =	shalt  }
0x40: {  	_ =	shalt  }
0x41: {  	_ =	shalt  }
0x42: {  	_ =	shalt  }
0x43: {  	_ =	shalt  }
0x44: {  	_ =	shalt  }
0x45: {  	_ =	shalt  }
0x46: {  	_ =	shalt  }
0x47: {  	_ =	shalt  }
0x48: {  	_ =	shalt  }
0x49: {  	_ =	shalt  }
0x4a: {  	_ =	shalt  }
0x4b: {  	_ =	shalt  }
0x4c: {  	_ =	shalt  }
0x4d: {  	_ =	shalt  }
0x4e: {  	_ =	shalt  }
0x4f: {  	_ =	shalt  }
0x50: {  	_ =	shalt  }
0x51: {  	_ =	shalt  }
0x52: {  	_ =	shalt  }
0x53: {  	_ =	shalt  }
0x54: {  	_ =	shalt  }
0x55: {  	_ =	shalt  }
0x56: {  	_ =	shalt  }
0x57: {  	_ =	shalt  }
0x58: {  	_ =	shalt  }
0x59: {  	_ =	shalt  }
0x5a: {  	_ =	shalt  }
0x5b: {  	_ =	shalt  }
0x5c: {  	_ =	shalt  }
0x5d: {  	_ =	shalt  }
0x5e: {  	_ =	shalt  }
0x5f: {  	_ =	shalt  }
0x60: {  	_ =	shalt  }
0x61: {  	_ =	shalt  }
0x62: {  	_ =	shalt  }
0x63: {  	_ =	shalt  }
0x64: {  	_ =	shalt  }
0x65: {  	_ =	shalt  }
0x66: {  	_ =	shalt  }
0x67: {  	_ =	shalt  }
0x68: {  	_ =	shalt  }
0x69: {  	_ =	shalt  }
0x6a: {  	_ =	shalt  }
0x6b: {  	_ =	shalt  }
0x6c: {  	_ =	shalt  }
0x6d: {  	_ =	shalt  }
0x6e: {  	_ =	shalt  }
0x6f: {  	_ =	shalt  }
0x70: {  	_ =	shalt  }
0x71: {  	_ =	shalt  }
0x72: {  	_ =	shalt  }
0x73: {  	_ =	shalt  }
0x74: {  	_ =	shalt  }
0x75: {  	_ =	shalt  }
0x76: {  	_ =	shalt  }
0x77: {  	_ =	shalt  }
0x78: {  	_ =	shalt  }
0x79: {  	_ =	shalt  }
0x7a: {  	_ =	shalt  }
0x7b: {  	_ =	shalt  }
0x7c: {  	_ =	shalt  }
0x7d: {  	_ =	shalt  }
0x7e: {  	_ =	shalt  }
0x7f: {  	_ =	shalt  }
0x80: {  	_ =	shalt  }
0x81: {  	_ =	shalt  }
0x82: {  	_ =	shalt  }
0x83: {  	_ =	shalt  }
0x84: {  	_ =	shalt  }
0x85: {  	_ =	shalt  }
0x86: {  	_ =	shalt  }
0x87: {  	_ =	shalt  }
.Lfunc_end0:
.L_simem_size_0:
called_computation_lowered:
.L_overlay_start_0:
0x88: {  	s2 =	sld [smem:$0x3FD9]  }
0x89: {  	s3 =	sld [smem:$0x3FFE];
	_ =	sdelay $0x1  }
0x8a: {  	s1 =	srdreg.scid  }
0x8b: {  	s0 =	sand.u32 $0x1, s1  }
0x8c: {  	s17 =	sshll.u32 s0, $0xA;
	s2 =	sadd.s32 s3, s2  }
0x8d: {  	s2 =	sadd.s32 s2, s17  }
0x8e: {  	[smem:$0x3FC3] =	sst s2  }
0x8f: {  	_ = 	snop  }
0x90: {  	s2 =	sld [smem:$0x3FD0];
	(tm) =	ssettm $0x1  }
0x91: {  	s18 =	sld [smem:$0x3FFB];
	_ =	sdelay $0x3  }
0x92: {  	_ =	strace s18  }
0x93: {  	s3 =	sld [smem:$0x3FFC];
	_ =	sdelay $0x3  }
0x94: {  	_ =	strace s3  }
0x95: {  	s3 =	sld [smem:$0x3FFD];
	_ =	sdelay $0x3  }
0x96: {  	_ =	strace s3  }
0x97: {  	_ =	strace $0x8FFFFFFF  }
0x98: {  	s19 =	sld [smem:$0x3FDB];
	_ =	sdelay $0x1  }
0x99: {  	s4 =	simm.s32 $_scs_section_size  }
0x9a: {  	s5 =	simm.s32 $_size__tile_overlayer_lowered;
	s6 =	simm.s32 $_tile_overlayer_lowered  }
0x9b: {  	s22 =	simm.s32 $0x1BFF;
	s21 =	sshll.u32 s6, $0x1;
	s3 =	sadd.s32 s4, s19  }
0x9c: {  	s7 =	simm.s32 $0x0;
	s20 =	sshll.u32 s5, $0x1;
	s5 =	sadd.s32 s21, s3  }
0x9d: {  	[timem:s7], [sflag:s22] =	dma.local [hbm:s5], s20  }
0x9e: {  	_ =	swait.ge [sflag:s22], s20  }
0x9f: {  	s4 =	ssub.s32 $0x0, s20;
	[sflag:s22] =	ssyncset.done $0x0  }
0xa0: {  	[sflag:s22] =	ssyncadd.s32 s4;
	_ =	sdelay $0x1  }
0xa1: {  	s23 =	simm.s32 $0x1B8B  }
0xa2: {  	_ =	swait.ge [sflag:s23], $0x1  }
0xa3: {  	[sflag:s23] =	ssyncset.done $0x0  }
0xa4: {  	s25 =	simm.s32 $0x1B8E;
	s24 =	sld [smem:$0x3FFE];
	[sflag:s23] =	ssyncadd.s32 $0xFFFFFFFF  }
0xa5: {  	s26 =	simm.s32 $execute0_lowered;
	[smem:$0x3FD2] =	sst s25  }
0xa6: {  	s5 =	sshll.u32 s26, $0x1;
	_ =	strace $0x80000046;
	[dreg:$0x1] =	wrdreg $0xFFFFFFFF  }
0xa7: {  	s28 =	simm.s32 $_size_execute0_lowered;
	s3 =	sadd.s32 s3, s5;
	[dreg:$0x0] =	wrdreg $0x0  }
0xa8: {  	s5 =	sshll.u32 s28, $0x1;
	[dreg:$0x2] =	wrdreg s3  }
0xa9: {  	[dreg:$0x3] =	wrdreg s5  }
0xaa: {  	[dreg:$0x4] =	wrdreg $0xC0  }
0xab: {  	_ =	task [dreg:s7], $0x5FFFF  }
0xac: {  	[dreg:$0x1] =	wrdreg $0xFFFFFFFF  }
0xad: {  	[dreg:$0x0] =	wrdreg $0x60  }
0xae: {  	[dreg:$0x2] =	wrdreg s24  }
0xaf: {  	[dreg:$0x3] =	wrdreg s2  }
0xb0: {  	[dreg:$0x4] =	wrdreg $0x9  }
0xb1: {  	_ =	task.clear_ibuf [dreg:s7], $0x5FFFF;
	_ =	strace $0x90000046  }
0xb2: {  	s29 =	simm.s32 $0x9;
	_ =	strace $0x80000048  }
0xb3: {  	_ =	swait.ge [sflag:s29], $0x1  }
0xb4: {  	[sflag:s29] =	ssyncadd.s32 $0xFFFFFFFF  }
0xb5: {  	_ =	strace $0x90000048  }
0xb6: {  	_ =	sfence  }
0xb7: {  	s30 =	sld [smem:$0x0];
	_ =	sdelay $0x2  }
0xb8: {  	s31 =	sshll.u32 s1, $0xD;
	s1 =	sshrl.u32 s1, $0x2  }
0xb9: {  	s3 =	sand.u32 $0x4000, s31;
	s1 =	sadd.s32 s1, s30  }
0xba: {  	s0 =	sor.u32 s3, s0;
	s1 =	sshll.u32 s1, $0x11  }
0xbb: {  	s0 =	sor.u32 s1, s0  }
0xbc: {  	s0 =	sadd.s32 $0x8F2B, s0  }
0xbd: {  	[sflag:s0] =	ssyncadd.remote.s32 $0x1  }
0xbe: {  	_ =	sfence.sel $0xFFFF  }
0xbf: {  	[dreg:$0x0] =	wrdreg $0xFFFFFFFF;
	(pc) =	sbr.abs _section_cstart, $3  }
0xc0: {  	[dreg:$0x1] =	wrdreg $0xFFFFFFFF  }
0xc1: {  	_ =	task.clear_ibuf [dreg:s7], $0x2FFFF;
	_ =	strace $0x9FFFFFFF  }
0xc2: {  	(tm) =	ssettm $0x7FFFFFFF  }
0xc3: {  	_ =	shalt  }
tec
execute0_lowered:
.L_overlay_start_1:
0x0: {  	(tag) =	ssettag $0x1  }
0x1: {  	s0 =	rddreg [dreg:$0x0];
	s1 =	srdreg.scid  }
0x2: {  	s3 =	stileid.u32;
	s2 =	rddreg [dreg:$0x1]  }
0x3: {  	s4 =	simm.s32 $0x0;
	s9 =	simm.s32 $0x5;
	s11 =	simm.s32 $0x80  }
0x4: {  	s12 =	simm.s32 $0x8200;
	s13 =	simm.s32 $0x9200;
	s15 =	simm.s32 $0xA200  }
0x5: {  	s17 =	simm.s32 $0xB200;
	s19 =	simm.s32 $0xC200;
	s21 =	simm.s32 $0xD200  }
0x6: {  	s23 =	simm.s32 $0xE200;
	s28 =	simm.s32 $0x10200;
	s30 =	simm.s32 $0x11200  }
0x7: {  	s31 =	simm.s32 $0x1;
	s10 =	simm.s32 $0x12200;
	s14 =	simm.s32 $0x2  }
0x8: {  	s16 =	simm.s32 $0x4;
	s18 =	simm.s32 $0x13220;
	s20 =	simm.s32 $0x12A00  }
0x9: {  	s22 =	simm.s32 $0x3;
	s1 =	sand.u32 $0x1, s1;
	s3 =	sshll.u32 s3, $0x1  }
0xa: {  	s24 =	simm.s32 $0x0;
	[smem:$0x7FF] =	sst s4;
	s3 =	sor.u32 s1, s3  }
0xb: {  	s4 =	sadd.s32 $0x20000, s0;
	s1 =	ssub.s32 $0x2, s1;
	s25 =	smul.u32 $0xFA0, s3  }
.Ltmp0:
0xc: {  	_ =	strace $0x80000047;
	s6 =	sshrl.u32 s1, $0x1;
	(pc) =	sbr.rel .LBB2_1-.Ltmp0, $4  }
0xd: {  	s7 =	smul.u32 $0x640, s3;
	s5 =	sadd.s32 s25, s0;
	s0 =	sadd.s32 $0x81C00, s0  }
0xe: {  	s26 =	ssub.s32 s1, s6;
	[dreg:$0x3] =	wrdreg s0;
	s29 =	sadd.s32 $0xC00, s5  }
0xf: {  	s1 =	simm.s32 $0x20;
	s0 =	smax.u32 s26, $0x1;
	[dreg:$0x4] =	wrdreg s29  }
0x10: {  	v0 =	vlaneseq.u32;
	v1 =	vimm.s32 $0x0;
	s25 =	simm.s32 $0xF200;
	[dreg:$0x5] =	wrdreg s0;
	s0 =	simm.s32 $0x13200  }
.LBB2_16:
0x11: {  	_ =	swait.ge [sflag:s22], $0x800  }
0x12: {  	[sflag:s22] =	ssyncset.done $0x0  }
0x13: {  	[sflag:s22] =	ssyncadd.s32 $0xFFFFF800  }
0x14: {  	_ =	swait.ge [sflag:s16], $0x800  }
0x15: {  	s24 =	sadd.s32 $0x1, s24;
	s3 =	rddreg [dreg:$0x5]  }
0x16: {  	p0 =	sne.s32 s24, s3  }
.Ltmp1:
0x17: {  	_ = 	snop;
	(pc) =	sbr.rel @!p0 .LBB2_17-.Ltmp1, $3  }
0x18: {  	_ =	sdelay $0x1  }
0x19: {  	[sflag:s16] =	ssyncset.done $0x0  }
0x1a: {  	[sflag:s16] =	ssyncadd.s32 $0xFFFFF800  }
.LBB2_1:
0x1b: {  	s3 =	simm.s32 $0x0;
	s5 =	rddreg [dreg:$0x4]  }
0x1c: {  	[tilespmem:s3], [sflag:$0x5] =	stream.linear.gather [hbm4b:s5+s3], $0x7D00, $0x38;
	[tilespmem:$0x13240] =	vst v63  }
0x1d: {  	_ =	swait.ge [sflag:s9], $0x7D00  }
0x1e: {  	[sflag:s9] =	ssyncset.done $0x0  }
0x1f: {  	s6 =	simm.s32 $0x7D00;
	s29 =	rddreg [dreg:$0x3];
	[sflag:s9] =	ssyncadd.s32 $0xFFFF8300  }
0x20: {  	[tilespmem:s6], [sflag:$0x5] =	stream.linear.gather [hbm4b:s29+s3], $0x500, $0x38;
	[tilespmem:$0x13240] =	vst v63  }
0x21: {  	_ =	swait.ge [sflag:s9], $0x500  }
0x22: {  	[sflag:s9] =	ssyncset.done $0x0  }
0x23: {  	[sflag:s9] =	ssyncadd.s32 $0xFFFFFB00  }
0x24: {  	[tilespmem:s12], [sflag:$0x1] =	stream.indirect.gather [hbm4b:s4+s11], $0x20, s3, s11, $0xb8;
	[tilespmem:$0x13240] =	vst v63  }
0x25: {  	_ = 	snop  }
0x26: {  	[tilespmem:s13], [sflag:$0x1] =	stream.indirect.gather [hbm4b:s4+s11], $0x20, s11, s11, $0xb8;
	[tilespmem:$0x13240] =	vst v63  }
0x27: {  	s8 =	simm.s32 $0x100  }
0x28: {  	[tilespmem:s15], [sflag:$0x1] =	stream.indirect.gather [hbm4b:s4+s11], $0x20, s8, s11, $0xb8;
	[tilespmem:$0x13240] =	vst v63  }
0x29: {  	s26 =	simm.s32 $0x180  }
0x2a: {  	[tilespmem:s17], [sflag:$0x1] =	stream.indirect.gather [hbm4b:s4+s11], $0x20, s26, s11, $0xb8;
	[tilespmem:$0x13240] =	vst v63  }
0x2b: {  	s29 =	simm.s32 $0x200  }
0x2c: {  	[tilespmem:s19], [sflag:$0x1] =	stream.indirect.gather [hbm4b:s4+s11], $0x20, s29, s11, $0xb8;
	[tilespmem:$0x13240] =	vst v63  }
0x2d: {  	s5 =	simm.s32 $0x280  }
0x2e: {  	[tilespmem:s21], [sflag:$0x2] =	stream.indirect.gather [hbm4b:s4+s11], $0x20, s5, s11, $0xb8;
	[tilespmem:$0x13240] =	vst v63  }
0x2f: {  	s6 =	simm.s32 $0x300  }
0x30: {  	[tilespmem:s23], [sflag:$0x2] =	stream.indirect.gather [hbm4b:s4+s11], $0x20, s6, s11, $0xb8;
	[tilespmem:$0x13240] =	vst v63  }
0x31: {  	s8 =	simm.s32 $0x380  }
0x32: {  	[tilespmem:s25], [sflag:$0x2] =	stream.indirect.gather [hbm4b:s4+s11], $0x20, s8, s11, $0xb8;
	[tilespmem:$0x13240] =	vst v63  }
0x33: {  	s26 =	simm.s32 $0x400  }
0x34: {  	[tilespmem:s28], [sflag:$0x2] =	stream.indirect.gather [hbm4b:s4+s11], $0x20, s26, s11, $0xb8;
	[tilespmem:$0x13240] =	vst v63  }
0x35: {  	s29 =	simm.s32 $0x480;
	s26 =	simm.s32 $0x0  }
0x36: {  	[tilespmem:s30], [sflag:$0x2] =	stream.indirect.gather [hbm4b:s4+s11], $0x20, s29, s11, $0xb8;
	[tilespmem:$0x13240] =	vst v63  }
.LBB2_2:
0x37: {  	_ =	swait.ge [sflag:s31], $0x5000  }
0x38: {  	p0 =	seq.s32 s26, $0x0;
	[sflag:s31] =	ssyncset.done $0x0  }
0x39: {  	s3 =	simm.s32 @!p0 $0x3;
	[sflag:s31] =	ssyncadd.s32 $0xFFFFB000  }
0x3a: {  	_ =	swait.ge @!p0 [sflag:s3], $0x800  }
0x3b: {  	[sflag:s3] =	ssyncset.done @!p0 $0x0  }
0x3c: {  	[sflag:s3] =	ssyncadd.s32 @!p0 $0xFFFFF800  }
0x3d: {  	v2 =	vld [tilespmem:$0x7D00]  }
0x3e: {  	v3 =	vld [tilespmem:$0x7D40]  }
0x3f: {  	s29 =	sshll.u32 s26, $0x6;
	v4 =	vld [tilespmem:$0x7D80]  }
0x40: {  	s8 =	sadd.s32 s7, s29;
	v5 =	vld [tilespmem:$0x7DC0]  }
0x41: {  	v7 =	vmov s8;
	v6 =	vld [tilespmem:$0x7E00]  }
0x42: {  	v16 =	vbroadcast v7, $0x0;
	v7 =	vld [tilespmem:$0x7E40]  }
0x43: {  	s3 =	sor.u32 $0x10, s8;
	v8 =	vld [tilespmem:$0x7E80]  }
0x44: {  	v15 =	vor.u32 v0, v16;
	v10 =	vmov s3;
	v9 =	vld [tilespmem:$0x7EC0]  }
0x45: {  	v12 =	vmulhi.u32 $0x51EB851F, v15;
	v11 =	vld [tilespmem:$0x7F40];
	v13 =	vbroadcast v10, $0x0  }
0x46: {  	v14 =	vld [tilespmem:$0x8000]  }
0x47: {  	vm1 =	veq.s32 v16, v0;
	v16 =	vld [tilespmem:$0x8080];
	v18 =	vshrl.u32 v12, $0x4;
	v19 =	vor.u32 v0, v13  }
0x48: {  	v24 =	vld [tilespmem:$0x7DD0];
	v17 =	vmul.u32 $0xFFFFFFCE, v18;
	v20 =	vmulhi.u32 $0x51EB851F, v19  }
0x49: {  	v10 =	vld [tilespmem:$0x7F00]  }
0x4a: {  	v12 =	vld [tilespmem:$0x7F80];
	v17 =	vadd.s32 v15, v17;
	v20 =	vshrl.u32 v20, $0x4  }
0x4b: {  	v13 =	vld [tilespmem:$0x7FC0];
	vm0 =	vne.s32 v17, $0x0;
	v21 =	vmul.u32 $0xFFFFFFCE, v20  }
0x4c: {  	v15 =	vld [tilespmem:$0x8040];
	v22 =	vshll.u32 v17, $0xA;
	vm0 =	vmand vm1, vm0  }
0x4d: {  	v17 =	vld [tilespmem:$0x80C0];
	v22 =	vadd.s32 v18, v22;
	v23 =	vsel vm0, $0xFFFFFFFF, v1;
	v19 =	vadd.s32 v19, v21  }
0x4e: {  	v18 =	vld [tilespmem:$0x8100];
	v21 =	vadd.s32 v23, v22;
	v22 =	vshll.u32 v19, $0xA  }
0x4f: {  	v23 =	vld [tilespmem:$0x7D90];
	[tilespmem:$0x13200] =	vst v21;
	v21 =	vadd.s32 v20, v22  }
0x50: {  	s5 =	simm.s32 $0x8340;
	v22 =	vld [tilespmem:$0x7D50];
	[tilespmem:$0x13210] =	vst v21  }
0x51: {  	v25 =	vld [tilespmem:s5+$0xFFFFFEC0]  }
0x52: {  	v26 =	vld [tilespmem:s5+$0xFFFFFEE0]  }
0x53: {  	v21 =	vld [tilespmem:$0x7D10]  }
0x54: {  	v27 =	vld [tilespmem:s5+$0xFFFFFF00]  }
0x55: {  	v19 =	vld [tilespmem:$0x8140]  }
0x56: {  	v28 =	vld [tilespmem:s5+$0xFFFFFF20]  }
0x57: {  	v20 =	vld [tilespmem:$0x8180];
	v29 =	vunpack.i.u.bf16.f32 v25;
	v25 =	vunpack.i.l.bf16.f32 v25;
	v30 =	vunpack.i.l.bf16.f32 v26  }
0x58: {  	v32 =	vld [tilespmem:s5+$0xFFFFFF40];
	v26 =	vunpack.i.u.bf16.f32 v26;
	v31 =	vmul.f32 v25, v2;
	v30 =	vmul.f32 v30, v3  }
0x59: {  	v34 =	vld [tilespmem:s5+$0xFFFFFF60];
	v33 =	vmul.f32 v26, v22;
	v29 =	vmul.f32 v29, v21;
	v26 =	vunpack.i.l.bf16.f32 v27  }
0x5a: {  	v25 =	vld [tilespmem:$0x7E10];
	v27 =	vunpack.i.u.bf16.f32 v27;
	v30 =	vadd.f32 v30, v31;
	v31 =	vmul.f32 v26, v4  }
0x5b: {  	v35 =	vld [tilespmem:s5+$0xFFFFFF80];
	v40 =	vmul.f32 v27, v23;
	v27 =	vunpack.i.l.bf16.f32 v28;
	v29 =	vadd.f32 v33, v29  }
0x5c: {  	v28 =	vunpack.i.u.bf16.f32 v28;
	v26 =	vld [tilespmem:$0x7E50];
	v30 =	vadd.f32 v31, v30;
	v31 =	vmul.f32 v27, v5  }
0x5d: {  	v36 =	vld [tilespmem:s5+$0xFFFFFFA0];
	v41 =	vmul.f32 v28, v24;
	v28 =	vunpack.i.l.bf16.f32 v32;
	v29 =	vadd.f32 v40, v29  }
0x5e: {  	v42 =	vmul.f32 v28, v6;
	v27 =	vld [tilespmem:$0x7E90];
	v30 =	vadd.f32 v31, v30;
	v31 =	vunpack.i.u.bf16.f32 v32  }
0x5f: {  	v37 =	vld [tilespmem:s5+$0xFFFFFFC0];
	v33 =	vadd.f32 v41, v29;
	v29 =	vunpack.i.l.bf16.f32 v34;
	v31 =	vmul.f32 v31, v25  }
0x60: {  	v43 =	vunpack.i.u.bf16.f32 v34;
	v28 =	vld [tilespmem:$0x7ED0];
	v44 =	vmul.f32 v29, v7;
	v30 =	vadd.f32 v42, v30  }
0x61: {  	v38 =	vld [tilespmem:s5+$0xFFFFFFE0];
	v45 =	vunpack.i.l.bf16.f32 v35;
	v32 =	vmul.f32 v43, v26;
	v31 =	vadd.f32 v31, v33  }
0x62: {  	v35 =	vunpack.i.u.bf16.f32 v35;
	v29 =	vld [tilespmem:$0x7F10];
	v33 =	vmul.f32 v45, v8;
	v34 =	vadd.f32 v44, v30  }
0x63: {  	v39 =	vld [tilespmem:s5+$0x0];
	v46 =	vunpack.i.u.bf16.f32 v36;
	v35 =	vmul.f32 v35, v27;
	v32 =	vadd.f32 v32, v31  }
0x64: {  	v48 =	vunpack.i.l.bf16.f32 v37;
	v30 =	vld [tilespmem:$0x7F50];
	v31 =	vunpack.i.l.bf16.f32 v36;
	v33 =	vadd.f32 v33, v34  }
0x65: {  	v40 =	vld [tilespmem:s5+$0x20];
	v47 =	vmul.f32 v31, v9;
	v34 =	vmul.f32 v46, v28;
	v35 =	vadd.f32 v35, v32  }
0x66: {  	v49 =	vunpack.i.u.bf16.f32 v37;
	v52 =	vunpack.i.l.bf16.f32 v38;
	v50 =	vmul.f32 v48, v10;
	v31 =	vld [tilespmem:$0x7F90]  }
0x67: {  	v41 =	vld [tilespmem:s5+$0x40];
	v51 =	vmul.f32 v49, v29;
	v33 =	vadd.f32 v47, v33;
	v34 =	vadd.f32 v34, v35  }
0x68: {  	v38 =	vunpack.i.u.bf16.f32 v38;
	v53 =	vunpack.i.l.bf16.f32 v39;
	v36 =	vmul.f32 v52, v11;
	v32 =	vld [tilespmem:$0x7FD0]  }
0x69: {  	v42 =	vld [tilespmem:s5+$0x60];
	v38 =	vmul.f32 v38, v30;
	v37 =	vadd.f32 v50, v33;
	v35 =	vadd.f32 v51, v34  }
0x6a: {  	v54 =	vunpack.i.u.bf16.f32 v39;
	v55 =	vmul.f32 v53, v12;
	v56 =	vunpack.i.l.bf16.f32 v40;
	v33 =	vld [tilespmem:$0x8010]  }
0x6b: {  	v43 =	vld [tilespmem:s5+$0x80];
	v36 =	vadd.f32 v36, v37;
	v37 =	vmul.f32 v54, v31;
	v38 =	vadd.f32 v38, v35  }
0x6c: {  	v57 =	vunpack.i.u.bf16.f32 v40;
	v58 =	vmul.f32 v56, v13;
	v60 =	vunpack.i.l.bf16.f32 v41;
	v34 =	vld [tilespmem:$0x8050]  }
0x6d: {  	v44 =	vld [tilespmem:s5+$0xA0];
	v59 =	vmul.f32 v57, v32;
	v36 =	vadd.f32 v55, v36;
	v37 =	vadd.f32 v37, v38  }
0x6e: {  	v41 =	vunpack.i.u.bf16.f32 v41;
	v39 =	vmul.f32 v60, v14;
	v61 =	vunpack.i.l.bf16.f32 v42;
	v35 =	vld [tilespmem:$0x8090]  }
0x6f: {  	v45 =	vld [tilespmem:s5+$0xC0];
	v41 =	vmul.f32 v41, v33;
	v40 =	vadd.f32 v58, v36;
	v38 =	vadd.f32 v59, v37  }
0x70: {  	v48 =	vunpack.i.l.bf16.f32 v43;
	v62 =	vunpack.i.u.bf16.f32 v42;
	v63 =	vmul.f32 v61, v15;
	v36 =	vld [tilespmem:$0x80D0]  }
0x71: {  	v46 =	vld [tilespmem:s5+$0xE0];
	v39 =	vadd.f32 v39, v40;
	v40 =	vmul.f32 v62, v34;
	v41 =	vadd.f32 v41, v38  }
0x72: {  	v49 =	vunpack.i.u.bf16.f32 v43;
	v52 =	vunpack.i.l.bf16.f32 v44;
	v50 =	vmul.f32 v48, v16;
	v37 =	vld [tilespmem:$0x8110]  }
0x73: {  	v47 =	vld [tilespmem:s5+$0x100];
	v51 =	vmul.f32 v49, v35;
	v39 =	vadd.f32 v63, v39;
	v40 =	vadd.f32 v40, v41  }
0x74: {  	v44 =	vunpack.i.u.bf16.f32 v44;
	v42 =	vmul.f32 v52, v17;
	v48 =	vunpack.i.l.bf16.f32 v45;
	v38 =	vld [tilespmem:$0x8150]  }
0x75: {  	v55 =	vld [tilespmem:s5+$0x120];
	v44 =	vmul.f32 v44, v36;
	v43 =	vadd.f32 v50, v39;
	v41 =	vadd.f32 v51, v40  }
0x76: {  	v53 =	vunpack.i.u.bf16.f32 v45;
	v54 =	vmul.f32 v48, v18;
	v49 =	vunpack.i.l.bf16.f32 v46;
	v40 =	vld [tilespmem:$0x8190]  }
0x77: {  	v39 =	vld [tilespmem:$0x81C0];
	v42 =	vadd.f32 v42, v43;
	v43 =	vmul.f32 v53, v37;
	v44 =	vadd.f32 v44, v41  }
0x78: {  	v56 =	vunpack.i.u.bf16.f32 v46;
	v59 =	vunpack.i.l.bf16.f32 v47;
	v57 =	vmul.f32 v49, v19;
	v41 =	vld [tilespmem:$0x81D0]  }
0x79: {  	v58 =	vmul.f32 v56, v38;
	v42 =	vadd.f32 v54, v42;
	v43 =	vadd.f32 v43, v44  }
0x7a: {  	v60 =	vunpack.i.u.bf16.f32 v47;
	v45 =	vmul.f32 v59, v20;
	v62 =	vunpack.i.l.bf16.f32 v55  }
0x7b: {  	v42 =	vadd.f32 v57, v42;
	v61 =	vmul.f32 v60, v40;
	v43 =	vadd.f32 v58, v43  }
0x7c: {  	v63 =	vunpack.i.u.bf16.f32 v55;
	v46 =	vmul.f32 v62, v39  }
0x7d: {  	v42 =	vadd.f32 v45, v42;
	v45 =	vmul.f32 v63, v41;
	v44 =	vadd.f32 v61, v43;
	_ =	sdelay $0x1  }
0x7e: {  	s6 =	simm.s32 $0x100;
	s3 =	simm.s32 $0x0;
	v43 =	vadd.f32 v46, v42;
	v42 =	vadd.f32 v45, v44  }
.LBB2_3:
0x7f: {  	p1 =	sne.s32 s6, $0x1F00  }
0x80: {  	[tilespmem:s3+$0x12200] =	vst v43;
	s5 =	sadd.s32 $0x280, s5;
	s8 =	smov.u32 s6;
	s6 =	sadd.s32 $0x100, s6  }
0x81: {  	[tilespmem:s3+$0x12210] =	vst v42  }
0x82: {  	v42 =	vld [tilespmem:s5+$0xFFFFFEC0]  }
0x83: {  	v43 =	vld [tilespmem:s5+$0xFFFFFEE0];
	_ =	sdelay $0x1  }
0x84: {  	v44 =	vld [tilespmem:s5+$0xFFFFFF00];
	_ =	sdelay $0x1  }
0x85: {  	v45 =	vunpack.i.u.bf16.f32 v42;
	v42 =	vunpack.i.l.bf16.f32 v42;
	v46 =	vld [tilespmem:s5+$0xFFFFFF20]  }
0x86: {  	v42 =	vmul.f32 v42, v2;
	v47 =	vunpack.i.u.bf16.f32 v43;
	v43 =	vunpack.i.l.bf16.f32 v43  }
0x87: {  	v43 =	vmul.f32 v43, v3;
	v47 =	vmul.f32 v47, v22;
	v48 =	vld [tilespmem:s5+$0xFFFFFF40]  }
0x88: {  	v45 =	vmul.f32 v45, v21;
	v49 =	vunpack.i.u.bf16.f32 v44;
	v44 =	vunpack.i.l.bf16.f32 v44  }
0x89: {  	v42 =	vadd.f32 v43, v42;
	v43 =	vmul.f32 v44, v4;
	v44 =	vld [tilespmem:s5+$0xFFFFFF60]  }
0x8a: {  	v45 =	vadd.f32 v47, v45;
	v47 =	vmul.f32 v49, v23;
	v49 =	vunpack.i.l.bf16.f32 v46  }
0x8b: {  	v42 =	vadd.f32 v43, v42;
	v43 =	vunpack.i.u.bf16.f32 v46;
	v46 =	vmul.f32 v49, v5;
	v49 =	vld [tilespmem:s5+$0xFFFFFF80]  }
0x8c: {  	v45 =	vadd.f32 v47, v45;
	v43 =	vmul.f32 v43, v24;
	v47 =	vunpack.i.l.bf16.f32 v48  }
0x8d: {  	v42 =	vadd.f32 v46, v42;
	v46 =	vunpack.i.u.bf16.f32 v48;
	v47 =	vmul.f32 v47, v6;
	v48 =	vld [tilespmem:s5+$0xFFFFFFA0]  }
0x8e: {  	v43 =	vadd.f32 v43, v45;
	v45 =	vmul.f32 v46, v25;
	v46 =	vunpack.i.l.bf16.f32 v44  }
0x8f: {  	v44 =	vunpack.i.u.bf16.f32 v44;
	v42 =	vadd.f32 v47, v42;
	v46 =	vmul.f32 v46, v7;
	v47 =	vld [tilespmem:s5+$0xFFFFFFC0]  }
0x90: {  	v44 =	vmul.f32 v44, v26;
	v43 =	vadd.f32 v45, v43;
	v45 =	vunpack.i.l.bf16.f32 v49  }
0x91: {  	v42 =	vadd.f32 v46, v42;
	v46 =	vunpack.i.u.bf16.f32 v49;
	v45 =	vmul.f32 v45, v8;
	v49 =	vld [tilespmem:s5+$0xFFFFFFE0]  }
0x92: {  	v43 =	vadd.f32 v44, v43;
	v44 =	vmul.f32 v46, v27;
	v46 =	vunpack.i.l.bf16.f32 v48  }
0x93: {  	v42 =	vadd.f32 v45, v42;
	v45 =	vunpack.i.u.bf16.f32 v48;
	v46 =	vmul.f32 v46, v9;
	v48 =	vld [tilespmem:s5+$0x0]  }
0x94: {  	v43 =	vadd.f32 v44, v43;
	v44 =	vmul.f32 v45, v28;
	v45 =	vunpack.i.l.bf16.f32 v47  }
0x95: {  	v42 =	vadd.f32 v46, v42;
	v46 =	vunpack.i.u.bf16.f32 v47;
	v45 =	vmul.f32 v45, v10;
	v47 =	vld [tilespmem:s5+$0x20]  }
0x96: {  	v43 =	vadd.f32 v44, v43;
	v44 =	vmul.f32 v46, v29;
	v46 =	vunpack.i.l.bf16.f32 v49  }
0x97: {  	v42 =	vadd.f32 v45, v42;
	v45 =	vunpack.i.u.bf16.f32 v49;
	v46 =	vmul.f32 v46, v11;
	v49 =	vld [tilespmem:s5+$0x40]  }
0x98: {  	v43 =	vadd.f32 v44, v43;
	v44 =	vmul.f32 v45, v30;
	v45 =	vunpack.i.l.bf16.f32 v48  }
0x99: {  	v42 =	vadd.f32 v46, v42;
	v46 =	vunpack.i.u.bf16.f32 v48;
	v45 =	vmul.f32 v45, v12;
	v48 =	vld [tilespmem:s5+$0x60]  }
0x9a: {  	v43 =	vadd.f32 v44, v43;
	v44 =	vmul.f32 v46, v31;
	v46 =	vunpack.i.l.bf16.f32 v47  }
0x9b: {  	v42 =	vadd.f32 v45, v42;
	v45 =	vunpack.i.u.bf16.f32 v47;
	v46 =	vmul.f32 v46, v13;
	v47 =	vld [tilespmem:s5+$0x80]  }
0x9c: {  	v43 =	vadd.f32 v44, v43;
	v44 =	vmul.f32 v45, v32;
	v45 =	vunpack.i.l.bf16.f32 v49  }
0x9d: {  	v42 =	vadd.f32 v46, v42;
	v46 =	vunpack.i.u.bf16.f32 v49;
	v45 =	vmul.f32 v45, v14;
	v49 =	vld [tilespmem:s5+$0xA0]  }
0x9e: {  	v43 =	vadd.f32 v44, v43;
	v44 =	vmul.f32 v46, v33;
	v46 =	vunpack.i.l.bf16.f32 v48  }
0x9f: {  	v42 =	vadd.f32 v45, v42;
	v45 =	vunpack.i.u.bf16.f32 v48;
	v46 =	vmul.f32 v46, v15;
	v48 =	vld [tilespmem:s5+$0xC0]  }
0xa0: {  	v43 =	vadd.f32 v44, v43;
	v44 =	vmul.f32 v45, v34;
	v45 =	vunpack.i.l.bf16.f32 v47  }
0xa1: {  	v42 =	vadd.f32 v46, v42;
	v46 =	vunpack.i.u.bf16.f32 v47;
	v45 =	vmul.f32 v45, v16;
	v47 =	vld [tilespmem:s5+$0xE0]  }
0xa2: {  	v43 =	vadd.f32 v44, v43;
	v44 =	vmul.f32 v46, v35;
	v46 =	vunpack.i.l.bf16.f32 v49  }
0xa3: {  	v42 =	vadd.f32 v45, v42;
	v45 =	vunpack.i.u.bf16.f32 v49;
	v46 =	vmul.f32 v46, v17;
	v49 =	vld [tilespmem:s5+$0x100]  }
0xa4: {  	v43 =	vadd.f32 v44, v43;
	v44 =	vmul.f32 v45, v36;
	v45 =	vunpack.i.l.bf16.f32 v48  }
0xa5: {  	v42 =	vadd.f32 v46, v42;
	v46 =	vunpack.i.u.bf16.f32 v48;
	v45 =	vmul.f32 v45, v18;
	v48 =	vld [tilespmem:s5+$0x120]  }
0xa6: {  	v43 =	vadd.f32 v44, v43;
	v44 =	vmul.f32 v46, v37;
	v46 =	vunpack.i.l.bf16.f32 v47  }
0xa7: {  	v42 =	vadd.f32 v45, v42;
	v45 =	vunpack.i.u.bf16.f32 v47;
	v46 =	vmul.f32 v46, v19  }
0xa8: {  	v43 =	vadd.f32 v44, v43;
	v44 =	vmul.f32 v45, v38;
	v45 =	vunpack.i.l.bf16.f32 v49  }
0xa9: {  	v42 =	vadd.f32 v46, v42;
	v46 =	vunpack.i.u.bf16.f32 v49;
	v45 =	vmul.f32 v45, v20  }
.Ltmp2:
0xaa: {  	v43 =	vadd.f32 v44, v43;
	v44 =	vmul.f32 v46, v40;
	v46 =	vunpack.i.l.bf16.f32 v48;
	(pc) =	sbr.rel @p1 .LBB2_3-.Ltmp2, $4  }
0xab: {  	v42 =	vadd.f32 v45, v42;
	v45 =	vunpack.i.u.bf16.f32 v48;
	v46 =	vmul.f32 v46, v39  }
0xac: {  	v44 =	vadd.f32 v44, v43;
	v45 =	vmul.f32 v45, v41  }
0xad: {  	v43 =	vadd.f32 v46, v42  }
0xae: {  	s3 =	sshra.s32 s8, $0x2;
	v42 =	vadd.f32 v45, v44  }
0xaf: {  	[tilespmem:s3+$0x12200] =	vst v43  }
0xb0: {  	[tilespmem:s3+$0x12210] =	vst v42  }
0xb1: {  	v2 =	vld [tilespmem:$0x7D20]  }
0xb2: {  	v3 =	vld [tilespmem:$0x7D60]  }
0xb3: {  	v4 =	vld [tilespmem:$0x7DA0]  }
0xb4: {  	v5 =	vld [tilespmem:$0x7DE0]  }
0xb5: {  	v6 =	vld [tilespmem:$0x7E20]  }
0xb6: {  	v7 =	vld [tilespmem:$0x7E60]  }
0xb7: {  	v8 =	vld [tilespmem:$0x7EA0]  }
0xb8: {  	v9 =	vld [tilespmem:$0x7EE0]  }
0xb9: {  	v10 =	vld [tilespmem:$0x7F20]  }
0xba: {  	v11 =	vld [tilespmem:$0x7F60]  }
0xbb: {  	v12 =	vld [tilespmem:$0x7FA0]  }
0xbc: {  	v13 =	vld [tilespmem:$0x7FE0]  }
0xbd: {  	v14 =	vld [tilespmem:$0x8020]  }
0xbe: {  	v15 =	vld [tilespmem:$0x8060]  }
0xbf: {  	v16 =	vld [tilespmem:$0x80A0]  }
0xc0: {  	v17 =	vld [tilespmem:$0x80E0]  }
0xc1: {  	v18 =	vld [tilespmem:$0x8120]  }
0xc2: {  	v19 =	vld [tilespmem:$0x8160]  }
0xc3: {  	v20 =	vld [tilespmem:$0x81A0]  }
0xc4: {  	s5 =	simm.s32 $0x8350;
	v21 =	vld [tilespmem:$0x7D30]  }
0xc5: {  	v25 =	vld [tilespmem:s5+$0xFFFFFEC0]  }
0xc6: {  	v26 =	vld [tilespmem:s5+$0xFFFFFEE0]  }
0xc7: {  	v22 =	vld [tilespmem:$0x7D70]  }
0xc8: {  	v27 =	vld [tilespmem:s5+$0xFFFFFF00]  }
0xc9: {  	v23 =	vld [tilespmem:$0x7DB0]  }
0xca: {  	v28 =	vld [tilespmem:s5+$0xFFFFFF20]  }
0xcb: {  	v24 =	vld [tilespmem:$0x7DF0];
	v29 =	vunpack.i.u.bf16.f32 v25;
	v25 =	vunpack.i.l.bf16.f32 v25;
	v30 =	vunpack.i.l.bf16.f32 v26  }
0xcc: {  	v32 =	vld [tilespmem:s5+$0xFFFFFF40];
	v26 =	vunpack.i.u.bf16.f32 v26;
	v31 =	vmul.f32 v25, v2;
	v30 =	vmul.f32 v30, v3  }
0xcd: {  	v34 =	vld [tilespmem:s5+$0xFFFFFF60];
	v33 =	vmul.f32 v26, v22;
	v29 =	vmul.f32 v29, v21;
	v26 =	vunpack.i.l.bf16.f32 v27  }
0xce: {  	v25 =	vld [tilespmem:$0x7E30];
	v27 =	vunpack.i.u.bf16.f32 v27;
	v30 =	vadd.f32 v30, v31;
	v31 =	vmul.f32 v26, v4  }
0xcf: {  	v35 =	vld [tilespmem:s5+$0xFFFFFF80];
	v40 =	vmul.f32 v27, v23;
	v27 =	vunpack.i.l.bf16.f32 v28;
	v29 =	vadd.f32 v33, v29  }
0xd0: {  	v28 =	vunpack.i.u.bf16.f32 v28;
	v26 =	vld [tilespmem:$0x7E70];
	v30 =	vadd.f32 v31, v30;
	v31 =	vmul.f32 v27, v5  }
0xd1: {  	v36 =	vld [tilespmem:s5+$0xFFFFFFA0];
	v41 =	vmul.f32 v28, v24;
	v28 =	vunpack.i.l.bf16.f32 v32;
	v29 =	vadd.f32 v40, v29  }
0xd2: {  	v42 =	vmul.f32 v28, v6;
	v27 =	vld [tilespmem:$0x7EB0];
	v30 =	vadd.f32 v31, v30;
	v31 =	vunpack.i.u.bf16.f32 v32  }
0xd3: {  	v37 =	vld [tilespmem:s5+$0xFFFFFFC0];
	v33 =	vadd.f32 v41, v29;
	v29 =	vunpack.i.l.bf16.f32 v34;
	v31 =	vmul.f32 v31, v25  }
0xd4: {  	v43 =	vunpack.i.u.bf16.f32 v34;
	v28 =	vld [tilespmem:$0x7EF0];
	v44 =	vmul.f32 v29, v7;
	v30 =	vadd.f32 v42, v30  }
0xd5: {  	v38 =	vld [tilespmem:s5+$0xFFFFFFE0];
	v45 =	vunpack.i.l.bf16.f32 v35;
	v32 =	vmul.f32 v43, v26;
	v31 =	vadd.f32 v31, v33  }
0xd6: {  	v35 =	vunpack.i.u.bf16.f32 v35;
	v29 =	vld [tilespmem:$0x7F30];
	v33 =	vmul.f32 v45, v8;
	v34 =	vadd.f32 v44, v30  }
0xd7: {  	v39 =	vld [tilespmem:s5+$0x0];
	v46 =	vunpack.i.u.bf16.f32 v36;
	v35 =	vmul.f32 v35, v27;
	v32 =	vadd.f32 v32, v31  }
0xd8: {  	v48 =	vunpack.i.l.bf16.f32 v37;
	v30 =	vld [tilespmem:$0x7F70];
	v31 =	vunpack.i.l.bf16.f32 v36;
	v33 =	vadd.f32 v33, v34  }
0xd9: {  	v40 =	vld [tilespmem:s5+$0x20];
	v47 =	vmul.f32 v31, v9;
	v34 =	vmul.f32 v46, v28;
	v35 =	vadd.f32 v35, v32  }
0xda: {  	v49 =	vunpack.i.u.bf16.f32 v37;
	v52 =	vunpack.i.l.bf16.f32 v38;
	v50 =	vmul.f32 v48, v10;
	v31 =	vld [tilespmem:$0x7FB0]  }
0xdb: {  	v41 =	vld [tilespmem:s5+$0x40];
	v51 =	vmul.f32 v49, v29;
	v33 =	vadd.f32 v47, v33;
	v34 =	vadd.f32 v34, v35  }
0xdc: {  	v38 =	vunpack.i.u.bf16.f32 v38;
	v53 =	vunpack.i.l.bf16.f32 v39;
	v36 =	vmul.f32 v52, v11;
	v32 =	vld [tilespmem:$0x7FF0]  }
0xdd: {  	v42 =	vld [tilespmem:s5+$0x60];
	v38 =	vmul.f32 v38, v30;
	v37 =	vadd.f32 v50, v33;
	v35 =	vadd.f32 v51, v34  }
0xde: {  	v54 =	vunpack.i.u.bf16.f32 v39;
	v55 =	vmul.f32 v53, v12;
	v56 =	vunpack.i.l.bf16.f32 v40;
	v33 =	vld [tilespmem:$0x8030]  }
0xdf: {  	v43 =	vld [tilespmem:s5+$0x80];
	v36 =	vadd.f32 v36, v37;
	v37 =	vmul.f32 v54, v31;
	v38 =	vadd.f32 v38, v35  }
0xe0: {  	v57 =	vunpack.i.u.bf16.f32 v40;
	v58 =	vmul.f32 v56, v13;
	v60 =	vunpack.i.l.bf16.f32 v41;
	v34 =	vld [tilespmem:$0x8070]  }
0xe1: {  	v44 =	vld [tilespmem:s5+$0xA0];
	v59 =	vmul.f32 v57, v32;
	v36 =	vadd.f32 v55, v36;
	v37 =	vadd.f32 v37, v38  }
0xe2: {  	v41 =	vunpack.i.u.bf16.f32 v41;
	v39 =	vmul.f32 v60, v14;
	v61 =	vunpack.i.l.bf16.f32 v42;
	v35 =	vld [tilespmem:$0x80B0]  }
0xe3: {  	v45 =	vld [tilespmem:s5+$0xC0];
	v41 =	vmul.f32 v41, v33;
	v40 =	vadd.f32 v58, v36;
	v38 =	vadd.f32 v59, v37  }
0xe4: {  	v48 =	vunpack.i.l.bf16.f32 v43;
	v62 =	vunpack.i.u.bf16.f32 v42;
	v63 =	vmul.f32 v61, v15;
	v36 =	vld [tilespmem:$0x80F0]  }
0xe5: {  	v46 =	vld [tilespmem:s5+$0xE0];
	v39 =	vadd.f32 v39, v40;
	v40 =	vmul.f32 v62, v34;
	v41 =	vadd.f32 v41, v38  }
0xe6: {  	v49 =	vunpack.i.u.bf16.f32 v43;
	v52 =	vunpack.i.l.bf16.f32 v44;
	v50 =	vmul.f32 v48, v16;
	v37 =	vld [tilespmem:$0x8130]  }
0xe7: {  	v47 =	vld [tilespmem:s5+$0x100];
	v51 =	vmul.f32 v49, v35;
	v39 =	vadd.f32 v63, v39;
	v40 =	vadd.f32 v40, v41  }
0xe8: {  	v44 =	vunpack.i.u.bf16.f32 v44;
	v42 =	vmul.f32 v52, v17;
	v48 =	vunpack.i.l.bf16.f32 v45;
	v38 =	vld [tilespmem:$0x8170]  }
0xe9: {  	v55 =	vld [tilespmem:s5+$0x120];
	v44 =	vmul.f32 v44, v36;
	v43 =	vadd.f32 v50, v39;
	v41 =	vadd.f32 v51, v40  }
0xea: {  	v53 =	vunpack.i.u.bf16.f32 v45;
	v54 =	vmul.f32 v48, v18;
	v49 =	vunpack.i.l.bf16.f32 v46;
	v40 =	vld [tilespmem:$0x81B0]  }
0xeb: {  	v39 =	vld [tilespmem:$0x81E0];
	v42 =	vadd.f32 v42, v43;
	v43 =	vmul.f32 v53, v37;
	v44 =	vadd.f32 v44, v41  }
0xec: {  	v56 =	vunpack.i.u.bf16.f32 v46;
	v59 =	vunpack.i.l.bf16.f32 v47;
	v57 =	vmul.f32 v49, v19;
	v41 =	vld [tilespmem:$0x81F0]  }
0xed: {  	v58 =	vmul.f32 v56, v38;
	v42 =	vadd.f32 v54, v42;
	v43 =	vadd.f32 v43, v44  }
0xee: {  	v60 =	vunpack.i.u.bf16.f32 v47;
	v45 =	vmul.f32 v59, v20;
	v62 =	vunpack.i.l.bf16.f32 v55  }
0xef: {  	v42 =	vadd.f32 v57, v42;
	v61 =	vmul.f32 v60, v40;
	v43 =	vadd.f32 v58, v43  }
0xf0: {  	v63 =	vunpack.i.u.bf16.f32 v55;
	v46 =	vmul.f32 v62, v39  }
0xf1: {  	v42 =	vadd.f32 v45, v42;
	v45 =	vmul.f32 v63, v41;
	v44 =	vadd.f32 v61, v43;
	_ =	sdelay $0x1  }
0xf2: {  	s6 =	simm.s32 $0x100;
	s3 =	simm.s32 $0x0;
	v43 =	vadd.f32 v46, v42;
	v42 =	vadd.f32 v45, v44  }
.LBB2_5:
0xf3: {  	p1 =	sne.s32 s6, $0x1F00  }
0xf4: {  	[tilespmem:s3+$0x12220] =	vst v43;
	s5 =	sadd.s32 $0x280, s5;
	s8 =	smov.u32 s6;
	s6 =	sadd.s32 $0x100, s6  }
0xf5: {  	[tilespmem:s3+$0x12230] =	vst v42  }
0xf6: {  	v42 =	vld [tilespmem:s5+$0xFFFFFEC0]  }
0xf7: {  	v43 =	vld [tilespmem:s5+$0xFFFFFEE0];
	_ =	sdelay $0x1  }
0xf8: {  	v44 =	vld [tilespmem:s5+$0xFFFFFF00];
	_ =	sdelay $0x1  }
0xf9: {  	v45 =	vunpack.i.u.bf16.f32 v42;
	v42 =	vunpack.i.l.bf16.f32 v42;
	v46 =	vld [tilespmem:s5+$0xFFFFFF20]  }
0xfa: {  	v42 =	vmul.f32 v42, v2;
	v47 =	vunpack.i.u.bf16.f32 v43;
	v43 =	vunpack.i.l.bf16.f32 v43  }
0xfb: {  	v43 =	vmul.f32 v43, v3;
	v47 =	vmul.f32 v47, v22;
	v48 =	vld [tilespmem:s5+$0xFFFFFF40]  }
0xfc: {  	v45 =	vmul.f32 v45, v21;
	v49 =	vunpack.i.u.bf16.f32 v44;
	v44 =	vunpack.i.l.bf16.f32 v44  }
0xfd: {  	v42 =	vadd.f32 v43, v42;
	v43 =	vmul.f32 v44, v4;
	v44 =	vld [tilespmem:s5+$0xFFFFFF60]  }
0xfe: {  	v45 =	vadd.f32 v47, v45;
	v47 =	vmul.f32 v49, v23;
	v49 =	vunpack.i.l.bf16.f32 v46  }
0xff: {  	v42 =	vadd.f32 v43, v42;
	v43 =	vunpack.i.u.bf16.f32 v46;
	v46 =	vmul.f32 v49, v5;
	v49 =	vld [tilespmem:s5+$0xFFFFFF80]  }
0x100: {  	v45 =	vadd.f32 v47, v45;
	v43 =	vmul.f32 v43, v24;
	v47 =	vunpack.i.l.bf16.f32 v48  }
0x101: {  	v42 =	vadd.f32 v46, v42;
	v46 =	vunpack.i.u.bf16.f32 v48;
	v47 =	vmul.f32 v47, v6;
	v48 =	vld [tilespmem:s5+$0xFFFFFFA0]  }
0x102: {  	v43 =	vadd.f32 v43, v45;
	v45 =	vmul.f32 v46, v25;
	v46 =	vunpack.i.l.bf16.f32 v44  }
0x103: {  	v44 =	vunpack.i.u.bf16.f32 v44;
	v42 =	vadd.f32 v47, v42;
	v46 =	vmul.f32 v46, v7;
	v47 =	vld [tilespmem:s5+$0xFFFFFFC0]  }
0x104: {  	v44 =	vmul.f32 v44, v26;
	v43 =	vadd.f32 v45, v43;
	v45 =	vunpack.i.l.bf16.f32 v49  }
0x105: {  	v42 =	vadd.f32 v46, v42;
	v46 =	vunpack.i.u.bf16.f32 v49;
	v45 =	vmul.f32 v45, v8;
	v49 =	vld [tilespmem:s5+$0xFFFFFFE0]  }
0x106: {  	v43 =	vadd.f32 v44, v43;
	v44 =	vmul.f32 v46, v27;
	v46 =	vunpack.i.l.bf16.f32 v48  }
0x107: {  	v42 =	vadd.f32 v45, v42;
	v45 =	vunpack.i.u.bf16.f32 v48;
	v46 =	vmul.f32 v46, v9;
	v48 =	vld [tilespmem:s5+$0x0]  }
0x108: {  	v43 =	vadd.f32 v44, v43;
	v44 =	vmul.f32 v45, v28;
	v45 =	vunpack.i.l.bf16.f32 v47  }
0x109: {  	v42 =	vadd.f32 v46, v42;
	v46 =	vunpack.i.u.bf16.f32 v47;
	v45 =	vmul.f32 v45, v10;
	v47 =	vld [tilespmem:s5+$0x20]  }
0x10a: {  	v43 =	vadd.f32 v44, v43;
	v44 =	vmul.f32 v46, v29;
	v46 =	vunpack.i.l.bf16.f32 v49  }
0x10b: {  	v42 =	vadd.f32 v45, v42;
	v45 =	vunpack.i.u.bf16.f32 v49;
	v46 =	vmul.f32 v46, v11;
	v49 =	vld [tilespmem:s5+$0x40]  }
0x10c: {  	v43 =	vadd.f32 v44, v43;
	v44 =	vmul.f32 v45, v30;
	v45 =	vunpack.i.l.bf16.f32 v48  }
0x10d: {  	v42 =	vadd.f32 v46, v42;
	v46 =	vunpack.i.u.bf16.f32 v48;
	v45 =	vmul.f32 v45, v12;
	v48 =	vld [tilespmem:s5+$0x60]  }
0x10e: {  	v43 =	vadd.f32 v44, v43;
	v44 =	vmul.f32 v46, v31;
	v46 =	vunpack.i.l.bf16.f32 v47  }
0x10f: {  	v42 =	vadd.f32 v45, v42;
	v45 =	vunpack.i.u.bf16.f32 v47;
	v46 =	vmul.f32 v46, v13;
	v47 =	vld [tilespmem:s5+$0x80]  }
0x110: {  	v43 =	vadd.f32 v44, v43;
	v44 =	vmul.f32 v45, v32;
	v45 =	vunpack.i.l.bf16.f32 v49  }
0x111: {  	v42 =	vadd.f32 v46, v42;
	v46 =	vunpack.i.u.bf16.f32 v49;
	v45 =	vmul.f32 v45, v14;
	v49 =	vld [tilespmem:s5+$0xA0]  }
0x112: {  	v43 =	vadd.f32 v44, v43;
	v44 =	vmul.f32 v46, v33;
	v46 =	vunpack.i.l.bf16.f32 v48  }
0x113: {  	v42 =	vadd.f32 v45, v42;
	v45 =	vunpack.i.u.bf16.f32 v48;
	v46 =	vmul.f32 v46, v15;
	v48 =	vld [tilespmem:s5+$0xC0]  }
0x114: {  	v43 =	vadd.f32 v44, v43;
	v44 =	vmul.f32 v45, v34;
	v45 =	vunpack.i.l.bf16.f32 v47  }
0x115: {  	v42 =	vadd.f32 v46, v42;
	v46 =	vunpack.i.u.bf16.f32 v47;
	v45 =	vmul.f32 v45, v16;
	v47 =	vld [tilespmem:s5+$0xE0]  }
0x116: {  	v43 =	vadd.f32 v44, v43;
	v44 =	vmul.f32 v46, v35;
	v46 =	vunpack.i.l.bf16.f32 v49  }
0x117: {  	v42 =	vadd.f32 v45, v42;
	v45 =	vunpack.i.u.bf16.f32 v49;
	v46 =	vmul.f32 v46, v17;
	v49 =	vld [tilespmem:s5+$0x100]  }
0x118: {  	v43 =	vadd.f32 v44, v43;
	v44 =	vmul.f32 v45, v36;
	v45 =	vunpack.i.l.bf16.f32 v48  }
0x119: {  	v42 =	vadd.f32 v46, v42;
	v46 =	vunpack.i.u.bf16.f32 v48;
	v45 =	vmul.f32 v45, v18;
	v48 =	vld [tilespmem:s5+$0x120]  }
0x11a: {  	v43 =	vadd.f32 v44, v43;
	v44 =	vmul.f32 v46, v37;
	v46 =	vunpack.i.l.bf16.f32 v47  }
0x11b: {  	v42 =	vadd.f32 v45, v42;
	v45 =	vunpack.i.u.bf16.f32 v47;
	v46 =	vmul.f32 v46, v19  }
0x11c: {  	v43 =	vadd.f32 v44, v43;
	v44 =	vmul.f32 v45, v38;
	v45 =	vunpack.i.l.bf16.f32 v49  }
0x11d: {  	v42 =	vadd.f32 v46, v42;
	v46 =	vunpack.i.u.bf16.f32 v49;
	v45 =	vmul.f32 v45, v20  }
.Ltmp3:
0x11e: {  	v43 =	vadd.f32 v44, v43;
	v44 =	vmul.f32 v46, v40;
	v46 =	vunpack.i.l.bf16.f32 v48;
	(pc) =	sbr.rel @p1 .LBB2_5-.Ltmp3, $4  }
0x11f: {  	v42 =	vadd.f32 v45, v42;
	v45 =	vunpack.i.u.bf16.f32 v48;
	v46 =	vmul.f32 v46, v39  }
0x120: {  	v44 =	vadd.f32 v44, v43;
	v45 =	vmul.f32 v45, v41  }
0x121: {  	v43 =	vadd.f32 v46, v42  }
0x122: {  	s3 =	sshra.s32 s8, $0x2;
	v42 =	vadd.f32 v45, v44  }
0x123: {  	p1 =	sne.s32 s26, $0x18  }
.Ltmp4:
0x124: {  	_ = 	snop;
	(pc) =	sbr.rel @p1 .LBB2_8-.Ltmp4, $4  }
0x125: {  	_ = 	snop  }
0x126: {  	[tilespmem:s3+$0x12220] =	vst v43  }
0x127: {  	[tilespmem:s3+$0x12230] =	vst v42  }
0x128: {  	[hbm4b:s2+s1] =	stream.indirect.scatter [tilespmem:s10], [sflag:$0x3], $0x40, s0, s1, $0xb8;
	[tilespmem:$0x13240] =	vst v63  }
.Ltmp5:
0x129: {  	(pc) =	sbr.rel .LBB2_9-.Ltmp5, $4  }
0x12a: {  	_ = 	snop  }
0x12b: {  	_ =	swait.ge [sflag:s14], $0x5000  }
0x12c: {  	[sflag:s14] =	ssyncset.done $0x0  }
0x12d: {  	[sflag:s14] =	ssyncadd.s32 $0xFFFFB000  }
.LBB2_8:
0x12e: {  	s3 =	smul.u32 $0x1400, s26;
	_ =	sdelay $0x1  }
0x12f: {  	s3 =	sshra.s32 s3, $0x2  }
0x130: {  	s5 =	sadd.s32 $0x500, s3  }
0x131: {  	[tilespmem:s12], [sflag:$0x1] =	stream.indirect.gather [hbm4b:s4+s11], $0x20, s5, s11, $0xb8;
	[tilespmem:$0x13240] =	vst v63  }
0x132: {  	s8 =	sadd.s32 $0x580, s3  }
0x133: {  	[tilespmem:s13], [sflag:$0x1] =	stream.indirect.gather [hbm4b:s4+s11], $0x20, s8, s11, $0xb8;
	[tilespmem:$0x13240] =	vst v63  }
0x134: {  	s6 =	sadd.s32 $0x600, s3  }
0x135: {  	[tilespmem:s15], [sflag:$0x1] =	stream.indirect.gather [hbm4b:s4+s11], $0x20, s6, s11, $0xb8;
	[tilespmem:$0x13240] =	vst v63  }
0x136: {  	s8 =	sadd.s32 $0x680, s3  }
0x137: {  	[tilespmem:s17], [sflag:$0x1] =	stream.indirect.gather [hbm4b:s4+s11], $0x20, s8, s11, $0xb8;
	[tilespmem:$0x13240] =	vst v63  }
.Ltmp6:
0x138: {  	s3 =	sadd.s32 $0x700, s3;
	(pc) =	sbr.rel @p0 .LBB2_10-.Ltmp6, $4  }
0x139: {  	[tilespmem:s19], [sflag:$0x1] =	stream.indirect.gather [hbm4b:s4+s11], $0x20, s3, s11, $0xb8;
	[tilespmem:$0x13240] =	vst v63  }
0x13a: {  	_ =	swait.ge [sflag:s14], $0x5000  }
0x13b: {  	[sflag:s14] =	ssyncset.done $0x0  }
0x13c: {  	[sflag:s14] =	ssyncadd.s32 $0xFFFFB000  }
.LBB2_9:
0x13d: {  	_ =	swait.ge [sflag:s16], $0x800  }
0x13e: {  	[sflag:s16] =	ssyncset.done $0x0  }
0x13f: {  	[sflag:s16] =	ssyncadd.s32 $0xFFFFF800  }
.LBB2_10:
0x140: {  	v2 =	vld [tilespmem:$0x7D00]  }
0x141: {  	v3 =	vld [tilespmem:$0x7D40]  }
0x142: {  	v4 =	vld [tilespmem:$0x7D80]  }
0x143: {  	v5 =	vld [tilespmem:$0x7DC0]  }
0x144: {  	s3 =	sadd.s32 s29, s7;
	v6 =	vld [tilespmem:$0x7E00]  }
0x145: {  	v7 =	vld [tilespmem:$0x7E40];
	s5 =	sadd.s32 $0x20, s3  }
0x146: {  	v8 =	vld [tilespmem:$0x7E80];
	s3 =	sadd.s32 $0x30, s3;
	v9 =	vmov s5  }
0x147: {  	v13 =	vld [tilespmem:$0x7FC0];
	v10 =	vmov s3;
	v11 =	vbroadcast v9, $0x0  }
0x148: {  	v16 =	vld [tilespmem:$0x8080];
	v12 =	vbroadcast v10, $0x0  }
0x149: {  	v23 =	vld [tilespmem:$0x7D90];
	v17 =	vor.u32 v0, v11  }
0x14a: {  	v24 =	vld [tilespmem:$0x7DD0];
	v18 =	vor.u32 v0, v12;
	v14 =	vmulhi.u32 $0x51EB851F, v17  }
0x14b: {  	v9 =	vld [tilespmem:$0x7EC0];
	v15 =	vmulhi.u32 $0x51EB851F, v18  }
0x14c: {  	v10 =	vld [tilespmem:$0x7F00];
	v19 =	vshrl.u32 v14, $0x4  }
0x14d: {  	v11 =	vld [tilespmem:$0x7F40];
	v21 =	vshrl.u32 v15, $0x4;
	v20 =	vmul.u32 $0xFFFFFFCE, v19  }
0x14e: {  	v12 =	vld [tilespmem:$0x7F80];
	v22 =	vmul.u32 $0xFFFFFFCE, v21  }
0x14f: {  	v14 =	vld [tilespmem:$0x8000];
	v20 =	vadd.s32 v17, v20  }
0x150: {  	v15 =	vld [tilespmem:$0x8040];
	v22 =	vadd.s32 v18, v22;
	v20 =	vshll.u32 v20, $0xA  }
0x151: {  	v17 =	vld [tilespmem:$0x80C0];
	v22 =	vshll.u32 v22, $0xA;
	v20 =	vadd.s32 v19, v20  }
0x152: {  	v18 =	vld [tilespmem:$0x8100];
	v21 =	vadd.s32 v21, v22;
	[tilespmem:$0x13220] =	vst v20  }
0x153: {  	s8 =	simm.s32 $0x0;
	v22 =	vld [tilespmem:$0x7D50];
	[tilespmem:$0x13230] =	vst v21  }
0x154: {  	v25 =	vld [tilespmem:s8+$0xD200]  }
0x155: {  	v26 =	vld [tilespmem:s8+$0xD220]  }
0x156: {  	v21 =	vld [tilespmem:$0x7D10]  }
0x157: {  	v27 =	vld [tilespmem:s8+$0xD240]  }
0x158: {  	v19 =	vld [tilespmem:$0x8140]  }
0x159: {  	v28 =	vld [tilespmem:s8+$0xD260]  }
0x15a: {  	v20 =	vld [tilespmem:$0x8180];
	v29 =	vunpack.i.u.bf16.f32 v25;
	v30 =	vunpack.i.l.bf16.f32 v25;
	v25 =	vunpack.i.u.bf16.f32 v26  }
0x15b: {  	v31 =	vld [tilespmem:s8+$0xD280];
	v26 =	vunpack.i.l.bf16.f32 v26;
	v29 =	vmul.f32 v29, v21;
	v32 =	vmul.f32 v25, v22  }
0x15c: {  	v33 =	vunpack.i.u.bf16.f32 v27;
	v27 =	vunpack.i.l.bf16.f32 v27;
	v25 =	vld [tilespmem:$0x7E10];
	v30 =	vmul.f32 v30, v2  }
0x15d: {  	v35 =	vld [tilespmem:s8+$0xD2A0];
	v34 =	vmul.f32 v26, v3;
	v33 =	vmul.f32 v33, v23;
	v29 =	vadd.f32 v32, v29  }
0x15e: {  	v43 =	vunpack.i.u.bf16.f32 v28;
	v28 =	vunpack.i.l.bf16.f32 v28;
	v26 =	vld [tilespmem:$0x7E50];
	v44 =	vmul.f32 v27, v4  }
0x15f: {  	v36 =	vld [tilespmem:s8+$0xD2C0];
	v30 =	vadd.f32 v34, v30;
	v32 =	vmul.f32 v43, v24;
	v29 =	vadd.f32 v33, v29  }
0x160: {  	v45 =	vunpack.i.u.bf16.f32 v31;
	v31 =	vunpack.i.l.bf16.f32 v31;
	v27 =	vld [tilespmem:$0x7E90];
	v46 =	vmul.f32 v28, v5  }
0x161: {  	v37 =	vld [tilespmem:s8+$0xD2E0];
	v30 =	vadd.f32 v44, v30;
	v33 =	vmul.f32 v45, v25;
	v29 =	vadd.f32 v32, v29  }
0x162: {  	v47 =	vunpack.i.u.bf16.f32 v35;
	v48 =	vunpack.i.l.bf16.f32 v35;
	v28 =	vld [tilespmem:$0x7ED0];
	v31 =	vmul.f32 v31, v6  }
0x163: {  	v49 =	vld [tilespmem:s8+$0xD300];
	v30 =	vadd.f32 v46, v30;
	v32 =	vmul.f32 v47, v26;
	v33 =	vadd.f32 v33, v29  }
0x164: {  	v38 =	vunpack.i.u.bf16.f32 v36;
	v36 =	vunpack.i.l.bf16.f32 v36;
	v34 =	vmul.f32 v48, v7;
	v29 =	vld [tilespmem:$0x7F10]  }
0x165: {  	v39 =	vld [tilespmem:s8+$0xD320];
	v38 =	vmul.f32 v38, v27;
	v31 =	vadd.f32 v31, v30;
	v32 =	vadd.f32 v32, v33  }
0x166: {  	v50 =	vunpack.i.u.bf16.f32 v37;
	v37 =	vunpack.i.l.bf16.f32 v37;
	v36 =	vmul.f32 v36, v8;
	v30 =	vld [tilespmem:$0x7F50]  }
0x167: {  	v40 =	vld [tilespmem:s8+$0xD340];
	v34 =	vadd.f32 v34, v31;
	v33 =	vmul.f32 v50, v28;
	v32 =	vadd.f32 v38, v32  }
0x168: {  	v51 =	vunpack.i.u.bf16.f32 v49;
	v35 =	vunpack.i.l.bf16.f32 v49;
	v52 =	vmul.f32 v37, v9;
	v31 =	vld [tilespmem:$0x7F90]  }
0x169: {  	v54 =	vld [tilespmem:s8+$0xD360];
	v34 =	vadd.f32 v36, v34;
	v53 =	vmul.f32 v51, v29;
	v33 =	vadd.f32 v33, v32  }
0x16a: {  	v41 =	vunpack.i.u.bf16.f32 v39;
	v55 =	vunpack.i.l.bf16.f32 v39;
	v35 =	vmul.f32 v35, v10;
	v32 =	vld [tilespmem:$0x7FD0]  }
0x16b: {  	v57 =	vld [tilespmem:s8+$0xD380];
	v56 =	vmul.f32 v41, v30;
	v34 =	vadd.f32 v52, v34;
	v37 =	vadd.f32 v53, v33  }
0x16c: {  	v42 =	vunpack.i.u.bf16.f32 v40;
	v40 =	vunpack.i.l.bf16.f32 v40;
	v36 =	vmul.f32 v55, v11;
	v33 =	vld [tilespmem:$0x8010]  }
0x16d: {  	v43 =	vld [tilespmem:s8+$0xD3A0];
	v42 =	vmul.f32 v42, v31;
	v35 =	vadd.f32 v35, v34;
	v37 =	vadd.f32 v56, v37  }
0x16e: {  	v58 =	vunpack.i.u.bf16.f32 v54;
	v40 =	vmul.f32 v40, v12;
	v38 =	vunpack.i.l.bf16.f32 v54;
	v34 =	vld [tilespmem:$0x8050]  }
0x16f: {  	v44 =	vld [tilespmem:s8+$0xD3C0];
	v36 =	vadd.f32 v36, v35;
	v39 =	vmul.f32 v58, v32;
	v37 =	vadd.f32 v42, v37  }
0x170: {  	v59 =	vunpack.i.u.bf16.f32 v57;
	v38 =	vmul.f32 v38, v13;
	v41 =	vunpack.i.l.bf16.f32 v57;
	v35 =	vld [tilespmem:$0x8090]  }
0x171: {  	v45 =	vld [tilespmem:s8+$0xD3E0];
	v40 =	vadd.f32 v40, v36;
	v42 =	vmul.f32 v59, v33;
	v37 =	vadd.f32 v39, v37  }
0x172: {  	v60 =	vunpack.i.u.bf16.f32 v43;
	v62 =	vunpack.i.l.bf16.f32 v43;
	v61 =	vmul.f32 v41, v14;
	v36 =	vld [tilespmem:$0x80D0]  }
0x173: {  	v63 =	vld [tilespmem:s8+$0xD400];
	v38 =	vadd.f32 v38, v40;
	v39 =	vmul.f32 v60, v34;
	v42 =	vadd.f32 v42, v37  }
0x174: {  	v46 =	vunpack.i.u.bf16.f32 v44;
	v44 =	vunpack.i.l.bf16.f32 v44;
	v41 =	vmul.f32 v62, v15;
	v37 =	vld [tilespmem:$0x8110]  }
0x175: {  	v47 =	vld [tilespmem:s8+$0xD420];
	v46 =	vmul.f32 v46, v35;
	v40 =	vadd.f32 v61, v38;
	v39 =	vadd.f32 v39, v42  }
0x176: {  	v54 =	vunpack.i.l.bf16.f32 v45;
	v52 =	vunpack.i.u.bf16.f32 v45;
	v53 =	vmul.f32 v44, v16;
	v38 =	vld [tilespmem:$0x8150]  }
0x177: {  	v55 =	vld [tilespmem:s8+$0xD440];
	v40 =	vadd.f32 v41, v40;
	v42 =	vmul.f32 v52, v36;
	v46 =	vadd.f32 v46, v39  }
0x178: {  	v48 =	vunpack.i.u.bf16.f32 v63;
	v43 =	vunpack.i.l.bf16.f32 v63;
	v44 =	vmul.f32 v54, v17;
	v39 =	vld [tilespmem:$0x8190]  }
0x179: {  	v49 =	vld [tilespmem:s8+$0xD460];
	v41 =	vadd.f32 v53, v40;
	v48 =	vmul.f32 v48, v37;
	v42 =	vadd.f32 v42, v46  }
0x17a: {  	v43 =	vmul.f32 v43, v18;
	v56 =	vunpack.i.u.bf16.f32 v47;
	v47 =	vunpack.i.l.bf16.f32 v47;
	v40 =	vld [tilespmem:$0x81D0]  }
0x17b: {  	v44 =	vadd.f32 v44, v41;
	v46 =	vmul.f32 v56, v38;
	v42 =	vadd.f32 v48, v42  }
0x17c: {  	v57 =	vunpack.i.u.bf16.f32 v55;
	v45 =	vunpack.i.l.bf16.f32 v55;
	v58 =	vmul.f32 v47, v19;
	v41 =	vld [tilespmem:$0x81C0]  }
0x17d: {  	v43 =	vadd.f32 v43, v44;
	v59 =	vmul.f32 v57, v39;
	v42 =	vadd.f32 v46, v42  }
0x17e: {  	v60 =	vunpack.i.u.bf16.f32 v49;
	v61 =	vmul.f32 v45, v20  }
0x17f: {  	v62 =	vmul.f32 v60, v40;
	v43 =	vadd.f32 v58, v43;
	v42 =	vadd.f32 v59, v42  }
0x180: {  	v63 =	vunpack.i.l.bf16.f32 v49  }
0x181: {  	s29 =	simm.s32 $0xA00;
	s6 =	simm.s32 $0x12A10;
	s5 =	simm.s32 $0x12A10;
	v44 =	vmul.f32 v63, v41;
	v43 =	vadd.f32 v61, v43;
	v42 =	vadd.f32 v62, v42  }
.LBB2_11:
0x182: {  	p0 =	sne.s32 s29, $0x13600  }
0x183: {  	v43 =	vadd.f32 v44, v43;
	s5 =	sadd.s32 $0x40, s5;
	s3 =	smov.u32 s29;
	s29 =	sadd.s32 $0xA00, s29  }
0x184: {  	[tilespmem:s6+$0x0] =	vst v42  }
0x185: {  	s8 =	sshra.s32 s3, $0x2;
	[tilespmem:s6+$0xFFFFFFF0] =	vst v43;
	s6 =	smov.u32 s5  }
0x186: {  	v42 =	vld [tilespmem:s8+$0xD200]  }
0x187: {  	v43 =	vld [tilespmem:s8+$0xD220]  }
0x188: {  	v44 =	vld [tilespmem:s8+$0xD240];
	_ =	sdelay $0x1  }
0x189: {  	v45 =	vld [tilespmem:s8+$0xD260]  }
0x18a: {  	v46 =	vunpack.i.u.bf16.f32 v42;
	v42 =	vunpack.i.l.bf16.f32 v42  }
0x18b: {  	v42 =	vmul.f32 v42, v2;
	v46 =	vmul.f32 v46, v21;
	v47 =	vunpack.i.u.bf16.f32 v43;
	v48 =	vld [tilespmem:s8+$0xD280]  }
0x18c: {  	v43 =	vunpack.i.l.bf16.f32 v43;
	v47 =	vmul.f32 v47, v22;
	v49 =	vunpack.i.u.bf16.f32 v44  }
0x18d: {  	v43 =	vmul.f32 v43, v3;
	v44 =	vunpack.i.l.bf16.f32 v44;
	v49 =	vmul.f32 v49, v23;
	v50 =	vld [tilespmem:s8+$0xD2A0]  }
0x18e: {  	v46 =	vadd.f32 v47, v46;
	v47 =	vunpack.i.u.bf16.f32 v45;
	v45 =	vunpack.i.l.bf16.f32 v45  }
0x18f: {  	v42 =	vadd.f32 v43, v42;
	v43 =	vmul.f32 v44, v4;
	v44 =	vmul.f32 v47, v24;
	v47 =	vld [tilespmem:s8+$0xD2C0]  }
0x190: {  	v46 =	vadd.f32 v49, v46;
	v49 =	vunpack.i.u.bf16.f32 v48;
	v48 =	vunpack.i.l.bf16.f32 v48  }
0x191: {  	v42 =	vadd.f32 v43, v42;
	v43 =	vmul.f32 v45, v5;
	v45 =	vmul.f32 v49, v25;
	v49 =	vld [tilespmem:s8+$0xD2E0]  }
0x192: {  	v44 =	vadd.f32 v44, v46;
	v46 =	vunpack.i.u.bf16.f32 v50;
	v50 =	vunpack.i.l.bf16.f32 v50  }
0x193: {  	v42 =	vadd.f32 v43, v42;
	v43 =	vmul.f32 v48, v6;
	v46 =	vmul.f32 v46, v26;
	v48 =	vld [tilespmem:s8+$0xD300]  }
0x194: {  	v44 =	vadd.f32 v45, v44;
	v45 =	vunpack.i.u.bf16.f32 v47;
	v47 =	vunpack.i.l.bf16.f32 v47  }
0x195: {  	v42 =	vadd.f32 v43, v42;
	v43 =	vmul.f32 v50, v7;
	v45 =	vmul.f32 v45, v27;
	v50 =	vld [tilespmem:s8+$0xD320]  }
0x196: {  	v44 =	vadd.f32 v46, v44;
	v46 =	vunpack.i.u.bf16.f32 v49;
	v49 =	vunpack.i.l.bf16.f32 v49  }
0x197: {  	v42 =	vadd.f32 v43, v42;
	v43 =	vmul.f32 v47, v8;
	v46 =	vmul.f32 v46, v28;
	v47 =	vld [tilespmem:s8+$0xD340]  }
0x198: {  	v44 =	vadd.f32 v45, v44;
	v45 =	vunpack.i.u.bf16.f32 v48;
	v48 =	vunpack.i.l.bf16.f32 v48  }
0x199: {  	v42 =	vadd.f32 v43, v42;
	v43 =	vmul.f32 v49, v9;
	v45 =	vmul.f32 v45, v29;
	v49 =	vld [tilespmem:s8+$0xD360]  }
0x19a: {  	v44 =	vadd.f32 v46, v44;
	v46 =	vunpack.i.u.bf16.f32 v50;
	v50 =	vunpack.i.l.bf16.f32 v50  }
0x19b: {  	v42 =	vadd.f32 v43, v42;
	v43 =	vmul.f32 v48, v10;
	v46 =	vmul.f32 v46, v30;
	v48 =	vld [tilespmem:s8+$0xD380]  }
0x19c: {  	v44 =	vadd.f32 v45, v44;
	v45 =	vunpack.i.u.bf16.f32 v47;
	v47 =	vunpack.i.l.bf16.f32 v47  }
0x19d: {  	v42 =	vadd.f32 v43, v42;
	v43 =	vmul.f32 v50, v11;
	v45 =	vmul.f32 v45, v31;
	v50 =	vld [tilespmem:s8+$0xD3A0]  }
0x19e: {  	v44 =	vadd.f32 v46, v44;
	v46 =	vunpack.i.u.bf16.f32 v49;
	v49 =	vunpack.i.l.bf16.f32 v49  }
0x19f: {  	v42 =	vadd.f32 v43, v42;
	v43 =	vmul.f32 v47, v12;
	v46 =	vmul.f32 v46, v32;
	v47 =	vld [tilespmem:s8+$0xD3C0]  }
0x1a0: {  	v44 =	vadd.f32 v45, v44;
	v45 =	vunpack.i.u.bf16.f32 v48;
	v48 =	vunpack.i.l.bf16.f32 v48  }
0x1a1: {  	v42 =	vadd.f32 v43, v42;
	v43 =	vmul.f32 v49, v13;
	v45 =	vmul.f32 v45, v33;
	v49 =	vld [tilespmem:s8+$0xD3E0]  }
0x1a2: {  	v44 =	vadd.f32 v46, v44;
	v46 =	vunpack.i.u.bf16.f32 v50;
	v50 =	vunpack.i.l.bf16.f32 v50  }
0x1a3: {  	v42 =	vadd.f32 v43, v42;
	v43 =	vmul.f32 v48, v14;
	v46 =	vmul.f32 v46, v34;
	v48 =	vld [tilespmem:s8+$0xD400]  }
0x1a4: {  	v44 =	vadd.f32 v45, v44;
	v45 =	vunpack.i.u.bf16.f32 v47;
	v47 =	vunpack.i.l.bf16.f32 v47  }
0x1a5: {  	v42 =	vadd.f32 v43, v42;
	v43 =	vmul.f32 v50, v15;
	v45 =	vmul.f32 v45, v35;
	v50 =	vld [tilespmem:s8+$0xD420]  }
0x1a6: {  	v44 =	vadd.f32 v46, v44;
	v46 =	vunpack.i.u.bf16.f32 v49;
	v49 =	vunpack.i.l.bf16.f32 v49  }
0x1a7: {  	v42 =	vadd.f32 v43, v42;
	v43 =	vmul.f32 v47, v16;
	v46 =	vmul.f32 v46, v36;
	v47 =	vld [tilespmem:s8+$0xD440]  }
0x1a8: {  	v44 =	vadd.f32 v45, v44;
	v45 =	vunpack.i.u.bf16.f32 v48;
	v48 =	vunpack.i.l.bf16.f32 v48  }
0x1a9: {  	v42 =	vadd.f32 v43, v42;
	v43 =	vmul.f32 v49, v17;
	v45 =	vmul.f32 v45, v37;
	v49 =	vld [tilespmem:s8+$0xD460]  }
0x1aa: {  	v44 =	vadd.f32 v46, v44;
	v46 =	vunpack.i.u.bf16.f32 v50;
	v50 =	vunpack.i.l.bf16.f32 v50  }
0x1ab: {  	v42 =	vadd.f32 v43, v42;
	v43 =	vmul.f32 v48, v18;
	v46 =	vmul.f32 v46, v38  }
0x1ac: {  	v44 =	vadd.f32 v45, v44;
	v45 =	vunpack.i.u.bf16.f32 v47;
	v47 =	vunpack.i.l.bf16.f32 v47  }
0x1ad: {  	v42 =	vadd.f32 v43, v42;
	v43 =	vmul.f32 v50, v19;
	v45 =	vmul.f32 v45, v39  }
.Ltmp7:
0x1ae: {  	v44 =	vadd.f32 v46, v44;
	v46 =	vunpack.i.u.bf16.f32 v49;
	v48 =	vunpack.i.l.bf16.f32 v49;
	(pc) =	sbr.rel @p0 .LBB2_11-.Ltmp7, $4  }
0x1af: {  	v42 =	vadd.f32 v43, v42;
	v43 =	vmul.f32 v47, v20;
	v46 =	vmul.f32 v46, v40  }
0x1b0: {  	v45 =	vadd.f32 v45, v44  }
0x1b1: {  	v43 =	vadd.f32 v43, v42;
	v44 =	vmul.f32 v48, v41  }
0x1b2: {  	v42 =	vadd.f32 v46, v45  }
0x1b3: {  	v2 =	vadd.f32 v44, v43  }
0x1b4: {  	[tilespmem:s6+$0x0] =	vst v42  }
0x1b5: {  	[tilespmem:s6+$0xFFFFFFF0] =	vst v2  }
0x1b6: {  	v2 =	vld [tilespmem:$0x7D20]  }
0x1b7: {  	v3 =	vld [tilespmem:$0x7D60]  }
0x1b8: {  	v4 =	vld [tilespmem:$0x7DA0]  }
0x1b9: {  	v5 =	vld [tilespmem:$0x7DE0]  }
0x1ba: {  	v6 =	vld [tilespmem:$0x7E20]  }
0x1bb: {  	v7 =	vld [tilespmem:$0x7E60]  }
0x1bc: {  	v8 =	vld [tilespmem:$0x7EA0]  }
0x1bd: {  	v9 =	vld [tilespmem:$0x7EE0]  }
0x1be: {  	v10 =	vld [tilespmem:$0x7F20]  }
0x1bf: {  	v11 =	vld [tilespmem:$0x7F60]  }
0x1c0: {  	v12 =	vld [tilespmem:$0x7FA0]  }
0x1c1: {  	v13 =	vld [tilespmem:$0x7FE0]  }
0x1c2: {  	v14 =	vld [tilespmem:$0x8020]  }
0x1c3: {  	v15 =	vld [tilespmem:$0x8060]  }
0x1c4: {  	v16 =	vld [tilespmem:$0x80A0]  }
0x1c5: {  	v17 =	vld [tilespmem:$0x80E0]  }
0x1c6: {  	v18 =	vld [tilespmem:$0x8120]  }
0x1c7: {  	v19 =	vld [tilespmem:$0x8160]  }
0x1c8: {  	v20 =	vld [tilespmem:$0x81A0]  }
0x1c9: {  	s5 =	simm.s32 $0x0;
	v21 =	vld [tilespmem:$0x7D30]  }
0x1ca: {  	v25 =	vld [tilespmem:s5+$0xD210]  }
0x1cb: {  	v26 =	vld [tilespmem:s5+$0xD230]  }
0x1cc: {  	v22 =	vld [tilespmem:$0x7D70]  }
0x1cd: {  	v27 =	vld [tilespmem:s5+$0xD250]  }
0x1ce: {  	v23 =	vld [tilespmem:$0x7DB0]  }
0x1cf: {  	v28 =	vld [tilespmem:s5+$0xD270]  }
0x1d0: {  	v24 =	vld [tilespmem:$0x7DF0];
	v29 =	vunpack.i.u.bf16.f32 v25;
	v30 =	vunpack.i.l.bf16.f32 v25;
	v25 =	vunpack.i.u.bf16.f32 v26  }
0x1d1: {  	v31 =	vld [tilespmem:s5+$0xD290];
	v26 =	vunpack.i.l.bf16.f32 v26;
	v29 =	vmul.f32 v29, v21;
	v32 =	vmul.f32 v25, v22  }
0x1d2: {  	v33 =	vunpack.i.u.bf16.f32 v27;
	v27 =	vunpack.i.l.bf16.f32 v27;
	v25 =	vld [tilespmem:$0x7E30];
	v30 =	vmul.f32 v30, v2  }
0x1d3: {  	v35 =	vld [tilespmem:s5+$0xD2B0];
	v34 =	vmul.f32 v26, v3;
	v33 =	vmul.f32 v33, v23;
	v29 =	vadd.f32 v32, v29  }
0x1d4: {  	v40 =	vunpack.i.u.bf16.f32 v28;
	v28 =	vunpack.i.l.bf16.f32 v28;
	v26 =	vld [tilespmem:$0x7E70];
	v41 =	vmul.f32 v27, v4  }
0x1d5: {  	v36 =	vld [tilespmem:s5+$0xD2D0];
	v30 =	vadd.f32 v34, v30;
	v32 =	vmul.f32 v40, v24;
	v29 =	vadd.f32 v33, v29  }
0x1d6: {  	v42 =	vunpack.i.u.bf16.f32 v31;
	v31 =	vunpack.i.l.bf16.f32 v31;
	v27 =	vld [tilespmem:$0x7EB0];
	v43 =	vmul.f32 v28, v5  }
0x1d7: {  	v37 =	vld [tilespmem:s5+$0xD2F0];
	v30 =	vadd.f32 v41, v30;
	v33 =	vmul.f32 v42, v25;
	v29 =	vadd.f32 v32, v29  }
0x1d8: {  	v44 =	vunpack.i.u.bf16.f32 v35;
	v45 =	vunpack.i.l.bf16.f32 v35;
	v28 =	vld [tilespmem:$0x7EF0];
	v31 =	vmul.f32 v31, v6  }
0x1d9: {  	v46 =	vld [tilespmem:s5+$0xD310];
	v30 =	vadd.f32 v43, v30;
	v32 =	vmul.f32 v44, v26;
	v33 =	vadd.f32 v33, v29  }
0x1da: {  	v38 =	vunpack.i.u.bf16.f32 v36;
	v36 =	vunpack.i.l.bf16.f32 v36;
	v34 =	vmul.f32 v45, v7;
	v29 =	vld [tilespmem:$0x7F30]  }
0x1db: {  	v39 =	vld [tilespmem:s5+$0xD330];
	v38 =	vmul.f32 v38, v27;
	v31 =	vadd.f32 v31, v30;
	v32 =	vadd.f32 v32, v33  }
0x1dc: {  	v47 =	vunpack.i.u.bf16.f32 v37;
	v37 =	vunpack.i.l.bf16.f32 v37;
	v36 =	vmul.f32 v36, v8;
	v30 =	vld [tilespmem:$0x7F70]  }
0x1dd: {  	v40 =	vld [tilespmem:s5+$0xD350];
	v34 =	vadd.f32 v34, v31;
	v33 =	vmul.f32 v47, v28;
	v32 =	vadd.f32 v38, v32  }
0x1de: {  	v48 =	vunpack.i.u.bf16.f32 v46;
	v35 =	vunpack.i.l.bf16.f32 v46;
	v49 =	vmul.f32 v37, v9;
	v31 =	vld [tilespmem:$0x7FB0]  }
0x1df: {  	v51 =	vld [tilespmem:s5+$0xD370];
	v34 =	vadd.f32 v36, v34;
	v50 =	vmul.f32 v48, v29;
	v33 =	vadd.f32 v33, v32  }
0x1e0: {  	v52 =	vunpack.i.l.bf16.f32 v39;
	v35 =	vmul.f32 v35, v10;
	v41 =	vunpack.i.u.bf16.f32 v39;
	v32 =	vld [tilespmem:$0x7FF0]  }
0x1e1: {  	v54 =	vld [tilespmem:s5+$0xD390];
	v53 =	vmul.f32 v41, v30;
	v34 =	vadd.f32 v49, v34;
	v37 =	vadd.f32 v50, v33  }
0x1e2: {  	v55 =	vunpack.i.u.bf16.f32 v40;
	v40 =	vunpack.i.l.bf16.f32 v40;
	v36 =	vmul.f32 v52, v11;
	v33 =	vld [tilespmem:$0x8030]  }
0x1e3: {  	v56 =	vld [tilespmem:s5+$0xD3B0];
	v42 =	vmul.f32 v55, v31;
	v35 =	vadd.f32 v35, v34;
	v37 =	vadd.f32 v53, v37  }
0x1e4: {  	v57 =	vunpack.i.u.bf16.f32 v51;
	v40 =	vmul.f32 v40, v12;
	v38 =	vunpack.i.l.bf16.f32 v51;
	v34 =	vld [tilespmem:$0x8070]  }
0x1e5: {  	v58 =	vld [tilespmem:s5+$0xD3D0];
	v36 =	vadd.f32 v36, v35;
	v39 =	vmul.f32 v57, v32;
	v37 =	vadd.f32 v42, v37  }
0x1e6: {  	v59 =	vunpack.i.u.bf16.f32 v54;
	v38 =	vmul.f32 v38, v13;
	v41 =	vunpack.i.l.bf16.f32 v54;
	v35 =	vld [tilespmem:$0x80B0]  }
0x1e7: {  	v45 =	vld [tilespmem:s5+$0xD3F0];
	v40 =	vadd.f32 v40, v36;
	v42 =	vmul.f32 v59, v33;
	v37 =	vadd.f32 v39, v37  }
0x1e8: {  	v60 =	vunpack.i.u.bf16.f32 v56;
	v62 =	vunpack.i.l.bf16.f32 v56;
	v61 =	vmul.f32 v41, v14;
	v36 =	vld [tilespmem:$0x80F0]  }
0x1e9: {  	v63 =	vld [tilespmem:s5+$0xD410];
	v38 =	vadd.f32 v38, v40;
	v39 =	vmul.f32 v60, v34;
	v42 =	vadd.f32 v42, v37  }
0x1ea: {  	v46 =	vunpack.i.u.bf16.f32 v58;
	v44 =	vunpack.i.l.bf16.f32 v58;
	v41 =	vmul.f32 v62, v15;
	v37 =	vld [tilespmem:$0x8130]  }
0x1eb: {  	v47 =	vld [tilespmem:s5+$0xD430];
	v46 =	vmul.f32 v46, v35;
	v40 =	vadd.f32 v61, v38;
	v39 =	vadd.f32 v39, v42  }
0x1ec: {  	v52 =	vunpack.i.u.bf16.f32 v45;
	v54 =	vunpack.i.l.bf16.f32 v45;
	v53 =	vmul.f32 v44, v16;
	v38 =	vld [tilespmem:$0x8170]  }
0x1ed: {  	v55 =	vld [tilespmem:s5+$0xD450];
	v40 =	vadd.f32 v41, v40;
	v42 =	vmul.f32 v52, v36;
	v46 =	vadd.f32 v46, v39  }
0x1ee: {  	v43 =	vunpack.i.l.bf16.f32 v63;
	v48 =	vunpack.i.u.bf16.f32 v63;
	v44 =	vmul.f32 v54, v17;
	v39 =	vld [tilespmem:$0x81B0]  }
0x1ef: {  	v49 =	vld [tilespmem:s5+$0xD470];
	v41 =	vadd.f32 v53, v40;
	v48 =	vmul.f32 v48, v37;
	v42 =	vadd.f32 v42, v46  }
0x1f0: {  	v43 =	vmul.f32 v43, v18;
	v56 =	vunpack.i.u.bf16.f32 v47;
	v47 =	vunpack.i.l.bf16.f32 v47;
	v40 =	vld [tilespmem:$0x81F0]  }
0x1f1: {  	v44 =	vadd.f32 v44, v41;
	v46 =	vmul.f32 v56, v38;
	v42 =	vadd.f32 v48, v42  }
0x1f2: {  	v58 =	vmul.f32 v47, v19;
	v57 =	vunpack.i.u.bf16.f32 v55;
	v45 =	vunpack.i.l.bf16.f32 v55;
	v41 =	vld [tilespmem:$0x81E0]  }
0x1f3: {  	v43 =	vadd.f32 v43, v44;
	v59 =	vmul.f32 v57, v39;
	v42 =	vadd.f32 v46, v42  }
0x1f4: {  	v60 =	vunpack.i.u.bf16.f32 v49;
	v61 =	vmul.f32 v45, v20  }
0x1f5: {  	v62 =	vmul.f32 v60, v40;
	v43 =	vadd.f32 v58, v43;
	v42 =	vadd.f32 v59, v42  }
0x1f6: {  	v63 =	vunpack.i.l.bf16.f32 v49  }
0x1f7: {  	s29 =	simm.s32 $0xA00;
	s6 =	simm.s32 $0x12A30;
	s5 =	simm.s32 $0x12A30;
	v44 =	vmul.f32 v63, v41;
	v43 =	vadd.f32 v61, v43;
	v42 =	vadd.f32 v62, v42  }
.LBB2_13:
0x1f8: {  	p0 =	sne.s32 s29, $0x13600  }
0x1f9: {  	v43 =	vadd.f32 v44, v43;
	s5 =	sadd.s32 $0x40, s5;
	s3 =	smov.u32 s29;
	s29 =	sadd.s32 $0xA00, s29  }
0x1fa: {  	[tilespmem:s6+$0x0] =	vst v42  }
0x1fb: {  	s8 =	sshra.s32 s3, $0x2;
	[tilespmem:s6+$0xFFFFFFF0] =	vst v43;
	s6 =	smov.u32 s5  }
0x1fc: {  	v42 =	vld [tilespmem:s8+$0xD210]  }
0x1fd: {  	v43 =	vld [tilespmem:s8+$0xD230]  }
0x1fe: {  	v44 =	vld [tilespmem:s8+$0xD250];
	_ =	sdelay $0x1  }
0x1ff: {  	v45 =	vld [tilespmem:s8+$0xD270]  }
0x200: {  	v46 =	vunpack.i.u.bf16.f32 v42;
	v42 =	vunpack.i.l.bf16.f32 v42  }
0x201: {  	v42 =	vmul.f32 v42, v2;
	v46 =	vmul.f32 v46, v21;
	v47 =	vunpack.i.u.bf16.f32 v43;
	v48 =	vld [tilespmem:s8+$0xD290]  }
0x202: {  	v43 =	vunpack.i.l.bf16.f32 v43;
	v47 =	vmul.f32 v47, v22;
	v49 =	vunpack.i.u.bf16.f32 v44  }
0x203: {  	v43 =	vmul.f32 v43, v3;
	v44 =	vunpack.i.l.bf16.f32 v44;
	v49 =	vmul.f32 v49, v23;
	v50 =	vld [tilespmem:s8+$0xD2B0]  }
0x204: {  	v46 =	vadd.f32 v47, v46;
	v47 =	vunpack.i.u.bf16.f32 v45;
	v45 =	vunpack.i.l.bf16.f32 v45  }
0x205: {  	v42 =	vadd.f32 v43, v42;
	v43 =	vmul.f32 v44, v4;
	v44 =	vmul.f32 v47, v24;
	v47 =	vld [tilespmem:s8+$0xD2D0]  }
0x206: {  	v46 =	vadd.f32 v49, v46;
	v49 =	vunpack.i.u.bf16.f32 v48;
	v48 =	vunpack.i.l.bf16.f32 v48  }
0x207: {  	v42 =	vadd.f32 v43, v42;
	v43 =	vmul.f32 v45, v5;
	v45 =	vmul.f32 v49, v25;
	v49 =	vld [tilespmem:s8+$0xD2F0]  }
0x208: {  	v44 =	vadd.f32 v44, v46;
	v46 =	vunpack.i.u.bf16.f32 v50;
	v50 =	vunpack.i.l.bf16.f32 v50  }
0x209: {  	v42 =	vadd.f32 v43, v42;
	v43 =	vmul.f32 v48, v6;
	v46 =	vmul.f32 v46, v26;
	v48 =	vld [tilespmem:s8+$0xD310]  }
0x20a: {  	v44 =	vadd.f32 v45, v44;
	v45 =	vunpack.i.u.bf16.f32 v47;
	v47 =	vunpack.i.l.bf16.f32 v47  }
0x20b: {  	v42 =	vadd.f32 v43, v42;
	v43 =	vmul.f32 v50, v7;
	v45 =	vmul.f32 v45, v27;
	v50 =	vld [tilespmem:s8+$0xD330]  }
0x20c: {  	v44 =	vadd.f32 v46, v44;
	v46 =	vunpack.i.u.bf16.f32 v49;
	v49 =	vunpack.i.l.bf16.f32 v49  }
0x20d: {  	v42 =	vadd.f32 v43, v42;
	v43 =	vmul.f32 v47, v8;
	v46 =	vmul.f32 v46, v28;
	v47 =	vld [tilespmem:s8+$0xD350]  }
0x20e: {  	v44 =	vadd.f32 v45, v44;
	v45 =	vunpack.i.u.bf16.f32 v48;
	v48 =	vunpack.i.l.bf16.f32 v48  }
0x20f: {  	v42 =	vadd.f32 v43, v42;
	v43 =	vmul.f32 v49, v9;
	v45 =	vmul.f32 v45, v29;
	v49 =	vld [tilespmem:s8+$0xD370]  }
0x210: {  	v44 =	vadd.f32 v46, v44;
	v46 =	vunpack.i.u.bf16.f32 v50;
	v50 =	vunpack.i.l.bf16.f32 v50  }
0x211: {  	v42 =	vadd.f32 v43, v42;
	v43 =	vmul.f32 v48, v10;
	v46 =	vmul.f32 v46, v30;
	v48 =	vld [tilespmem:s8+$0xD390]  }
0x212: {  	v44 =	vadd.f32 v45, v44;
	v45 =	vunpack.i.u.bf16.f32 v47;
	v47 =	vunpack.i.l.bf16.f32 v47  }
0x213: {  	v42 =	vadd.f32 v43, v42;
	v43 =	vmul.f32 v50, v11;
	v45 =	vmul.f32 v45, v31;
	v50 =	vld [tilespmem:s8+$0xD3B0]  }
0x214: {  	v44 =	vadd.f32 v46, v44;
	v46 =	vunpack.i.u.bf16.f32 v49;
	v49 =	vunpack.i.l.bf16.f32 v49  }
0x215: {  	v42 =	vadd.f32 v43, v42;
	v43 =	vmul.f32 v47, v12;
	v46 =	vmul.f32 v46, v32;
	v47 =	vld [tilespmem:s8+$0xD3D0]  }
0x216: {  	v44 =	vadd.f32 v45, v44;
	v45 =	vunpack.i.u.bf16.f32 v48;
	v48 =	vunpack.i.l.bf16.f32 v48  }
0x217: {  	v42 =	vadd.f32 v43, v42;
	v43 =	vmul.f32 v49, v13;
	v45 =	vmul.f32 v45, v33;
	v49 =	vld [tilespmem:s8+$0xD3F0]  }
0x218: {  	v44 =	vadd.f32 v46, v44;
	v46 =	vunpack.i.u.bf16.f32 v50;
	v50 =	vunpack.i.l.bf16.f32 v50  }
0x219: {  	v42 =	vadd.f32 v43, v42;
	v43 =	vmul.f32 v48, v14;
	v46 =	vmul.f32 v46, v34;
	v48 =	vld [tilespmem:s8+$0xD410]  }
0x21a: {  	v44 =	vadd.f32 v45, v44;
	v45 =	vunpack.i.u.bf16.f32 v47;
	v47 =	vunpack.i.l.bf16.f32 v47  }
0x21b: {  	v42 =	vadd.f32 v43, v42;
	v43 =	vmul.f32 v50, v15;
	v45 =	vmul.f32 v45, v35;
	v50 =	vld [tilespmem:s8+$0xD430]  }
0x21c: {  	v44 =	vadd.f32 v46, v44;
	v46 =	vunpack.i.u.bf16.f32 v49;
	v49 =	vunpack.i.l.bf16.f32 v49  }
0x21d: {  	v42 =	vadd.f32 v43, v42;
	v43 =	vmul.f32 v47, v16;
	v46 =	vmul.f32 v46, v36;
	v47 =	vld [tilespmem:s8+$0xD450]  }
0x21e: {  	v44 =	vadd.f32 v45, v44;
	v45 =	vunpack.i.u.bf16.f32 v48;
	v48 =	vunpack.i.l.bf16.f32 v48  }
0x21f: {  	v42 =	vadd.f32 v43, v42;
	v43 =	vmul.f32 v49, v17;
	v45 =	vmul.f32 v45, v37;
	v49 =	vld [tilespmem:s8+$0xD470]  }
0x220: {  	v44 =	vadd.f32 v46, v44;
	v46 =	vunpack.i.u.bf16.f32 v50;
	v50 =	vunpack.i.l.bf16.f32 v50  }
0x221: {  	v42 =	vadd.f32 v43, v42;
	v43 =	vmul.f32 v48, v18;
	v46 =	vmul.f32 v46, v38  }
0x222: {  	v44 =	vadd.f32 v45, v44;
	v45 =	vunpack.i.u.bf16.f32 v47;
	v47 =	vunpack.i.l.bf16.f32 v47  }
0x223: {  	v42 =	vadd.f32 v43, v42;
	v43 =	vmul.f32 v50, v19;
	v45 =	vmul.f32 v45, v39  }
.Ltmp8:
0x224: {  	v44 =	vadd.f32 v46, v44;
	v46 =	vunpack.i.u.bf16.f32 v49;
	v48 =	vunpack.i.l.bf16.f32 v49;
	(pc) =	sbr.rel @p0 .LBB2_13-.Ltmp8, $4  }
0x225: {  	v42 =	vadd.f32 v43, v42;
	v43 =	vmul.f32 v47, v20;
	v46 =	vmul.f32 v46, v40  }
0x226: {  	v45 =	vadd.f32 v45, v44  }
0x227: {  	v43 =	vadd.f32 v43, v42;
	v44 =	vmul.f32 v48, v41  }
0x228: {  	v42 =	vadd.f32 v46, v45  }
0x229: {  	p0 =	seq.s32 s26, $0x18  }
.Ltmp9:
0x22a: {  	_ = 	snop;
	(pc) =	sbr.rel @p0 .LBB2_16-.Ltmp9, $4  }
0x22b: {  	v2 =	vadd.f32 v44, v43  }
0x22c: {  	[tilespmem:s6+$0x0] =	vst v42  }
0x22d: {  	[tilespmem:s6+$0xFFFFFFF0] =	vst v2  }
0x22e: {  	[hbm4b:s2+s1] =	stream.indirect.scatter [tilespmem:s20], [sflag:$0x4], $0x40, s18, s1, $0xb8;
	[tilespmem:$0x13240] =	vst v63  }
0x22f: {  	s3 =	smul.u32 $0x1400, s26;
	_ =	sdelay $0x1  }
0x230: {  	s3 =	sshra.s32 s3, $0x2  }
0x231: {  	s5 =	sadd.s32 $0x780, s3  }
0x232: {  	[tilespmem:s21], [sflag:$0x2] =	stream.indirect.gather [hbm4b:s4+s11], $0x20, s5, s11, $0xb8;
	[tilespmem:$0x13240] =	vst v63  }
0x233: {  	s6 =	sadd.s32 $0x800, s3  }
0x234: {  	[tilespmem:s23], [sflag:$0x2] =	stream.indirect.gather [hbm4b:s4+s11], $0x20, s6, s11, $0xb8;
	[tilespmem:$0x13240] =	vst v63  }
0x235: {  	s8 =	sadd.s32 $0x880, s3  }
0x236: {  	[tilespmem:s25], [sflag:$0x2] =	stream.indirect.gather [hbm4b:s4+s11], $0x20, s8, s11, $0xb8;
	[tilespmem:$0x13240] =	vst v63  }
.Ltmp10:
0x237: {  	_ = 	snop;
	(pc) =	sbr.rel .LBB2_2-.Ltmp10, $4  }
0x238: {  	s29 =	sadd.s32 $0x900, s3  }
0x239: {  	[tilespmem:s28], [sflag:$0x2] =	stream.indirect.gather [hbm4b:s4+s11], $0x20, s29, s11, $0xb8;
	[tilespmem:$0x13240] =	vst v63  }
0x23a: {  	s26 =	sadd.s32 $0x1, s26;
	s3 =	sadd.s32 $0x980, s3  }
0x23b: {  	[tilespmem:s30], [sflag:$0x2] =	stream.indirect.gather [hbm4b:s4+s11], $0x20, s3, s11, $0xb8;
	[tilespmem:$0x13240] =	vst v63  }
.LBB2_17:
0x23c: {  	_ =	sfence.sel $0x180000  }
0x23d: {  	[bflag:$0x0] =	sbarrier.arrive $0xFFFF  }
0x23e: {  	_ =	strace $0x90000047  }
0x23f: {  	s0 =	stileid.u32;
	[bflag:$0x2] =	sbarrier.arrive $0xFFFF  }
0x240: {  	p0 =	sne.s32 s0, $0x0;
	s0 =	rddreg [dreg:$0x2]  }
0x241: {  	s0 =	sadd.s32 @!p0 $0x100000, s0  }
0x242: {  	[sflag:s0] =	ssyncadd.tile.s32 @!p0 $0x1;
	_ =	shalt  }
.Lfunc_end2:
_tile_overlayer_lowered:
.L_overlay_start_2:
0x243: {  	(tag) =	ssettag $0x2  }
0x244: {  	s0 =	rddreg [dreg:$0x0];
	s2 =	stileid.u32  }
0x245: {  	s1 =	rddreg [dreg:$0x1];
	p0 =	sne.s32 s2, $0x0  }
0x246: {  	s3 =	rddreg [dreg:$0x2];
	[bflag:$0x3] =	sbarrier.arrive $0xFFFF;
	s2 =	simm.s32 @!p0 $0x1C05  }
0x247: {  	[timem:s3], [sflag:s2] =	dma.local @!p0 [hbm:s0], s1  }
0x248: {  	s0 =	simm.s32 @!p0 $0x5  }
0x249: {  	_ =	swait.ge @!p0 [sflag:s0], s1  }
0x24a: {  	s1 =	ssub.s32 @!p0 $0x0, s1;
	[sflag:s0] =	ssyncset.done @!p0 $0x0  }
0x24b: {  	[sflag:s0] =	ssyncadd.s32 @!p0 s1  }
0x24c: {  	[bflag:$0x3] =	sbarrier.arrive $0xFFFF  }
0x24d: {  	_ =	shalt  }

</sc_bundles>
